<compile_context>
chip_gen: v7x
topology: tpu7x:2x2x1
jax: 0.10.2.dev20260603
libtpu: 0.0.44.dev20260713+nightly
codegen_flags: <defaults>
</compile_context>

<pallas_src>
import functools
import jax
import jax.numpy as jnp
from jax import lax
from jax.experimental import pallas as pl
from jax.experimental.pallas import tpu as pltpu
from jax.experimental.pallas import tpu_sc as plsc

T = 2048
D = 1024
H = 16
KVH = 4
HD = 64
E = 8
TOPK = 2
I = 768
THETA = 1000000.0
EPS = 1e-6

BT = 256
BK = 512
EPAD = 128
NEG = jnp.finfo(jnp.float32).min


def _norm_rope(xall, nheads, cs64, sn64s, wn_tiled):
    w = nheads * HD
    hm = (jax.lax.broadcasted_iota(jnp.int32, (w, nheads), 0) // HD
          == jax.lax.broadcasted_iota(jnp.int32, (w, nheads), 1)).astype(jnp.float32)
    hmt = (jax.lax.broadcasted_iota(jnp.int32, (nheads, w), 0)
           == jax.lax.broadcasted_iota(jnp.int32, (nheads, w), 1) // HD).astype(jnp.float32)
    ssq = jnp.dot(xall * xall, hm, preferred_element_type=jnp.float32)
    invn = jax.lax.rsqrt(ssq * (1.0 / HD) + EPS)
    invb = jnp.dot(invn, hmt, preferred_element_type=jnp.float32)
    xn = xall * invb * wn_tiled
    lane = jax.lax.broadcasted_iota(jnp.int32, (BT, w), 1)
    first_half = (lane % HD) < (HD // 2)
    rot = jnp.where(first_half,
                    pltpu.roll(xn, w - HD // 2, axis=1),
                    pltpu.roll(xn, HD // 2, axis=1))
    csf = jnp.concatenate([cs64] * nheads, axis=1)
    snf = jnp.concatenate([sn64s] * nheads, axis=1)
    return xn * csf + rot * snf


def _pre_kernel(pos_ref, x_ref, w_ref, ln1_ref, qn_ref, kn_ref, q_ref, k_ref, v_ref):
    x = x_ref[...]
    h = x * jax.lax.rsqrt(jnp.mean(x * x, axis=-1, keepdims=True) + EPS) * ln1_ref[...]
    qkv = jnp.dot(h.astype(jnp.bfloat16), w_ref[...], preferred_element_type=jnp.float32)
    pos = pos_ref[...].astype(jnp.float32)
    half_iota = jax.lax.broadcasted_iota(jnp.int32, (1, HD // 2), 1).astype(jnp.float32)
    inv_freq = jnp.exp(half_iota * (-2.0 / HD) * jnp.log(THETA))
    freqs = pos * inv_freq
    cs = jnp.cos(freqs)
    sn = jnp.sin(freqs)
    cs64 = jnp.concatenate([cs, cs], axis=1)
    sn64s = jnp.concatenate([-sn, sn], axis=1)
    q_rope = _norm_rope(qkv[:, :H * HD], H, cs64, sn64s, qn_ref[...]).astype(jnp.bfloat16)
    k_rope = _norm_rope(qkv[:, H * HD:(H + KVH) * HD], KVH, cs64, sn64s,
                        kn_ref[...]).astype(jnp.bfloat16)
    for hh in range(H):
        q_ref[hh] = q_rope[:, hh * HD:(hh + 1) * HD]
    for hh in range(KVH):
        k_ref[hh] = k_rope[:, hh * HD:(hh + 1) * HD]
        v_ref[hh] = qkv[:, (H + KVH) * HD + hh * HD:
                        (H + KVH) * HD + (hh + 1) * HD].astype(jnp.bfloat16)


REP = H // KVH


def _flash_kernel(q_ref, k_ref, v_ref, o_ref):
    tq = pl.program_id(1)
    qs = [q_ref[i] * jnp.bfloat16(HD ** -0.5) for i in range(REP)]

    def chunk(j, ms, ls, accs, masked):
        k = k_ref[0, pl.ds(j * BK, BK), :]
        v = v_ref[0, pl.ds(j * BK, BK), :]
        if masked:
            rows = tq * BT + jax.lax.broadcasted_iota(jnp.int32, (BT, BK), 0)
            cols = j * BK + jax.lax.broadcasted_iota(jnp.int32, (BT, BK), 1)
            keep = rows >= cols
        nms, nls, naccs = [], [], []
        for i in range(REP):
            s = jax.lax.dot_general(qs[i], k, (((1,), (1,)), ((), ())),
                                    preferred_element_type=jnp.float32)
            if masked:
                s = jnp.where(keep, s, NEG)
            m_new = jnp.maximum(ms[i], jnp.max(s, axis=-1, keepdims=True))
            p = jnp.exp(s - m_new)
            alpha = jnp.exp(ms[i] - m_new)
            nls.append(ls[i] * alpha + jnp.sum(p, axis=-1, keepdims=True))
            naccs.append(accs[i] * alpha
                         + jnp.dot(p.astype(jnp.bfloat16), v,
                                   preferred_element_type=jnp.float32))
            nms.append(m_new)
        return nms, nls, naccs

    m0 = [jnp.full((BT, 1), NEG, jnp.float32)] * REP
    l0 = [jnp.zeros((BT, 1), jnp.float32)] * REP
    a0 = [jnp.zeros((BT, HD), jnp.float32)] * REP
    nfull = (tq * BT) // BK
    ms, ls, accs = jax.lax.fori_loop(
        0, nfull, lambda j, c: chunk(j, *c, masked=False), (m0, l0, a0))
    ms, ls, accs = chunk(nfull, ms, ls, accs, masked=True)
    for i in range(REP):
        o_ref[i] = (accs[i] / ls[i]).astype(jnp.bfloat16)


def _post_kernel(o_ref, res_ref, wo_ref, ln2_ref, gate_ref, h1_ref, h2_ref, w_ref):
    o_all = jnp.concatenate([o_ref[hh] for hh in range(H)], axis=1)
    attn = jnp.dot(o_all, wo_ref[...], preferred_element_type=jnp.float32)
    h1 = res_ref[...] + attn
    h1_ref[...] = h1
    h2 = h1 * jax.lax.rsqrt(jnp.mean(h1 * h1, axis=-1, keepdims=True) + EPS) * ln2_ref[...]
    h2_ref[...] = h2
    logits = jnp.dot(h2, gate_ref[...], preferred_element_type=jnp.float32)
    col = jax.lax.broadcasted_iota(jnp.int32, (BT, EPAD), 1)
    valid = col < E
    lm = jnp.where(valid, logits, NEG)
    mx = jnp.max(lm, axis=-1, keepdims=True)
    p = jnp.where(valid, jnp.exp(lm - mx), 0.0)
    rw = p / jnp.sum(p, axis=-1, keepdims=True)
    m1 = jnp.max(rw, axis=-1, keepdims=True)
    i1 = jnp.min(jnp.where(rw == m1, col, EPAD), axis=-1, keepdims=True)
    f1 = col == i1
    rw2 = jnp.where(f1, -1.0, rw)
    m2 = jnp.max(rw2, axis=-1, keepdims=True)
    i2 = jnp.min(jnp.where(rw2 == m2, col, EPAD), axis=-1, keepdims=True)
    f2 = col == i2
    denom = m1 + m2
    w = (jnp.where(f1, m1, 0.0) + jnp.where(f2, m2, 0.0)) / denom
    w_ref[...] = w


BLKM = 256
P = 6144
NBLK = P // BLKM


def _sched_kernel(w_ref, dest_ref, w8_ref, be_ref, d0_ref, d1_ref):
    w = w_ref[...]
    maskf = (w > 0.0).astype(jnp.float32)
    ri = jax.lax.broadcasted_iota(jnp.int32, (BT, BT), 0)
    ci = jax.lax.broadcasted_iota(jnp.int32, (BT, BT), 1)
    lstrict = (ri > ci).astype(jnp.float32)
    base = jnp.zeros((1, EPAD), jnp.float32)
    ranks = []
    for c in range(T // BT):
        seg = maskf[c * BT:(c + 1) * BT]
        within = jnp.dot(lstrict, seg, preferred_element_type=jnp.float32)
        ranks.append(within + base)
        base = base + jnp.sum(seg, axis=0, keepdims=True)
    rank = jnp.concatenate(ranks, axis=0)
    counts = base
    pc = jnp.ceil(counts * (1.0 / BLKM)) * BLKM
    ri2 = jax.lax.broadcasted_iota(jnp.int32, (EPAD, EPAD), 0)
    ci2 = jax.lax.broadcasted_iota(jnp.int32, (EPAD, EPAD), 1)
    ustrict = (ri2 < ci2).astype(jnp.float32)
    starts = jnp.dot(pc, ustrict, preferred_element_type=jnp.float32)
    dest = starts + rank
    dest_ref[...] = dest.astype(jnp.int32)
    w8_ref[...] = w
    bvals = (jax.lax.broadcasted_iota(jnp.int32, (EPAD, EPAD), 0) * BLKM).astype(jnp.float32)
    m = (jnp.broadcast_to(starts, (EPAD, EPAD)) <= bvals).astype(jnp.float32)
    be = jnp.sum(m, axis=1, keepdims=True) - 1.0
    be_ref[...] = jnp.minimum(be, float(E - 1)).astype(jnp.int32)
    mask = w > 0.0
    big = float(P - 1)
    d0 = jnp.min(jnp.where(mask, dest, big), axis=1, keepdims=True)
    d1 = jnp.min(jnp.where(mask & (dest > d0), dest, big), axis=1, keepdims=True)
    d0_ref[...] = d0.astype(jnp.int32)
    d1_ref[...] = d1.astype(jnp.int32)


def _group_kernel(be_ref, xs_ref, wgu_ref, wd_ref, ww_ref, out_ref):
    x = xs_ref[...].astype(jnp.bfloat16)
    gu = jnp.dot(x, wgu_ref[0], preferred_element_type=jnp.float32)
    g = gu[:, :I]
    u = gu[:, I:]
    act = (g / (1.0 + jnp.exp(-g))) * u * ww_ref[...]
    out_ref[...] = jnp.dot(act.astype(jnp.bfloat16), wd_ref[0],
                           preferred_element_type=jnp.float32)


def _final_kernel(h1_ref, g0_ref, g1_ref, out_ref):
    out_ref[...] = h1_ref[...] + g0_ref[...] + g1_ref[...]


SC_NC = 2
SC_NS = 16
SC_NW = SC_NC * SC_NS
LANES = 16


@functools.cache
def _sc_dispatch():
    @functools.partial(
        pl.kernel,
        mesh=plsc.VectorSubcoreMesh(core_axis_name="c", subcore_axis_name="s"),
        compiler_params=pltpu.CompilerParams(needs_layout_passes=False),
        out_type=jax.ShapeDtypeStruct((P,), jnp.float32),
        scratch_types=[
            pltpu.VMEM((T * E,), jnp.int32),
            pltpu.VMEM((T * E,), jnp.float32),
            pltpu.VMEM((P,), jnp.float32),
        ],
    )
    def dispatch(dest_hbm, w8_hbm, ww_out, dest_v, wv_v, ww_v):
        cid = lax.axis_index("c")
        sid = lax.axis_index("s")

        @pl.when((cid == 0) & (sid == 0))
        def _():
            pltpu.sync_copy(dest_hbm, dest_v)
            pltpu.sync_copy(w8_hbm, wv_v)

            def init(i, carry):
                ww_v[pl.ds(i * LANES, LANES)] = jnp.zeros((LANES,), jnp.float32)
                return carry

            lax.fori_loop(0, P // LANES, init, 0)

            def body(i, carry):
                d = dest_v[pl.ds(i * LANES, LANES)]
                wv = wv_v[pl.ds(i * LANES, LANES)]
                m = wv > 0.0
                plsc.store_scatter(ww_v, [d], wv, mask=m)
                return carry

            lax.fori_loop(0, (T * E) // LANES, body, 0)
            pltpu.sync_copy(ww_v, ww_out)

    return dispatch


SCH = T // SC_NW


@functools.cache
def _sc_scatter_x():
    @functools.partial(
        pl.kernel,
        mesh=plsc.VectorSubcoreMesh(core_axis_name="c", subcore_axis_name="s"),
        compiler_params=pltpu.CompilerParams(needs_layout_passes=False),
        out_type=jax.ShapeDtypeStruct((P, D), jnp.float32),
        scratch_types=[
            pltpu.VMEM((SCH,), jnp.int32),
            pltpu.VMEM((SCH,), jnp.int32),
            pltpu.VMEM((SCH, D), jnp.float32),
            pltpu.SemaphoreType.DMA,
            pltpu.SemaphoreType.DMA,
        ],
    )
    def scatter_x(h2_hbm, d0_hbm, d1_hbm, xs_out, idx0, idx1, rows_v, s0, s1):
        wid = lax.axis_index("s") * SC_NC + lax.axis_index("c")
        base = wid * SCH
        pltpu.sync_copy(h2_hbm.at[pl.ds(base, SCH)], rows_v)
        pltpu.sync_copy(d0_hbm.at[pl.ds(base, SCH)], idx0)
        pltpu.sync_copy(d1_hbm.at[pl.ds(base, SCH)], idx1)
        c0 = pltpu.async_copy(rows_v, xs_out.at[idx0], s0)
        c1 = pltpu.async_copy(rows_v, xs_out.at[idx1], s1)
        c0.wait()
        c1.wait()

    return scatter_x


CCH = 32


@functools.cache
def _sc_combine_gather():
    @functools.partial(
        pl.kernel,
        mesh=plsc.VectorSubcoreMesh(core_axis_name="c", subcore_axis_name="s"),
        compiler_params=pltpu.CompilerParams(needs_layout_passes=False),
        out_type=[
            jax.ShapeDtypeStruct((T, D), jnp.float32),
            jax.ShapeDtypeStruct((T, D), jnp.float32),
        ],
        scratch_types=[
            pltpu.VMEM((CCH,), jnp.int32),
            pltpu.VMEM((CCH,), jnp.int32),
            pltpu.VMEM((CCH, D), jnp.float32),
            pltpu.VMEM((CCH, D), jnp.float32),
            pltpu.SemaphoreType.DMA,
            pltpu.SemaphoreType.DMA,
            pltpu.SemaphoreType.DMA,
            pltpu.SemaphoreType.DMA,
        ],
    )
    def combine(d0_hbm, d1_hbm, outs_hbm, g0_out, g1_out, idx0, idx1,
                rows0, rows1, gs0, gs1, os0, os1):
        wid = lax.axis_index("s") * SC_NC + lax.axis_index("c")
        base0 = wid * (T // SC_NW)
        nc = T // SC_NW // CCH
        jobs = []
        for c in range(nc):
            jobs.append((d0_hbm, g0_out, base0 + c * CCH))
            jobs.append((d1_hbm, g1_out, base0 + c * CCH))
        idx = [idx0, idx1]
        rows = [rows0, rows1]
        gs = [gs0, gs1]
        os_ = [os0, os1]
        cps = [None, None]
        ocs = [None, None]
        dsts = [None, None]
        for j, (src_idx, dst, base) in enumerate(jobs):
            b = j & 1
            if ocs[b] is not None:
                ocs[b].wait()
                ocs[b] = None
            pltpu.sync_copy(src_idx.at[pl.ds(base, CCH)], idx[b])
            cps[b] = pltpu.async_copy(outs_hbm.at[idx[b]], rows[b], gs[b])
            dsts[b] = (dst, base)
            ob = 1 - b
            if cps[ob] is not None:
                cps[ob].wait()
                cps[ob] = None
                pdst, pbase = dsts[ob]
                ocs[ob] = pltpu.async_copy(
                    rows[ob], pdst.at[pl.ds(pbase, CCH)], os_[ob])
        lb = (len(jobs) - 1) & 1
        cps[lb].wait()
        pdst, pbase = dsts[lb]
        ocs[lb] = pltpu.async_copy(rows[lb], pdst.at[pl.ds(pbase, CCH)], os_[lb])
        for b in (0, 1):
            if ocs[b] is not None:
                ocs[b].wait()

    return combine


def kernel(hidden_states, positions, W_qkv, q_norm_w, k_norm_w, W_o, ln1_w, ln2_w,
           gate_w, W_gate_up, W_down):
    pos2 = positions.reshape(T, 1)
    ln1 = ln1_w.reshape(1, D)
    ln2 = ln2_w.reshape(1, D)
    qn = jnp.tile(q_norm_w, H).reshape(1, H * HD)
    kn = jnp.tile(k_norm_w, KVH).reshape(1, KVH * HD)
    gate_pad = jnp.concatenate([gate_w, jnp.zeros((D, EPAD - E), jnp.float32)], axis=1)

    nt = T // BT
    q, k, v = pl.pallas_call(
        _pre_kernel,
        grid=(nt,),
        in_specs=[
            pl.BlockSpec((BT, 1), lambda t: (t, 0)),
            pl.BlockSpec((BT, D), lambda t: (t, 0)),
            pl.BlockSpec((D, (H + 2 * KVH) * HD), lambda t: (0, 0)),
            pl.BlockSpec((1, D), lambda t: (0, 0)),
            pl.BlockSpec((1, H * HD), lambda t: (0, 0)),
            pl.BlockSpec((1, KVH * HD), lambda t: (0, 0)),
        ],
        out_specs=[
            pl.BlockSpec((H, BT, HD), lambda t: (0, t, 0)),
            pl.BlockSpec((KVH, BT, HD), lambda t: (0, t, 0)),
            pl.BlockSpec((KVH, BT, HD), lambda t: (0, t, 0)),
        ],
        out_shape=[
            jax.ShapeDtypeStruct((H, T, HD), jnp.bfloat16),
            jax.ShapeDtypeStruct((KVH, T, HD), jnp.bfloat16),
            jax.ShapeDtypeStruct((KVH, T, HD), jnp.bfloat16),
        ],
    )(pos2, hidden_states, W_qkv.astype(jnp.bfloat16), ln1, qn, kn)

    o = pl.pallas_call(
        _flash_kernel,
        grid=(KVH, nt),
        in_specs=[
            pl.BlockSpec((REP, BT, HD), lambda g, t: (g, t, 0)),
            pl.BlockSpec((1, T, HD), lambda g, t: (g, 0, 0)),
            pl.BlockSpec((1, T, HD), lambda g, t: (g, 0, 0)),
        ],
        out_specs=pl.BlockSpec((REP, BT, HD), lambda g, t: (g, t, 0)),
        out_shape=jax.ShapeDtypeStruct((H, T, HD), jnp.bfloat16),
    )(q, k, v)

    h1, h2, w = pl.pallas_call(
        _post_kernel,
        grid=(nt,),
        in_specs=[
            pl.BlockSpec((H, BT, HD), lambda t: (0, t, 0)),
            pl.BlockSpec((BT, D), lambda t: (t, 0)),
            pl.BlockSpec((H * HD, D), lambda t: (0, 0)),
            pl.BlockSpec((1, D), lambda t: (0, 0)),
            pl.BlockSpec((D, EPAD), lambda t: (0, 0)),
        ],
        out_specs=[
            pl.BlockSpec((BT, D), lambda t: (t, 0)),
            pl.BlockSpec((BT, D), lambda t: (t, 0)),
            pl.BlockSpec((BT, EPAD), lambda t: (t, 0)),
        ],
        out_shape=[
            jax.ShapeDtypeStruct((T, D), jnp.float32),
            jax.ShapeDtypeStruct((T, D), jnp.float32),
            jax.ShapeDtypeStruct((T, EPAD), jnp.float32),
        ],
    )(o, hidden_states, W_o.astype(jnp.bfloat16), ln2, gate_pad)

    dest, w8, be2, d0, d1 = pl.pallas_call(
        _sched_kernel,
        grid=(1,),
        in_specs=[pl.BlockSpec((T, EPAD), lambda i: (0, 0))],
        out_specs=[
            pl.BlockSpec((T, EPAD), lambda i: (0, 0)),
            pl.BlockSpec((T, EPAD), lambda i: (0, 0)),
            pl.BlockSpec((EPAD, 1), lambda i: (0, 0)),
            pl.BlockSpec((T, 1), lambda i: (0, 0)),
            pl.BlockSpec((T, 1), lambda i: (0, 0)),
        ],
        out_shape=[
            jax.ShapeDtypeStruct((T, EPAD), jnp.int32),
            jax.ShapeDtypeStruct((T, EPAD), jnp.float32),
            jax.ShapeDtypeStruct((EPAD, 1), jnp.int32),
            jax.ShapeDtypeStruct((T, 1), jnp.int32),
            jax.ShapeDtypeStruct((T, 1), jnp.int32),
        ],
    )(w)
    be = be2.reshape(EPAD)[:NBLK]

    dest8 = dest[:, :E].reshape(T * E)
    w8f = w8[:, :E].reshape(T * E)
    row_weight = _sc_dispatch()(dest8, w8f)

    xs = _sc_scatter_x()(h2, d0.reshape(T), d1.reshape(T))

    outs = pl.pallas_call(
        _group_kernel,
        grid_spec=pltpu.PrefetchScalarGridSpec(
            num_scalar_prefetch=1,
            grid=(NBLK,),
            in_specs=[
                pl.BlockSpec((BLKM, D), lambda b, be_r: (b, 0)),
                pl.BlockSpec((1, D, 2 * I), lambda b, be_r: (be_r[b], 0, 0)),
                pl.BlockSpec((1, I, D), lambda b, be_r: (be_r[b], 0, 0)),
                pl.BlockSpec((BLKM, 1), lambda b, be_r: (b, 0)),
            ],
            out_specs=pl.BlockSpec((BLKM, D), lambda b, be_r: (b, 0)),
        ),
        out_shape=jax.ShapeDtypeStruct((P, D), jnp.float32),
    )(be, xs, W_gate_up.astype(jnp.bfloat16), W_down.astype(jnp.bfloat16),
      row_weight.reshape(P, 1))

    g0, g1 = _sc_combine_gather()(d0.reshape(T), d1.reshape(T), outs)

    out = pl.pallas_call(
        _final_kernel,
        grid=(nt,),
        in_specs=[
            pl.BlockSpec((BT, D), lambda t: (t, 0)),
            pl.BlockSpec((BT, D), lambda t: (t, 0)),
            pl.BlockSpec((BT, D), lambda t: (t, 0)),
        ],
        out_specs=pl.BlockSpec((BT, D), lambda t: (t, 0)),
        out_shape=jax.ShapeDtypeStruct((T, D), jnp.float32),
    )(h1, g0, g1)

    return out

# --- scband reference (transcript-rebuilt; emitter-appended) ---
"""Pipeline reference for scband-qwen3-moe-decoder-layer-58600533787454 (READ-ONLY COPY).

The authoritative reference and input builder live on the scoring server;
editing this copy changes nothing except your own understanding.
"""

import jax, jax.numpy as jnp
import numpy as np

T = 2048
D = 1024
H = 16
KV = 4
HD = 64
E = 8
TOPK = 2
I = 768
THETA = 1000000.0
EPS = 1e-6


def rmsnorm(x, w):
    return x * jax.lax.rsqrt(jnp.mean(x * x, axis=-1, keepdims=True) + EPS) * w


def apply_rope(x, positions):
    half = HD // 2
    inv_freq = 1.0 / (THETA ** (jnp.arange(0, HD, 2, dtype=jnp.float32) / HD))
    freqs = positions.astype(jnp.float32)[:, None] * inv_freq[None, :]
    cos = jnp.cos(freqs)[:, None, :]
    sin = jnp.sin(freqs)[:, None, :]
    x1 = x[..., :half]
    x2 = x[..., half:]
    return jnp.concatenate([x1 * cos - x2 * sin, x2 * cos + x1 * sin], axis=-1)


def setup_inputs(seed: int = 0):
    key = jax.random.key(seed)
    ks = jax.random.split(key, 8)
    return {
        "hidden_states": jax.random.normal(ks[0], (T, D), jnp.float32),
        "positions": jnp.arange(T, dtype=jnp.int32),
        "W_qkv": jax.random.normal(ks[1], (D, (H + 2 * KV) * HD), jnp.float32) * 0.02,
        "q_norm_w": jnp.ones((HD,), jnp.float32),
        "k_norm_w": jnp.ones((HD,), jnp.float32),
        "W_o": jax.random.normal(ks[2], (H * HD, D), jnp.float32) * 0.02,
        "ln1_w": jnp.ones((D,), jnp.float32),
        "ln2_w": jnp.ones((D,), jnp.float32),
        "gate_w": jax.random.normal(ks[3], (D, E), jnp.float32) * 0.02,
        "W_gate_up": jax.random.normal(ks[4], (E, D, 2 * I), jnp.float32) * 0.02,
        "W_down": jax.random.normal(ks[5], (E, I, D), jnp.float32) * 0.02,
    }


def _forward(hidden_states, W_qkv, q_norm_w, k_norm_w, W_o, ln1_w, ln2_w, gate_w, W_gate_up, W_down, positions):
    residual = hidden_states
    h = rmsnorm(hidden_states, ln1_w)
    qkv = h @ W_qkv
    q = qkv[:, : H * HD].reshape(T, H, HD)
    k = qkv[:, H * HD : (H + KV) * HD].reshape(T, KV, HD)
    v = qkv[:, (H + KV) * HD :].reshape(T, KV, HD)
    q = rmsnorm(q, q_norm_w)
    k = rmsnorm(k, k_norm_w)
    q = apply_rope(q, positions)
    k = apply_rope(k, positions)
    rep = H // KV
    k_r = jnp.repeat(k, rep, axis=1)
    v_r = jnp.repeat(v, rep, axis=1)
    scores = jnp.einsum("thd,shd->hts", q, k_r) * (HD ** -0.5)
    causal = jnp.arange(T)[:, None] >= jnp.arange(T)[None, :]
    scores = jnp.where(causal[None, :, :], scores, jnp.finfo(jnp.float32).min)
    probs = jax.nn.softmax(scores, axis=-1)
    o = jnp.einsum("hts,shd->thd", probs, v_r).reshape(T, H * HD)
    attn_out = o @ W_o
    h1 = residual + attn_out
    residual2 = h1
    h2 = rmsnorm(h1, ln2_w)
    router_logits = h2 @ gate_w
    rw = jax.nn.softmax(router_logits.astype(jnp.float32), axis=-1)
    top_vals, top_idx = jax.lax.top_k(rw, TOPK)
    top_vals = top_vals / jnp.sum(top_vals, axis=-1, keepdims=True)
    oh = jax.nn.one_hot(top_idx, E, dtype=top_vals.dtype)
    w_e = jnp.sum(top_vals[:, :, None] * oh, axis=1)
    gu = jnp.einsum("td,edf->tef", h2, W_gate_up)
    g = gu[..., :I]
    u = gu[..., I:]
    act = jax.nn.silu(g) * u
    out_e = jnp.einsum("tei,eid->ted", act, W_down)
    moe_out = jnp.sum(w_e[:, :, None] * out_e, axis=1)
    return residual2 + moe_out


def reference(hidden_states, positions, W_qkv, q_norm_w, k_norm_w, W_o, ln1_w, ln2_w, gate_w, W_gate_up, W_down):
    return _forward(hidden_states, W_qkv, q_norm_w, k_norm_w, W_o, ln1_w, ln2_w, gate_w, W_gate_up, W_down, positions)

if __name__ == "__main__":
    import jax
    _d = setup_inputs()
    print(jax.jit(kernel)(*tuple(_d.values())))

</pallas_src>

<mosaic_0001>
#map = affine_map<(d0, d1) -> (0, 0)>
#map1 = affine_map<(d0, d1) -> (0)>
module attributes {stable_mosaic.version = 14 : i64} {
  func.func @scatter_x(%arg0: i32, %arg1: i32, %arg2: memref<2048x1024xf32, #tpu.memory_space<hbm>>, %arg3: memref<2048xi32, #tpu.memory_space<hbm>>, %arg4: memref<2048xi32, #tpu.memory_space<hbm>>, %arg5: memref<6144x1024xf32, #tpu.memory_space<hbm>>, %arg6: memref<64xi32, #tpu.memory_space<vmem>>, %arg7: memref<64xi32, #tpu.memory_space<vmem>>, %arg8: memref<64x1024xf32, #tpu.memory_space<vmem>>, %arg9: memref<!tpu.dma_semaphore, #tpu.memory_space<semaphore_mem>>, %arg10: memref<!tpu.dma_semaphore, #tpu.memory_space<semaphore_mem>>) attributes {dimension_semantics = [#tpu.dimension_semantics<core_parallel>, #tpu.dimension_semantics<subcore_parallel>], iteration_bounds = array<i64: 2, 16>, scalar_prefetch = 0 : i64, scratch_operands = 5 : i64, tpu.core_type = #tpu.core_type<sc_vector_subcore>, window_params = [{transform_indices = #map}, {transform_indices = #map1}, {transform_indices = #map1}, {transform_indices = #map}]} {
    %mul3A = arith.constant 2 : i32
    %mul3A_0 = arith.muli %arg1, %mul3A : i32
    %add3A = arith.addi %mul3A_0, %arg0 : i32
    %mul3A_1 = arith.constant 64 : i32
    %mul3A_2 = arith.muli %add3A, %mul3A_1 : i32
    "tpu.region"() ({
      %run_scoped3A = tpu.sem_alloc : memref<!tpu.dma_semaphore, #tpu.memory_space<semaphore_mem>>
      %dma_start3A_13 = arith.constant 0 : i32
      %dma_start3A_14 = tpu.memref_slice %arg2[%mul3A_2, %dma_start3A_13] : memref<2048x1024xf32, #tpu.memory_space<hbm>> -> memref<64x1024xf32, #tpu.memory_space<hbm>>
      %dma_start3A_15 = arith.constant 0 : i32
      %dma_start3A_16 = tpu.memref_slice %arg2[%mul3A_2, %dma_start3A_15] : memref<2048x1024xf32, #tpu.memory_space<hbm>> -> memref<64x1024xf32, #tpu.memory_space<hbm>>
      tpu.enqueue_dma source(%dma_start3A_16 : memref<64x1024xf32, #tpu.memory_space<hbm>>) target(%arg8 : memref<64x1024xf32, #tpu.memory_space<vmem>>) target_semaphore(%run_scoped3A : memref<!tpu.dma_semaphore, #tpu.memory_space<semaphore_mem>>)
      %dma_wait3A_17 = arith.constant 0 : i32
      %dma_wait3A_18 = tpu.memref_slice %arg2[%mul3A_2, %dma_wait3A_17] : memref<2048x1024xf32, #tpu.memory_space<hbm>> -> memref<64x1024xf32, #tpu.memory_space<hbm>>
      %dma_wait3A_19 = arith.constant 0 : i32
      %dma_wait3A_20 = tpu.memref_slice %arg2[%mul3A_2, %dma_wait3A_19] : memref<2048x1024xf32, #tpu.memory_space<hbm>> -> memref<64x1024xf32, #tpu.memory_space<hbm>>
      tpu.wait_dma2 semaphore(%run_scoped3A : memref<!tpu.dma_semaphore, #tpu.memory_space<semaphore_mem>>) src(%dma_wait3A_20 : memref<64x1024xf32, #tpu.memory_space<hbm>>) dst(%arg8 : memref<64x1024xf32, #tpu.memory_space<vmem>>)
      tpu.yield
    }) : () -> ()
    "tpu.region"() ({
      %run_scoped3A = tpu.sem_alloc : memref<!tpu.dma_semaphore, #tpu.memory_space<semaphore_mem>>
      %dma_start3A_13 = tpu.memref_slice %arg3[%mul3A_2] : memref<2048xi32, #tpu.memory_space<hbm>> -> memref<64xi32, #tpu.memory_space<hbm>>
      %dma_start3A_14 = tpu.memref_slice %arg3[%mul3A_2] : memref<2048xi32, #tpu.memory_space<hbm>> -> memref<64xi32, #tpu.memory_space<hbm>>
      tpu.enqueue_dma source(%dma_start3A_14 : memref<64xi32, #tpu.memory_space<hbm>>) target(%arg6 : memref<64xi32, #tpu.memory_space<vmem>>) target_semaphore(%run_scoped3A : memref<!tpu.dma_semaphore, #tpu.memory_space<semaphore_mem>>)
      %dma_wait3A_15 = tpu.memref_slice %arg3[%mul3A_2] : memref<2048xi32, #tpu.memory_space<hbm>> -> memref<64xi32, #tpu.memory_space<hbm>>
      %dma_wait3A_16 = tpu.memref_slice %arg3[%mul3A_2] : memref<2048xi32, #tpu.memory_space<hbm>> -> memref<64xi32, #tpu.memory_space<hbm>>
      tpu.wait_dma2 semaphore(%run_scoped3A : memref<!tpu.dma_semaphore, #tpu.memory_space<semaphore_mem>>) src(%dma_wait3A_16 : memref<64xi32, #tpu.memory_space<hbm>>) dst(%arg6 : memref<64xi32, #tpu.memory_space<vmem>>)
      tpu.yield
    }) : () -> ()
    "tpu.region"() ({
      %run_scoped3A = tpu.sem_alloc : memref<!tpu.dma_semaphore, #tpu.memory_space<semaphore_mem>>
      %dma_start3A_13 = tpu.memref_slice %arg4[%mul3A_2] : memref<2048xi32, #tpu.memory_space<hbm>> -> memref<64xi32, #tpu.memory_space<hbm>>
      %dma_start3A_14 = tpu.memref_slice %arg4[%mul3A_2] : memref<2048xi32, #tpu.memory_space<hbm>> -> memref<64xi32, #tpu.memory_space<hbm>>
      tpu.enqueue_dma source(%dma_start3A_14 : memref<64xi32, #tpu.memory_space<hbm>>) target(%arg7 : memref<64xi32, #tpu.memory_space<vmem>>) target_semaphore(%run_scoped3A : memref<!tpu.dma_semaphore, #tpu.memory_space<semaphore_mem>>)
      %dma_wait3A_15 = tpu.memref_slice %arg4[%mul3A_2] : memref<2048xi32, #tpu.memory_space<hbm>> -> memref<64xi32, #tpu.memory_space<hbm>>
      %dma_wait3A_16 = tpu.memref_slice %arg4[%mul3A_2] : memref<2048xi32, #tpu.memory_space<hbm>> -> memref<64xi32, #tpu.memory_space<hbm>>
      tpu.wait_dma2 semaphore(%run_scoped3A : memref<!tpu.dma_semaphore, #tpu.memory_space<semaphore_mem>>) src(%dma_wait3A_16 : memref<64xi32, #tpu.memory_space<hbm>>) dst(%arg7 : memref<64xi32, #tpu.memory_space<vmem>>)
      tpu.yield
    }) : () -> ()
    %dma_start3A = arith.constant 0 : i32
    %dma_start3A_3 = arith.constant 0 : i32
    %dma_start3A_4 = tpu.memref_slice %arg5[%dma_start3A, %dma_start3A_3] : memref<6144x1024xf32, #tpu.memory_space<hbm>> -> memref<6144x1024xf32, #tpu.memory_space<hbm>>
    tpu.enqueue_indirect_dma source(%arg8 : memref<64x1024xf32, #tpu.memory_space<vmem>>) target(%dma_start3A_4 : memref<6144x1024xf32, #tpu.memory_space<hbm>>) offsets(%arg6 : memref<64xi32, #tpu.memory_space<vmem>>) semaphore(%arg9 : memref<!tpu.dma_semaphore, #tpu.memory_space<semaphore_mem>>)
    %dma_start3A_5 = arith.constant 0 : i32
    %dma_start3A_6 = arith.constant 0 : i32
    %dma_start3A_7 = tpu.memref_slice %arg5[%dma_start3A_5, %dma_start3A_6] : memref<6144x1024xf32, #tpu.memory_space<hbm>> -> memref<6144x1024xf32, #tpu.memory_space<hbm>>
    tpu.enqueue_indirect_dma source(%arg8 : memref<64x1024xf32, #tpu.memory_space<vmem>>) target(%dma_start3A_7 : memref<6144x1024xf32, #tpu.memory_space<hbm>>) offsets(%arg7 : memref<64xi32, #tpu.memory_space<vmem>>) semaphore(%arg10 : memref<!tpu.dma_semaphore, #tpu.memory_space<semaphore_mem>>)
    %dma_wait3A = arith.constant 0 : i32
    %dma_wait3A_8 = arith.constant 0 : i32
    %dma_wait3A_9 = tpu.memref_slice %arg5[%dma_wait3A, %dma_wait3A_8] : memref<6144x1024xf32, #tpu.memory_space<hbm>> -> memref<6144x1024xf32, #tpu.memory_space<hbm>>
    tpu.wait_indirect_dma semaphore(%arg9 : memref<!tpu.dma_semaphore, #tpu.memory_space<semaphore_mem>>) src(%arg8 : memref<64x1024xf32, #tpu.memory_space<vmem>>) dst(%dma_wait3A_9 : memref<6144x1024xf32, #tpu.memory_space<hbm>>)
    %dma_wait3A_10 = arith.constant 0 : i32
    %dma_wait3A_11 = arith.constant 0 : i32
    %dma_wait3A_12 = tpu.memref_slice %arg5[%dma_wait3A_10, %dma_wait3A_11] : memref<6144x1024xf32, #tpu.memory_space<hbm>> -> memref<6144x1024xf32, #tpu.memory_space<hbm>>
    tpu.wait_indirect_dma semaphore(%arg10 : memref<!tpu.dma_semaphore, #tpu.memory_space<semaphore_mem>>) src(%arg8 : memref<64x1024xf32, #tpu.memory_space<vmem>>) dst(%dma_wait3A_12 : memref<6144x1024xf32, #tpu.memory_space<hbm>>)
    return
  }
}

#map = affine_map<(d0, d1) -> (0)>
#map1 = affine_map<(d0, d1) -> (0, 0)>
module attributes {stable_mosaic.version = 14 : i64} {
  func.func @combine(%arg0: i32, %arg1: i32, %arg2: memref<2048xi32, #tpu.memory_space<hbm>>, %arg3: memref<2048xi32, #tpu.memory_space<hbm>>, %arg4: memref<6144x1024xf32, #tpu.memory_space<hbm>>, %arg5: memref<2048x1024xf32, #tpu.memory_space<hbm>>, %arg6: memref<2048x1024xf32, #tpu.memory_space<hbm>>, %arg7: memref<32xi32, #tpu.memory_space<vmem>>, %arg8: memref<32xi32, #tpu.memory_space<vmem>>, %arg9: memref<32x1024xf32, #tpu.memory_space<vmem>>, %arg10: memref<32x1024xf32, #tpu.memory_space<vmem>>, %arg11: memref<!tpu.dma_semaphore, #tpu.memory_space<semaphore_mem>>, %arg12: memref<!tpu.dma_semaphore, #tpu.memory_space<semaphore_mem>>, %arg13: memref<!tpu.dma_semaphore, #tpu.memory_space<semaphore_mem>>, %arg14: memref<!tpu.dma_semaphore, #tpu.memory_space<semaphore_mem>>) attributes {dimension_semantics = [#tpu.dimension_semantics<core_parallel>, #tpu.dimension_semantics<subcore_parallel>], iteration_bounds = array<i64: 2, 16>, scalar_prefetch = 0 : i64, scratch_operands = 8 : i64, tpu.core_type = #tpu.core_type<sc_vector_subcore>, window_params = [{transform_indices = #map}, {transform_indices = #map}, {transform_indices = #map1}, {transform_indices = #map1}, {transform_indices = #map1}]} {
    %mul3A = arith.constant 2 : i32
    %mul3A_0 = arith.muli %arg1, %mul3A : i32
    %add3A = arith.addi %mul3A_0, %arg0 : i32
    %mul3A_1 = arith.constant 64 : i32
    %mul3A_2 = arith.muli %add3A, %mul3A_1 : i32
    %add3A_3 = arith.constant 0 : i32
    %add3A_4 = arith.addi %mul3A_2, %add3A_3 : i32
    %add3A_5 = arith.constant 0 : i32
    %add3A_6 = arith.addi %mul3A_2, %add3A_5 : i32
    %add3A_7 = arith.constant 32 : i32
    %add3A_8 = arith.addi %mul3A_2, %add3A_7 : i32
    %add3A_9 = arith.constant 32 : i32
    %add3A_10 = arith.addi %mul3A_2, %add3A_9 : i32
    "tpu.region"() ({
      %run_scoped3A = tpu.sem_alloc : memref<!tpu.dma_semaphore, #tpu.memory_space<semaphore_mem>>
      %dma_start3A_65 = tpu.memref_slice %arg2[%add3A_4] : memref<2048xi32, #tpu.memory_space<hbm>> -> memref<32xi32, #tpu.memory_space<hbm>>
      %dma_start3A_66 = tpu.memref_slice %arg2[%add3A_4] : memref<2048xi32, #tpu.memory_space<hbm>> -> memref<32xi32, #tpu.memory_space<hbm>>
      tpu.enqueue_dma source(%dma_start3A_66 : memref<32xi32, #tpu.memory_space<hbm>>) target(%arg7 : memref<32xi32, #tpu.memory_space<vmem>>) target_semaphore(%run_scoped3A : memref<!tpu.dma_semaphore, #tpu.memory_space<semaphore_mem>>)
      %dma_wait3A_67 = tpu.memref_slice %arg2[%add3A_4] : memref<2048xi32, #tpu.memory_space<hbm>> -> memref<32xi32, #tpu.memory_space<hbm>>
      %dma_wait3A_68 = tpu.memref_slice %arg2[%add3A_4] : memref<2048xi32, #tpu.memory_space<hbm>> -> memref<32xi32, #tpu.memory_space<hbm>>
      tpu.wait_dma2 semaphore(%run_scoped3A : memref<!tpu.dma_semaphore, #tpu.memory_space<semaphore_mem>>) src(%dma_wait3A_68 : memref<32xi32, #tpu.memory_space<hbm>>) dst(%arg7 : memref<32xi32, #tpu.memory_space<vmem>>)
      tpu.yield
    }) : () -> ()
    %dma_start3A = arith.constant 0 : i32
    %dma_start3A_11 = arith.constant 0 : i32
    %dma_start3A_12 = tpu.memref_slice %arg4[%dma_start3A, %dma_start3A_11] : memref<6144x1024xf32, #tpu.memory_space<hbm>> -> memref<6144x1024xf32, #tpu.memory_space<hbm>>
    tpu.enqueue_indirect_dma source(%dma_start3A_12 : memref<6144x1024xf32, #tpu.memory_space<hbm>>) target(%arg9 : memref<32x1024xf32, #tpu.memory_space<vmem>>) offsets(%arg7 : memref<32xi32, #tpu.memory_space<vmem>>) semaphore(%arg11 : memref<!tpu.dma_semaphore, #tpu.memory_space<semaphore_mem>>)
    "tpu.region"() ({
      %run_scoped3A = tpu.sem_alloc : memref<!tpu.dma_semaphore, #tpu.memory_space<semaphore_mem>>
      %dma_start3A_65 = tpu.memref_slice %arg3[%add3A_6] : memref<2048xi32, #tpu.memory_space<hbm>> -> memref<32xi32, #tpu.memory_space<hbm>>
      %dma_start3A_66 = tpu.memref_slice %arg3[%add3A_6] : memref<2048xi32, #tpu.memory_space<hbm>> -> memref<32xi32, #tpu.memory_space<hbm>>
      tpu.enqueue_dma source(%dma_start3A_66 : memref<32xi32, #tpu.memory_space<hbm>>) target(%arg8 : memref<32xi32, #tpu.memory_space<vmem>>) target_semaphore(%run_scoped3A : memref<!tpu.dma_semaphore, #tpu.memory_space<semaphore_mem>>)
      %dma_wait3A_67 = tpu.memref_slice %arg3[%add3A_6] : memref<2048xi32, #tpu.memory_space<hbm>> -> memref<32xi32, #tpu.memory_space<hbm>>
      %dma_wait3A_68 = tpu.memref_slice %arg3[%add3A_6] : memref<2048xi32, #tpu.memory_space<hbm>> -> memref<32xi32, #tpu.memory_space<hbm>>
      tpu.wait_dma2 semaphore(%run_scoped3A : memref<!tpu.dma_semaphore, #tpu.memory_space<semaphore_mem>>) src(%dma_wait3A_68 : memref<32xi32, #tpu.memory_space<hbm>>) dst(%arg8 : memref<32xi32, #tpu.memory_space<vmem>>)
      tpu.yield
    }) : () -> ()
    %dma_start3A_13 = arith.constant 0 : i32
    %dma_start3A_14 = arith.constant 0 : i32
    %dma_start3A_15 = tpu.memref_slice %arg4[%dma_start3A_13, %dma_start3A_14] : memref<6144x1024xf32, #tpu.memory_space<hbm>> -> memref<6144x1024xf32, #tpu.memory_space<hbm>>
    tpu.enqueue_indirect_dma source(%dma_start3A_15 : memref<6144x1024xf32, #tpu.memory_space<hbm>>) target(%arg10 : memref<32x1024xf32, #tpu.memory_space<vmem>>) offsets(%arg8 : memref<32xi32, #tpu.memory_space<vmem>>) semaphore(%arg12 : memref<!tpu.dma_semaphore, #tpu.memory_space<semaphore_mem>>)
    %dma_wait3A = arith.constant 0 : i32
    %dma_wait3A_16 = arith.constant 0 : i32
    %dma_wait3A_17 = tpu.memref_slice %arg4[%dma_wait3A, %dma_wait3A_16] : memref<6144x1024xf32, #tpu.memory_space<hbm>> -> memref<6144x1024xf32, #tpu.memory_space<hbm>>
    tpu.wait_indirect_dma semaphore(%arg11 : memref<!tpu.dma_semaphore, #tpu.memory_space<semaphore_mem>>) src(%dma_wait3A_17 : memref<6144x1024xf32, #tpu.memory_space<hbm>>) dst(%arg9 : memref<32x1024xf32, #tpu.memory_space<vmem>>)
    %dma_start3A_18 = arith.constant 0 : i32
    %dma_start3A_19 = tpu.memref_slice %arg5[%add3A_4, %dma_start3A_18] : memref<2048x1024xf32, #tpu.memory_space<hbm>> -> memref<32x1024xf32, #tpu.memory_space<hbm>>
    %dma_start3A_20 = arith.constant 0 : i32
    %dma_start3A_21 = tpu.memref_slice %arg5[%add3A_4, %dma_start3A_20] : memref<2048x1024xf32, #tpu.memory_space<hbm>> -> memref<32x1024xf32, #tpu.memory_space<hbm>>
    tpu.enqueue_dma source(%arg9 : memref<32x1024xf32, #tpu.memory_space<vmem>>) target(%dma_start3A_21 : memref<32x1024xf32, #tpu.memory_space<hbm>>) target_semaphore(%arg13 : memref<!tpu.dma_semaphore, #tpu.memory_space<semaphore_mem>>)
    %dma_wait3A_22 = arith.constant 0 : i32
    %dma_wait3A_23 = tpu.memref_slice %arg5[%add3A_4, %dma_wait3A_22] : memref<2048x1024xf32, #tpu.memory_space<hbm>> -> memref<32x1024xf32, #tpu.memory_space<hbm>>
    %dma_wait3A_24 = arith.constant 0 : i32
    %dma_wait3A_25 = tpu.memref_slice %arg5[%add3A_4, %dma_wait3A_24] : memref<2048x1024xf32, #tpu.memory_space<hbm>> -> memref<32x1024xf32, #tpu.memory_space<hbm>>
    tpu.wait_dma2 semaphore(%arg13 : memref<!tpu.dma_semaphore, #tpu.memory_space<semaphore_mem>>) src(%arg9 : memref<32x1024xf32, #tpu.memory_space<vmem>>) dst(%dma_wait3A_25 : memref<32x1024xf32, #tpu.memory_space<hbm>>)
    "tpu.region"() ({
      %run_scoped3A = tpu.sem_alloc : memref<!tpu.dma_semaphore, #tpu.memory_space<semaphore_mem>>
      %dma_start3A_65 = tpu.memref_slice %arg2[%add3A_8] : memref<2048xi32, #tpu.memory_space<hbm>> -> memref<32xi32, #tpu.memory_space<hbm>>
      %dma_start3A_66 = tpu.memref_slice %arg2[%add3A_8] : memref<2048xi32, #tpu.memory_space<hbm>> -> memref<32xi32, #tpu.memory_space<hbm>>
      tpu.enqueue_dma source(%dma_start3A_66 : memref<32xi32, #tpu.memory_space<hbm>>) target(%arg7 : memref<32xi32, #tpu.memory_space<vmem>>) target_semaphore(%run_scoped3A : memref<!tpu.dma_semaphore, #tpu.memory_space<semaphore_mem>>)
      %dma_wait3A_67 = tpu.memref_slice %arg2[%add3A_8] : memref<2048xi32, #tpu.memory_space<hbm>> -> memref<32xi32, #tpu.memory_space<hbm>>
      %dma_wait3A_68 = tpu.memref_slice %arg2[%add3A_8] : memref<2048xi32, #tpu.memory_space<hbm>> -> memref<32xi32, #tpu.memory_space<hbm>>
      tpu.wait_dma2 semaphore(%run_scoped3A : memref<!tpu.dma_semaphore, #tpu.memory_space<semaphore_mem>>) src(%dma_wait3A_68 : memref<32xi32, #tpu.memory_space<hbm>>) dst(%arg7 : memref<32xi32, #tpu.memory_space<vmem>>)
      tpu.yield
    }) : () -> ()
    %dma_start3A_26 = arith.constant 0 : i32
    %dma_start3A_27 = arith.constant 0 : i32
    %dma_start3A_28 = tpu.memref_slice %arg4[%dma_start3A_26, %dma_start3A_27] : memref<6144x1024xf32, #tpu.memory_space<hbm>> -> memref<6144x1024xf32, #tpu.memory_space<hbm>>
    tpu.enqueue_indirect_dma source(%dma_start3A_28 : memref<6144x1024xf32, #tpu.memory_space<hbm>>) target(%arg9 : memref<32x1024xf32, #tpu.memory_space<vmem>>) offsets(%arg7 : memref<32xi32, #tpu.memory_space<vmem>>) semaphore(%arg11 : memref<!tpu.dma_semaphore, #tpu.memory_space<semaphore_mem>>)
    %dma_wait3A_29 = arith.constant 0 : i32
    %dma_wait3A_30 = arith.constant 0 : i32
    %dma_wait3A_31 = tpu.memref_slice %arg4[%dma_wait3A_29, %dma_wait3A_30] : memref<6144x1024xf32, #tpu.memory_space<hbm>> -> memref<6144x1024xf32, #tpu.memory_space<hbm>>
    tpu.wait_indirect_dma semaphore(%arg12 : memref<!tpu.dma_semaphore, #tpu.memory_space<semaphore_mem>>) src(%dma_wait3A_31 : memref<6144x1024xf32, #tpu.memory_space<hbm>>) dst(%arg10 : memref<32x1024xf32, #tpu.memory_space<vmem>>)
    %dma_start3A_32 = arith.constant 0 : i32
    %dma_start3A_33 = tpu.memref_slice %arg6[%add3A_6, %dma_start3A_32] : memref<2048x1024xf32, #tpu.memory_space<hbm>> -> memref<32x1024xf32, #tpu.memory_space<hbm>>
    %dma_start3A_34 = arith.constant 0 : i32
    %dma_start3A_35 = tpu.memref_slice %arg6[%add3A_6, %dma_start3A_34] : memref<2048x1024xf32, #tpu.memory_space<hbm>> -> memref<32x1024xf32, #tpu.memory_space<hbm>>
    tpu.enqueue_dma source(%arg10 : memref<32x1024xf32, #tpu.memory_space<vmem>>) target(%dma_start3A_35 : memref<32x1024xf32, #tpu.memory_space<hbm>>) target_semaphore(%arg14 : memref<!tpu.dma_semaphore, #tpu.memory_space<semaphore_mem>>)
    %dma_wait3A_36 = arith.constant 0 : i32
    %dma_wait3A_37 = tpu.memref_slice %arg6[%add3A_6, %dma_wait3A_36] : memref<2048x1024xf32, #tpu.memory_space<hbm>> -> memref<32x1024xf32, #tpu.memory_space<hbm>>
    %dma_wait3A_38 = arith.constant 0 : i32
    %dma_wait3A_39 = tpu.memref_slice %arg6[%add3A_6, %dma_wait3A_38] : memref<2048x1024xf32, #tpu.memory_space<hbm>> -> memref<32x1024xf32, #tpu.memory_space<hbm>>
    tpu.wait_dma2 semaphore(%arg14 : memref<!tpu.dma_semaphore, #tpu.memory_space<semaphore_mem>>) src(%arg10 : memref<32x1024xf32, #tpu.memory_space<vmem>>) dst(%dma_wait3A_39 : memref<32x1024xf32, #tpu.memory_space<hbm>>)
    "tpu.region"() ({
      %run_scoped3A = tpu.sem_alloc : memref<!tpu.dma_semaphore, #tpu.memory_space<semaphore_mem>>
      %dma_start3A_65 = tpu.memref_slice %arg3[%add3A_10] : memref<2048xi32, #tpu.memory_space<hbm>> -> memref<32xi32, #tpu.memory_space<hbm>>
      %dma_start3A_66 = tpu.memref_slice %arg3[%add3A_10] : memref<2048xi32, #tpu.memory_space<hbm>> -> memref<32xi32, #tpu.memory_space<hbm>>
      tpu.enqueue_dma source(%dma_start3A_66 : memref<32xi32, #tpu.memory_space<hbm>>) target(%arg8 : memref<32xi32, #tpu.memory_space<vmem>>) target_semaphore(%run_scoped3A : memref<!tpu.dma_semaphore, #tpu.memory_space<semaphore_mem>>)
      %dma_wait3A_67 = tpu.memref_slice %arg3[%add3A_10] : memref<2048xi32, #tpu.memory_space<hbm>> -> memref<32xi32, #tpu.memory_space<hbm>>
      %dma_wait3A_68 = tpu.memref_slice %arg3[%add3A_10] : memref<2048xi32, #tpu.memory_space<hbm>> -> memref<32xi32, #tpu.memory_space<hbm>>
      tpu.wait_dma2 semaphore(%run_scoped3A : memref<!tpu.dma_semaphore, #tpu.memory_space<semaphore_mem>>) src(%dma_wait3A_68 : memref<32xi32, #tpu.memory_space<hbm>>) dst(%arg8 : memref<32xi32, #tpu.memory_space<vmem>>)
      tpu.yield
    }) : () -> ()
    %dma_start3A_40 = arith.constant 0 : i32
    %dma_start3A_41 = arith.constant 0 : i32
    %dma_start3A_42 = tpu.memref_slice %arg4[%dma_start3A_40, %dma_start3A_41] : memref<6144x1024xf32, #tpu.memory_space<hbm>> -> memref<6144x1024xf32, #tpu.memory_space<hbm>>
    tpu.enqueue_indirect_dma source(%dma_start3A_42 : memref<6144x1024xf32, #tpu.memory_space<hbm>>) target(%arg10 : memref<32x1024xf32, #tpu.memory_space<vmem>>) offsets(%arg8 : memref<32xi32, #tpu.memory_space<vmem>>) semaphore(%arg12 : memref<!tpu.dma_semaphore, #tpu.memory_space<semaphore_mem>>)
    %dma_wait3A_43 = arith.constant 0 : i32
    %dma_wait3A_44 = arith.constant 0 : i32
    %dma_wait3A_45 = tpu.memref_slice %arg4[%dma_wait3A_43, %dma_wait3A_44] : memref<6144x1024xf32, #tpu.memory_space<hbm>> -> memref<6144x1024xf32, #tpu.memory_space<hbm>>
    tpu.wait_indirect_dma semaphore(%arg11 : memref<!tpu.dma_semaphore, #tpu.memory_space<semaphore_mem>>) src(%dma_wait3A_45 : memref<6144x1024xf32, #tpu.memory_space<hbm>>) dst(%arg9 : memref<32x1024xf32, #tpu.memory_space<vmem>>)
    %dma_start3A_46 = arith.constant 0 : i32
    %dma_start3A_47 = tpu.memref_slice %arg5[%add3A_8, %dma_start3A_46] : memref<2048x1024xf32, #tpu.memory_space<hbm>> -> memref<32x1024xf32, #tpu.memory_space<hbm>>
    %dma_start3A_48 = arith.constant 0 : i32
    %dma_start3A_49 = tpu.memref_slice %arg5[%add3A_8, %dma_start3A_48] : memref<2048x1024xf32, #tpu.memory_space<hbm>> -> memref<32x1024xf32, #tpu.memory_space<hbm>>
    tpu.enqueue_dma source(%arg9 : memref<32x1024xf32, #tpu.memory_space<vmem>>) target(%dma_start3A_49 : memref<32x1024xf32, #tpu.memory_space<hbm>>) target_semaphore(%arg13 : memref<!tpu.dma_semaphore, #tpu.memory_space<semaphore_mem>>)
    %dma_wait3A_50 = arith.constant 0 : i32
    %dma_wait3A_51 = arith.constant 0 : i32
    %dma_wait3A_52 = tpu.memref_slice %arg4[%dma_wait3A_50, %dma_wait3A_51] : memref<6144x1024xf32, #tpu.memory_space<hbm>> -> memref<6144x1024xf32, #tpu.memory_space<hbm>>
    tpu.wait_indirect_dma semaphore(%arg12 : memref<!tpu.dma_semaphore, #tpu.memory_space<semaphore_mem>>) src(%dma_wait3A_52 : memref<6144x1024xf32, #tpu.memory_space<hbm>>) dst(%arg10 : memref<32x1024xf32, #tpu.memory_space<vmem>>)
    %dma_start3A_53 = arith.constant 0 : i32
    %dma_start3A_54 = tpu.memref_slice %arg6[%add3A_10, %dma_start3A_53] : memref<2048x1024xf32, #tpu.memory_space<hbm>> -> memref<32x1024xf32, #tpu.memory_space<hbm>>
    %dma_start3A_55 = arith.constant 0 : i32
    %dma_start3A_56 = tpu.memref_slice %arg6[%add3A_10, %dma_start3A_55] : memref<2048x1024xf32, #tpu.memory_space<hbm>> -> memref<32x1024xf32, #tpu.memory_space<hbm>>
    tpu.enqueue_dma source(%arg10 : memref<32x1024xf32, #tpu.memory_space<vmem>>) target(%dma_start3A_56 : memref<32x1024xf32, #tpu.memory_space<hbm>>) target_semaphore(%arg14 : memref<!tpu.dma_semaphore, #tpu.memory_space<semaphore_mem>>)
    %dma_wait3A_57 = arith.constant 0 : i32
    %dma_wait3A_58 = tpu.memref_slice %arg5[%add3A_8, %dma_wait3A_57] : memref<2048x1024xf32, #tpu.memory_space<hbm>> -> memref<32x1024xf32, #tpu.memory_space<hbm>>
    %dma_wait3A_59 = arith.constant 0 : i32
    %dma_wait3A_60 = tpu.memref_slice %arg5[%add3A_8, %dma_wait3A_59] : memref<2048x1024xf32, #tpu.memory_space<hbm>> -> memref<32x1024xf32, #tpu.memory_space<hbm>>
    tpu.wait_dma2 semaphore(%arg13 : memref<!tpu.dma_semaphore, #tpu.memory_space<semaphore_mem>>) src(%arg9 : memref<32x1024xf32, #tpu.memory_space<vmem>>) dst(%dma_wait3A_60 : memref<32x1024xf32, #tpu.memory_space<hbm>>)
    %dma_wait3A_61 = arith.constant 0 : i32
    %dma_wait3A_62 = tpu.memref_slice %arg6[%add3A_10, %dma_wait3A_61] : memref<2048x1024xf32, #tpu.memory_space<hbm>> -> memref<32x1024xf32, #tpu.memory_space<hbm>>
    %dma_wait3A_63 = arith.constant 0 : i32
    %dma_wait3A_64 = tpu.memref_slice %arg6[%add3A_10, %dma_wait3A_63] : memref<2048x1024xf32, #tpu.memory_space<hbm>> -> memref<32x1024xf32, #tpu.memory_space<hbm>>
    tpu.wait_dma2 semaphore(%arg14 : memref<!tpu.dma_semaphore, #tpu.memory_space<semaphore_mem>>) src(%arg10 : memref<32x1024xf32, #tpu.memory_space<vmem>>) dst(%dma_wait3A_64 : memref<32x1024xf32, #tpu.memory_space<hbm>>)
    return
  }
}

#map = affine_map<(d0, d1) -> (0)>
module attributes {stable_mosaic.version = 14 : i64} {
  func.func @dispatch(%arg0: i32, %arg1: i32, %arg2: memref<16384xi32, #tpu.memory_space<hbm>>, %arg3: memref<16384xf32, #tpu.memory_space<hbm>>, %arg4: memref<6144xf32, #tpu.memory_space<hbm>>, %arg5: memref<16384xi32, #tpu.memory_space<vmem>>, %arg6: memref<16384xf32, #tpu.memory_space<vmem>>, %arg7: memref<6144xf32, #tpu.memory_space<vmem>>) attributes {dimension_semantics = [#tpu.dimension_semantics<core_parallel>, #tpu.dimension_semantics<subcore_parallel>], iteration_bounds = array<i64: 2, 16>, scalar_prefetch = 0 : i64, scratch_operands = 3 : i64, tpu.core_type = #tpu.core_type<sc_vector_subcore>, window_params = [{transform_indices = #map}, {transform_indices = #map}, {transform_indices = #map}]} {
    %eq3A = arith.constant 0 : i32
    %eq3A_0 = arith.cmpi eq, %arg0, %eq3A : i32
    %eq3A_1 = arith.constant 0 : i32
    %eq3A_2 = arith.cmpi eq, %arg1, %eq3A_1 : i32
    %and3A = arith.andi %eq3A_0, %eq3A_2 : i1
    %convert_element_type3A = arith.extui %and3A : i1 to i32
    %cond3A = arith.constant 0 : i32
    %cond3A_3 = arith.cmpi ne, %convert_element_type3A, %cond3A : i32
    scf.if %cond3A_3 {
      "tpu.region"() ({
        %run_scoped3A = tpu.sem_alloc : memref<!tpu.dma_semaphore, #tpu.memory_space<semaphore_mem>>
        tpu.enqueue_dma source(%arg2 : memref<16384xi32, #tpu.memory_space<hbm>>) target(%arg5 : memref<16384xi32, #tpu.memory_space<vmem>>) target_semaphore(%run_scoped3A : memref<!tpu.dma_semaphore, #tpu.memory_space<semaphore_mem>>)
        tpu.wait_dma2 semaphore(%run_scoped3A : memref<!tpu.dma_semaphore, #tpu.memory_space<semaphore_mem>>) src(%arg2 : memref<16384xi32, #tpu.memory_space<hbm>>) dst(%arg5 : memref<16384xi32, #tpu.memory_space<vmem>>)
        tpu.yield
      }) : () -> ()
      "tpu.region"() ({
        %run_scoped3A = tpu.sem_alloc : memref<!tpu.dma_semaphore, #tpu.memory_space<semaphore_mem>>
        tpu.enqueue_dma source(%arg3 : memref<16384xf32, #tpu.memory_space<hbm>>) target(%arg6 : memref<16384xf32, #tpu.memory_space<vmem>>) target_semaphore(%run_scoped3A : memref<!tpu.dma_semaphore, #tpu.memory_space<semaphore_mem>>)
        tpu.wait_dma2 semaphore(%run_scoped3A : memref<!tpu.dma_semaphore, #tpu.memory_space<semaphore_mem>>) src(%arg3 : memref<16384xf32, #tpu.memory_space<hbm>>) dst(%arg6 : memref<16384xf32, #tpu.memory_space<vmem>>)
        tpu.yield
      }) : () -> ()
      %scan3A = arith.constant 0 : i32
      %scan3A_4 = arith.constant 0 : i32
      %scan3A_5 = arith.constant 384 : i32
      %scan3A_6 = arith.addi %scan3A_4, %scan3A_5 : i32
      %scan3A_7 = arith.constant 1 : i32
      scf.for %scan3A_15 = %scan3A_4 to %scan3A_6 step %scan3A_7  : i32 {
        %broadcast_in_dim3A = arith.constant 0.000000e+00 : f32
        %broadcast_in_dim3A_16 = vector.broadcast %broadcast_in_dim3A : f32 to vector<16xf32>
        %mul3A = arith.constant 16 : i32
        %mul3A_17 = arith.muli %scan3A_15, %mul3A : i32
        %swap3A = arith.index_cast %mul3A_17 : i32 to index
        %swap3A_18 = tpu.vector_load %arg7[%swap3A] {strides = array<i32>} : memref<6144xf32, #tpu.memory_space<vmem>>, vector<16xf32>,
        tpu.vector_store %arg7[%swap3A], %broadcast_in_dim3A_16 {strides = array<i32>} : memref<6144xf32, #tpu.memory_space<vmem>>, vector<16xf32>,
      }
      %scan3A_8 = arith.constant 384 : i32
      %scan3A_9 = arith.constant 0 : i32
      %scan3A_10 = arith.constant 0 : i32
      %scan3A_11 = arith.constant 1024 : i32
      %scan3A_12 = arith.addi %scan3A_10, %scan3A_11 : i32
      %scan3A_13 = arith.constant 1 : i32
      scf.for %scan3A_15 = %scan3A_10 to %scan3A_12 step %scan3A_13  : i32 {
        %mul3A = arith.constant 16 : i32
        %mul3A_16 = arith.muli %scan3A_15, %mul3A : i32
        %get3A = arith.index_cast %mul3A_16 : i32 to index
        %get3A_17 = tpu.vector_load %arg5[%get3A] {strides = array<i32>} : memref<16384xi32, #tpu.memory_space<vmem>>, vector<16xi32>,
        %mul3A_18 = arith.constant 16 : i32
        %mul3A_19 = arith.muli %scan3A_15, %mul3A_18 : i32
        %get3A_20 = arith.index_cast %mul3A_19 : i32 to index
        %get3A_21 = tpu.vector_load %arg6[%get3A_20] {strides = array<i32>} : memref<16384xf32, #tpu.memory_space<vmem>>, vector<16xf32>,
        %gt3A = arith.constant 0.000000e+00 : f32
        %gt3A_22 = vector.broadcast %gt3A : f32 to vector<16xf32>
        %gt3A_23 = arith.cmpf ogt, %get3A_21, %gt3A_22 : vector<16xf32>
        tpu.vector_store_idx %arg7[%get3A_17], %get3A_21 masked %gt3A_23 : memref<6144xf32, #tpu.memory_space<vmem>>[vector<16xi32>], vector<16xf32>, vector<16xi1>
      }
      %scan3A_14 = arith.constant 1024 : i32
      "tpu.region"() ({
        %run_scoped3A = tpu.sem_alloc : memref<!tpu.dma_semaphore, #tpu.memory_space<semaphore_mem>>
        tpu.enqueue_dma source(%arg7 : memref<6144xf32, #tpu.memory_space<vmem>>) target(%arg4 : memref<6144xf32, #tpu.memory_space<hbm>>) target_semaphore(%run_scoped3A : memref<!tpu.dma_semaphore, #tpu.memory_space<semaphore_mem>>)
        tpu.wait_dma2 semaphore(%run_scoped3A : memref<!tpu.dma_semaphore, #tpu.memory_space<semaphore_mem>>) src(%arg7 : memref<6144xf32, #tpu.memory_space<vmem>>) dst(%arg4 : memref<6144xf32, #tpu.memory_space<hbm>>)
        tpu.yield
      }) : () -> ()
    } else {
    }
    return
  }
}

module attributes {stable_mosaic.version = 14 : i64} {
  func.func @_pre_kernel(%arg0: i32, %arg1: memref<256x1xi32, #tpu.memory_space<vmem>>, %arg2: memref<256x1024xf32, #tpu.memory_space<vmem>>, %arg3: memref<1024x1536xbf16, #tpu.memory_space<vmem>>, %arg4: memref<1x1024xf32, #tpu.memory_space<vmem>>, %arg5: memref<1x1024xf32, #tpu.memory_space<vmem>>, %arg6: memref<1x256xf32, #tpu.memory_space<vmem>>, %arg7: memref<16x256x64xbf16, #tpu.memory_space<vmem>>, %arg8: memref<4x256x64xbf16, #tpu.memory_space<vmem>>, %arg9: memref<4x256x64xbf16, #tpu.memory_space<vmem>>) attributes {dimension_semantics = [#tpu.dimension_semantics<arbitrary>], iteration_bounds = array<i64: 8>, scalar_prefetch = 0 : i64, scratch_operands = 0 : i64, tpu.core_type = #tpu.core_type<tc>, window_params = [{transform_indices = @transform_0, window_bounds = array<i64: 256, 1>}, {transform_indices = @transform_1, window_bounds = array<i64: 256, 1024>}, {pipeline_mode = #tpu.pipeline_mode<synchronous>, transform_indices = @transform_2, window_bounds = array<i64: 1024, 1536>}, {pipeline_mode = #tpu.pipeline_mode<synchronous>, transform_indices = @transform_3, window_bounds = array<i64: 1, 1024>}, {pipeline_mode = #tpu.pipeline_mode<synchronous>, transform_indices = @transform_4, window_bounds = array<i64: 1, 1024>}, {pipeline_mode = #tpu.pipeline_mode<synchronous>, transform_indices = @transform_5, window_bounds = array<i64: 1, 256>}, {transform_indices = @transform_6, window_bounds = array<i64: 16, 256, 64>}, {transform_indices = @transform_7, window_bounds = array<i64: 4, 256, 64>}, {transform_indices = @transform_8, window_bounds = array<i64: 4, 256, 64>}]} {
    %get3A = arith.constant 0 : index
    %get3A_0 = arith.constant 0 : index
    %get3A_1 = vector.load %arg2[%get3A, %get3A_0] : memref<256x1024xf32, #tpu.memory_space<vmem>>, vector<256x1024xf32>
    %mul3A = arith.mulf %get3A_1, %get3A_1 : vector<256x1024xf32>
    %reduce_sum3A = arith.constant dense<0.000000e+00> : vector<256xf32>
    %reduce_sum3A_2 = vector.multi_reduction <add>, %mul3A, %reduce_sum3A [1] : vector<256x1024xf32> to vector<256xf32>
    %broadcast_in_dim3A = vector.shape_cast %reduce_sum3A_2 : vector<256xf32> to vector<256x1xf32>
    %div3A = arith.constant 1.024000e+03 : f32
    %div3A_3 = vector.broadcast %div3A : f32 to vector<256x1xf32>
    %div3A_4 = arith.divf %broadcast_in_dim3A, %div3A_3 : vector<256x1xf32>
    %add3A = arith.constant 9.99999997E-7 : f32
    %add3A_5 = vector.broadcast %add3A : f32 to vector<256x1xf32>
    %add3A_6 = arith.addf %div3A_4, %add3A_5 : vector<256x1xf32>
    %rsqrt3A = math.rsqrt %add3A_6 : vector<256x1xf32>
    %mul3A_7 = vector.broadcast %rsqrt3A : vector<256x1xf32> to vector<256x1024xf32>
    %mul3A_8 = arith.mulf %get3A_1, %mul3A_7 : vector<256x1024xf32>
    %get3A_9 = arith.constant 0 : index
    %get3A_10 = arith.constant 0 : index
    %get3A_11 = vector.load %arg4[%get3A_9, %get3A_10] : memref<1x1024xf32, #tpu.memory_space<vmem>>, vector<1x1024xf32>
    %mul3A_12 = vector.broadcast %get3A_11 : vector<1x1024xf32> to vector<256x1024xf32>
    %mul3A_13 = arith.mulf %mul3A_8, %mul3A_12 : vector<256x1024xf32>
    %convert_element_type3A = arith.truncf %mul3A_13 : vector<256x1024xf32> to vector<256x1024xbf16>
    %get3A_14 = arith.constant 0 : index
    %get3A_15 = arith.constant 0 : index
    %get3A_16 = vector.load %arg3[%get3A_14, %get3A_15] : memref<1024x1536xbf16, #tpu.memory_space<vmem>>, vector<1024x1536xbf16>
    %dot_general3A = arith.constant dense<0.000000e+00> : vector<256x1536xf32>
    %dot_general3A_17 = tpu.matmul %convert_element_type3A, %get3A_16, %dot_general3A {dimension_numbers = #tpu.dot_dimension_numbers<[1], [0], [0], [1], [0, 0, 1, 1], [], []>, transpose_lhs_hint = false} : vector<256x1024xbf16>, vector<1024x1536xbf16>, vector<256x1536xf32> -> vector<256x1536xf32>
    %get3A_18 = arith.constant 0 : index
    %get3A_19 = arith.constant 0 : index
    %get3A_20 = vector.load %arg1[%get3A_18, %get3A_19] : memref<256x1xi32, #tpu.memory_space<vmem>>, vector<256x1xi32>
    %convert_element_type3A_21 = arith.sitofp %get3A_20 : vector<256x1xi32> to vector<256x1xf32>
    %iota3A = tpu.iota {dimensions = array<i32: 1>} : vector<1x32xi32>
    %convert_element_type3A_22 = arith.sitofp %iota3A : vector<1x32xi32> to vector<1x32xf32>
    %mul3A_23 = arith.constant -3.125000e-02 : f32
    %mul3A_24 = vector.broadcast %mul3A_23 : f32 to vector<1x32xf32>
    %mul3A_25 = arith.mulf %convert_element_type3A_22, %mul3A_24 : vector<1x32xf32>
    %log3A = arith.constant 1.000000e+06 : f32
    %log3A_26 = math.log %log3A : f32
    %mul3A_27 = vector.broadcast %log3A_26 : f32 to vector<1x32xf32>
    %mul3A_28 = arith.mulf %mul3A_25, %mul3A_27 : vector<1x32xf32>
    %exp3A = math.exp %mul3A_28 : vector<1x32xf32>
    %mul3A_29 = vector.broadcast %convert_element_type3A_21 : vector<256x1xf32> to vector<256x32xf32>
    %mul3A_30 = vector.broadcast %exp3A : vector<1x32xf32> to vector<256x32xf32>
    %mul3A_31 = arith.mulf %mul3A_29, %mul3A_30 : vector<256x32xf32>
    %cos3A = math.cos %mul3A_31 : vector<256x32xf32>
    %sin3A = math.sin %mul3A_31 : vector<256x32xf32>
    %concatenate3A = tpu.concatenate %cos3A, %cos3A in 1 : vector<256x32xf32>, vector<256x32xf32> -> vector<256x64xf32>
    %neg3A = arith.constant 0.000000e+00 : f32
    %neg3A_32 = vector.broadcast %neg3A : f32 to vector<256x32xf32>
    %neg3A_33 = arith.subf %neg3A_32, %sin3A : vector<256x32xf32>
    %concatenate3A_34 = tpu.concatenate %neg3A_33, %sin3A in 1 : vector<256x32xf32>, vector<256x32xf32> -> vector<256x64xf32>
    %slice3A = vector.extract_strided_slice %dot_general3A_17 {offsets = [0, 0], sizes = [256, 1024], strides = [1, 1]} : vector<256x1536xf32> to vector<256x1024xf32>
    %get3A_35 = arith.constant 0 : index
    %get3A_36 = arith.constant 0 : index
    %get3A_37 = vector.load %arg5[%get3A_35, %get3A_36] : memref<1x1024xf32, #tpu.memory_space<vmem>>, vector<1x1024xf32>
    %iota3A_38 = tpu.iota {dimensions = array<i32: 0>} : vector<1024x16xi32>
    %jit3A = arith.constant 64 : i32
    %div3A_39 = vector.broadcast %jit3A : i32 to vector<1024x16xi32>
    %div3A_40 = arith.divsi %iota3A_38, %div3A_39 : vector<1024x16xi32>
    %sign3A = arith.constant 0 : i32
    %sign3A_41 = vector.broadcast %sign3A : i32 to vector<1024x16xi32>
    %sign3A_42 = arith.cmpi sgt, %iota3A_38, %sign3A_41 : vector<1024x16xi32>
    %sign3A_43 = arith.extui %sign3A_42 : vector<1024x16xi1> to vector<1024x16xi32>
    %sign3A_44 = arith.constant 0 : i32
    %sign3A_45 = vector.broadcast %sign3A_44 : i32 to vector<1024x16xi32>
    %sign3A_46 = arith.cmpi slt, %iota3A_38, %sign3A_45 : vector<1024x16xi32>
    %sign3A_47 = arith.extui %sign3A_46 : vector<1024x16xi1> to vector<1024x16xi32>
    %sign3A_48 = arith.subi %sign3A_43, %sign3A_47 : vector<1024x16xi32>
    %sign3A_49 = arith.constant 0 : i32
    %sign3A_50 = arith.cmpi sgt, %jit3A, %sign3A_49 : i32
    %sign3A_51 = arith.extui %sign3A_50 : i1 to i32
    %sign3A_52 = arith.constant 0 : i32
    %sign3A_53 = arith.cmpi slt, %jit3A, %sign3A_52 : i32
    %sign3A_54 = arith.extui %sign3A_53 : i1 to i32
    %sign3A_55 = arith.subi %sign3A_51, %sign3A_54 : i32
    %ne3A = vector.broadcast %sign3A_55 : i32 to vector<1024x16xi32>
    %ne3A_56 = arith.cmpi ne, %sign3A_48, %ne3A : vector<1024x16xi32>
    %rem3A = vector.broadcast %jit3A : i32 to vector<1024x16xi32>
    %rem3A_57 = arith.remsi %iota3A_38, %rem3A : vector<1024x16xi32>
    %ne3A_58 = arith.constant 0 : i32
    %ne3A_59 = vector.broadcast %ne3A_58 : i32 to vector<1024x16xi32>
    %ne3A_60 = arith.cmpi ne, %rem3A_57, %ne3A_59 : vector<1024x16xi32>
    %and3A = arith.andi %ne3A_56, %ne3A_60 : vector<1024x16xi1>
    %sub3A = arith.constant 1 : i32
    %sub3A_61 = vector.broadcast %sub3A : i32 to vector<1024x16xi32>
    %sub3A_62 = arith.subi %div3A_40, %sub3A_61 : vector<1024x16xi32>
    %select_n3A = arith.select %and3A, %sub3A_62, %div3A_40 : vector<1024x16xi1>, vector<1024x16xi32>
    %iota3A_63 = tpu.iota {dimensions = array<i32: 1>} : vector<1024x16xi32>
    %eq3A = arith.cmpi eq, %select_n3A, %iota3A_63 : vector<1024x16xi32>
    %convert_element_type3A_64 = arith.extui %eq3A : vector<1024x16xi1> to vector<1024x16xi32>
    %convert_element_type3A_65 = arith.sitofp %convert_element_type3A_64 : vector<1024x16xi32> to vector<1024x16xf32>
    %iota3A_66 = tpu.iota {dimensions = array<i32: 0>} : vector<16x1024xi32>
    %iota3A_67 = tpu.iota {dimensions = array<i32: 1>} : vector<16x1024xi32>
    %jit3A_68 = arith.constant 64 : i32
    %div3A_69 = vector.broadcast %jit3A_68 : i32 to vector<16x1024xi32>
    %div3A_70 = arith.divsi %iota3A_67, %div3A_69 : vector<16x1024xi32>
    %sign3A_71 = arith.constant 0 : i32
    %sign3A_72 = vector.broadcast %sign3A_71 : i32 to vector<16x1024xi32>
    %sign3A_73 = arith.cmpi sgt, %iota3A_67, %sign3A_72 : vector<16x1024xi32>
    %sign3A_74 = arith.extui %sign3A_73 : vector<16x1024xi1> to vector<16x1024xi32>
    %sign3A_75 = arith.constant 0 : i32
    %sign3A_76 = vector.broadcast %sign3A_75 : i32 to vector<16x1024xi32>
    %sign3A_77 = arith.cmpi slt, %iota3A_67, %sign3A_76 : vector<16x1024xi32>
    %sign3A_78 = arith.extui %sign3A_77 : vector<16x1024xi1> to vector<16x1024xi32>
    %sign3A_79 = arith.subi %sign3A_74, %sign3A_78 : vector<16x1024xi32>
    %sign3A_80 = arith.constant 0 : i32
    %sign3A_81 = arith.cmpi sgt, %jit3A_68, %sign3A_80 : i32
    %sign3A_82 = arith.extui %sign3A_81 : i1 to i32
    %sign3A_83 = arith.constant 0 : i32
    %sign3A_84 = arith.cmpi slt, %jit3A_68, %sign3A_83 : i32
    %sign3A_85 = arith.extui %sign3A_84 : i1 to i32
    %sign3A_86 = arith.subi %sign3A_82, %sign3A_85 : i32
    %ne3A_87 = vector.broadcast %sign3A_86 : i32 to vector<16x1024xi32>
    %ne3A_88 = arith.cmpi ne, %sign3A_79, %ne3A_87 : vector<16x1024xi32>
    %rem3A_89 = vector.broadcast %jit3A_68 : i32 to vector<16x1024xi32>
    %rem3A_90 = arith.remsi %iota3A_67, %rem3A_89 : vector<16x1024xi32>
    %ne3A_91 = arith.constant 0 : i32
    %ne3A_92 = vector.broadcast %ne3A_91 : i32 to vector<16x1024xi32>
    %ne3A_93 = arith.cmpi ne, %rem3A_90, %ne3A_92 : vector<16x1024xi32>
    %and3A_94 = arith.andi %ne3A_88, %ne3A_93 : vector<16x1024xi1>
    %sub3A_95 = arith.constant 1 : i32
    %sub3A_96 = vector.broadcast %sub3A_95 : i32 to vector<16x1024xi32>
    %sub3A_97 = arith.subi %div3A_70, %sub3A_96 : vector<16x1024xi32>
    %select_n3A_98 = arith.select %and3A_94, %sub3A_97, %div3A_70 : vector<16x1024xi1>, vector<16x1024xi32>
    %eq3A_99 = arith.cmpi eq, %iota3A_66, %select_n3A_98 : vector<16x1024xi32>
    %convert_element_type3A_100 = arith.extui %eq3A_99 : vector<16x1024xi1> to vector<16x1024xi32>
    %convert_element_type3A_101 = arith.sitofp %convert_element_type3A_100 : vector<16x1024xi32> to vector<16x1024xf32>
    %mul3A_102 = arith.mulf %slice3A, %slice3A : vector<256x1024xf32>
    %dot_general3A_103 = arith.constant dense<0.000000e+00> : vector<256x16xf32>
    %dot_general3A_104 = tpu.matmul %mul3A_102, %convert_element_type3A_65, %dot_general3A_103 {dimension_numbers = #tpu.dot_dimension_numbers<[1], [0], [0], [1], [0, 0, 1, 1], [], []>, transpose_lhs_hint = false} : vector<256x1024xf32>, vector<1024x16xf32>, vector<256x16xf32> -> vector<256x16xf32>
    %mul3A_105 = arith.constant 1.562500e-02 : f32
    %mul3A_106 = vector.broadcast %mul3A_105 : f32 to vector<256x16xf32>
    %mul3A_107 = arith.mulf %dot_general3A_104, %mul3A_106 : vector<256x16xf32>
    %add3A_108 = arith.constant 9.99999997E-7 : f32
    %add3A_109 = vector.broadcast %add3A_108 : f32 to vector<256x16xf32>
    %add3A_110 = arith.addf %mul3A_107, %add3A_109 : vector<256x16xf32>
    %rsqrt3A_111 = math.rsqrt %add3A_110 : vector<256x16xf32>
    %dot_general3A_112 = arith.constant dense<0.000000e+00> : vector<256x1024xf32>
    %dot_general3A_113 = tpu.matmul %rsqrt3A_111, %convert_element_type3A_101, %dot_general3A_112 {dimension_numbers = #tpu.dot_dimension_numbers<[1], [0], [0], [1], [0, 0, 1, 1], [], []>, transpose_lhs_hint = false} : vector<256x16xf32>, vector<16x1024xf32>, vector<256x1024xf32> -> vector<256x1024xf32>
    %mul3A_114 = arith.mulf %slice3A, %dot_general3A_113 : vector<256x1024xf32>
    %mul3A_115 = vector.broadcast %get3A_37 : vector<1x1024xf32> to vector<256x1024xf32>
    %mul3A_116 = arith.mulf %mul3A_114, %mul3A_115 : vector<256x1024xf32>
    %iota3A_117 = tpu.iota {dimensions = array<i32: 1>} : vector<256x1024xi32>
    %jit3A_118 = arith.constant 64 : i32
    %eq3A_119 = arith.constant 0 : i32
    %eq3A_120 = arith.cmpi eq, %jit3A_118, %eq3A_119 : i32
    %jit3A_121 = arith.constant 1 : i32
    %select_n3A_122 = arith.select %eq3A_120, %jit3A_121, %jit3A_118 : i32
    %rem3A_123 = vector.broadcast %select_n3A_122 : i32 to vector<256x1024xi32>
    %rem3A_124 = arith.remsi %iota3A_117, %rem3A_123 : vector<256x1024xi32>
    %ne3A_125 = arith.constant 0 : i32
    %ne3A_126 = vector.broadcast %ne3A_125 : i32 to vector<256x1024xi32>
    %ne3A_127 = arith.cmpi ne, %rem3A_124, %ne3A_126 : vector<256x1024xi32>
    %lt3A = arith.constant 0 : i32
    %lt3A_128 = vector.broadcast %lt3A : i32 to vector<256x1024xi32>
    %lt3A_129 = arith.cmpi slt, %rem3A_124, %lt3A_128 : vector<256x1024xi32>
    %lt3A_130 = arith.constant 0 : i32
    %lt3A_131 = arith.cmpi slt, %select_n3A_122, %lt3A_130 : i32
    %ne3A_132 = vector.broadcast %lt3A_131 : i1 to vector<256x1024xi1>
    %ne3A_133 = vector.broadcast %ne3A_132 : vector<256x1024xi1> to vector<256x1024xi1>
    %ne3A_134 = arith.xori %lt3A_129, %ne3A_133 : vector<256x1024xi1>
    %and3A_135 = arith.andi %ne3A_134, %ne3A_127 : vector<256x1024xi1>
    %add3A_136 = vector.broadcast %select_n3A_122 : i32 to vector<256x1024xi32>
    %add3A_137 = arith.addi %rem3A_124, %add3A_136 : vector<256x1024xi32>
    %select_n3A_138 = arith.select %and3A_135, %add3A_137, %rem3A_124 : vector<256x1024xi1>, vector<256x1024xi32>
    %lt3A_139 = arith.constant 32 : i32
    %lt3A_140 = vector.broadcast %lt3A_139 : i32 to vector<256x1024xi32>
    %lt3A_141 = arith.cmpi slt, %select_n3A_138, %lt3A_140 : vector<256x1024xi32>
    %roll3A = arith.constant 992 : i32
    %roll3A_142 = tpu.dynamic_rotate %mul3A_116 by %roll3A dim 1 : vector<256x1024xf32>, i32 -> vector<256x1024xf32>
    %roll3A_143 = arith.constant 32 : i32
    %roll3A_144 = tpu.dynamic_rotate %mul3A_116 by %roll3A_143 dim 1 : vector<256x1024xf32>, i32 -> vector<256x1024xf32>
    %select_n3A_145 = arith.select %lt3A_141, %roll3A_142, %roll3A_144 : vector<256x1024xi1>, vector<256x1024xf32>
    %concatenate3A_146 = tpu.concatenate %concatenate3A, %concatenate3A, %concatenate3A, %concatenate3A, %concatenate3A, %concatenate3A, %concatenate3A, %concatenate3A, %concatenate3A, %concatenate3A, %concatenate3A, %concatenate3A, %concatenate3A, %concatenate3A, %concatenate3A, %concatenate3A in 1 : vector<256x64xf32>, vector<256x64xf32>, vector<256x64xf32>, vector<256x64xf32>, vector<256x64xf32>, vector<256x64xf32>, vector<256x64xf32>, vector<256x64xf32>, vector<256x64xf32>, vector<256x64xf32>, vector<256x64xf32>, vector<256x64xf32>, vector<256x64xf32>, vector<256x64xf32>, vector<256x64xf32>, vector<256x64xf32> -> vector<256x1024xf32>
    %concatenate3A_147 = tpu.concatenate %concatenate3A_34, %concatenate3A_34, %concatenate3A_34, %concatenate3A_34, %concatenate3A_34, %concatenate3A_34, %concatenate3A_34, %concatenate3A_34, %concatenate3A_34, %concatenate3A_34, %concatenate3A_34, %concatenate3A_34, %concatenate3A_34, %concatenate3A_34, %concatenate3A_34, %concatenate3A_34 in 1 : vector<256x64xf32>, vector<256x64xf32>, vector<256x64xf32>, vector<256x64xf32>, vector<256x64xf32>, vector<256x64xf32>, vector<256x64xf32>, vector<256x64xf32>, vector<256x64xf32>, vector<256x64xf32>, vector<256x64xf32>, vector<256x64xf32>, vector<256x64xf32>, vector<256x64xf32>, vector<256x64xf32>, vector<256x64xf32> -> vector<256x1024xf32>
    %mul3A_148 = arith.mulf %mul3A_116, %concatenate3A_146 : vector<256x1024xf32>
    %mul3A_149 = arith.mulf %select_n3A_145, %concatenate3A_147 : vector<256x1024xf32>
    %add3A_150 = arith.addf %mul3A_148, %mul3A_149 : vector<256x1024xf32>
    %convert_element_type3A_151 = arith.truncf %add3A_150 : vector<256x1024xf32> to vector<256x1024xbf16>
    %slice3A_152 = vector.extract_strided_slice %dot_general3A_17 {offsets = [0, 1024], sizes = [256, 256], strides = [1, 1]} : vector<256x1536xf32> to vector<256x256xf32>
    %get3A_153 = arith.constant 0 : index
    %get3A_154 = arith.constant 0 : index
    %get3A_155 = vector.load %arg6[%get3A_153, %get3A_154] : memref<1x256xf32, #tpu.memory_space<vmem>>, vector<1x256xf32>
    %iota3A_156 = tpu.iota {dimensions = array<i32: 0>} : vector<256x4xi32>
    %jit3A_157 = arith.constant 64 : i32
    %div3A_158 = vector.broadcast %jit3A_157 : i32 to vector<256x4xi32>
    %div3A_159 = arith.divsi %iota3A_156, %div3A_158 : vector<256x4xi32>
    %sign3A_160 = arith.constant 0 : i32
    %sign3A_161 = vector.broadcast %sign3A_160 : i32 to vector<256x4xi32>
    %sign3A_162 = arith.cmpi sgt, %iota3A_156, %sign3A_161 : vector<256x4xi32>
    %sign3A_163 = arith.extui %sign3A_162 : vector<256x4xi1> to vector<256x4xi32>
    %sign3A_164 = arith.constant 0 : i32
    %sign3A_165 = vector.broadcast %sign3A_164 : i32 to vector<256x4xi32>
    %sign3A_166 = arith.cmpi slt, %iota3A_156, %sign3A_165 : vector<256x4xi32>
    %sign3A_167 = arith.extui %sign3A_166 : vector<256x4xi1> to vector<256x4xi32>
    %sign3A_168 = arith.subi %sign3A_163, %sign3A_167 : vector<256x4xi32>
    %sign3A_169 = arith.constant 0 : i32
    %sign3A_170 = arith.cmpi sgt, %jit3A_157, %sign3A_169 : i32
    %sign3A_171 = arith.extui %sign3A_170 : i1 to i32
    %sign3A_172 = arith.constant 0 : i32
    %sign3A_173 = arith.cmpi slt, %jit3A_157, %sign3A_172 : i32
    %sign3A_174 = arith.extui %sign3A_173 : i1 to i32
    %sign3A_175 = arith.subi %sign3A_171, %sign3A_174 : i32
    %ne3A_176 = vector.broadcast %sign3A_175 : i32 to vector<256x4xi32>
    %ne3A_177 = arith.cmpi ne, %sign3A_168, %ne3A_176 : vector<256x4xi32>
    %rem3A_178 = vector.broadcast %jit3A_157 : i32 to vector<256x4xi32>
    %rem3A_179 = arith.remsi %iota3A_156, %rem3A_178 : vector<256x4xi32>
    %ne3A_180 = arith.constant 0 : i32
    %ne3A_181 = vector.broadcast %ne3A_180 : i32 to vector<256x4xi32>
    %ne3A_182 = arith.cmpi ne, %rem3A_179, %ne3A_181 : vector<256x4xi32>
    %and3A_183 = arith.andi %ne3A_177, %ne3A_182 : vector<256x4xi1>
    %sub3A_184 = arith.constant 1 : i32
    %sub3A_185 = vector.broadcast %sub3A_184 : i32 to vector<256x4xi32>
    %sub3A_186 = arith.subi %div3A_159, %sub3A_185 : vector<256x4xi32>
    %select_n3A_187 = arith.select %and3A_183, %sub3A_186, %div3A_159 : vector<256x4xi1>, vector<256x4xi32>
    %iota3A_188 = tpu.iota {dimensions = array<i32: 1>} : vector<256x4xi32>
    %eq3A_189 = arith.cmpi eq, %select_n3A_187, %iota3A_188 : vector<256x4xi32>
    %convert_element_type3A_190 = arith.extui %eq3A_189 : vector<256x4xi1> to vector<256x4xi32>
    %convert_element_type3A_191 = arith.sitofp %convert_element_type3A_190 : vector<256x4xi32> to vector<256x4xf32>
    %iota3A_192 = tpu.iota {dimensions = array<i32: 0>} : vector<4x256xi32>
    %iota3A_193 = tpu.iota {dimensions = array<i32: 1>} : vector<4x256xi32>
    %jit3A_194 = arith.constant 64 : i32
    %div3A_195 = vector.broadcast %jit3A_194 : i32 to vector<4x256xi32>
    %div3A_196 = arith.divsi %iota3A_193, %div3A_195 : vector<4x256xi32>
    %sign3A_197 = arith.constant 0 : i32
    %sign3A_198 = vector.broadcast %sign3A_197 : i32 to vector<4x256xi32>
    %sign3A_199 = arith.cmpi sgt, %iota3A_193, %sign3A_198 : vector<4x256xi32>
    %sign3A_200 = arith.extui %sign3A_199 : vector<4x256xi1> to vector<4x256xi32>
    %sign3A_201 = arith.constant 0 : i32
    %sign3A_202 = vector.broadcast %sign3A_201 : i32 to vector<4x256xi32>
    %sign3A_203 = arith.cmpi slt, %iota3A_193, %sign3A_202 : vector<4x256xi32>
    %sign3A_204 = arith.extui %sign3A_203 : vector<4x256xi1> to vector<4x256xi32>
    %sign3A_205 = arith.subi %sign3A_200, %sign3A_204 : vector<4x256xi32>
    %sign3A_206 = arith.constant 0 : i32
    %sign3A_207 = arith.cmpi sgt, %jit3A_194, %sign3A_206 : i32
    %sign3A_208 = arith.extui %sign3A_207 : i1 to i32
    %sign3A_209 = arith.constant 0 : i32
    %sign3A_210 = arith.cmpi slt, %jit3A_194, %sign3A_209 : i32
    %sign3A_211 = arith.extui %sign3A_210 : i1 to i32
    %sign3A_212 = arith.subi %sign3A_208, %sign3A_211 : i32
    %ne3A_213 = vector.broadcast %sign3A_212 : i32 to vector<4x256xi32>
    %ne3A_214 = arith.cmpi ne, %sign3A_205, %ne3A_213 : vector<4x256xi32>
    %rem3A_215 = vector.broadcast %jit3A_194 : i32 to vector<4x256xi32>
    %rem3A_216 = arith.remsi %iota3A_193, %rem3A_215 : vector<4x256xi32>
    %ne3A_217 = arith.constant 0 : i32
    %ne3A_218 = vector.broadcast %ne3A_217 : i32 to vector<4x256xi32>
    %ne3A_219 = arith.cmpi ne, %rem3A_216, %ne3A_218 : vector<4x256xi32>
    %and3A_220 = arith.andi %ne3A_214, %ne3A_219 : vector<4x256xi1>
    %sub3A_221 = arith.constant 1 : i32
    %sub3A_222 = vector.broadcast %sub3A_221 : i32 to vector<4x256xi32>
    %sub3A_223 = arith.subi %div3A_196, %sub3A_222 : vector<4x256xi32>
    %select_n3A_224 = arith.select %and3A_220, %sub3A_223, %div3A_196 : vector<4x256xi1>, vector<4x256xi32>
    %eq3A_225 = arith.cmpi eq, %iota3A_192, %select_n3A_224 : vector<4x256xi32>
    %convert_element_type3A_226 = arith.extui %eq3A_225 : vector<4x256xi1> to vector<4x256xi32>
    %convert_element_type3A_227 = arith.sitofp %convert_element_type3A_226 : vector<4x256xi32> to vector<4x256xf32>
    %mul3A_228 = arith.mulf %slice3A_152, %slice3A_152 : vector<256x256xf32>
    %dot_general3A_229 = arith.constant dense<0.000000e+00> : vector<256x4xf32>
    %dot_general3A_230 = tpu.matmul %mul3A_228, %convert_element_type3A_191, %dot_general3A_229 {dimension_numbers = #tpu.dot_dimension_numbers<[1], [0], [0], [1], [0, 0, 1, 1], [], []>, transpose_lhs_hint = false} : vector<256x256xf32>, vector<256x4xf32>, vector<256x4xf32> -> vector<256x4xf32>
    %mul3A_231 = arith.constant 1.562500e-02 : f32
    %mul3A_232 = vector.broadcast %mul3A_231 : f32 to vector<256x4xf32>
    %mul3A_233 = arith.mulf %dot_general3A_230, %mul3A_232 : vector<256x4xf32>
    %add3A_234 = arith.constant 9.99999997E-7 : f32
    %add3A_235 = vector.broadcast %add3A_234 : f32 to vector<256x4xf32>
    %add3A_236 = arith.addf %mul3A_233, %add3A_235 : vector<256x4xf32>
    %rsqrt3A_237 = math.rsqrt %add3A_236 : vector<256x4xf32>
    %dot_general3A_238 = arith.constant dense<0.000000e+00> : vector<256x256xf32>
    %dot_general3A_239 = tpu.matmul %rsqrt3A_237, %convert_element_type3A_227, %dot_general3A_238 {dimension_numbers = #tpu.dot_dimension_numbers<[1], [0], [0], [1], [0, 0, 1, 1], [], []>, transpose_lhs_hint = false} : vector<256x4xf32>, vector<4x256xf32>, vector<256x256xf32> -> vector<256x256xf32>
    %mul3A_240 = arith.mulf %slice3A_152, %dot_general3A_239 : vector<256x256xf32>
    %mul3A_241 = vector.broadcast %get3A_155 : vector<1x256xf32> to vector<256x256xf32>
    %mul3A_242 = arith.mulf %mul3A_240, %mul3A_241 : vector<256x256xf32>
    %iota3A_243 = tpu.iota {dimensions = array<i32: 1>} : vector<256x256xi32>
    %jit3A_244 = arith.constant 64 : i32
    %eq3A_245 = arith.constant 0 : i32
    %eq3A_246 = arith.cmpi eq, %jit3A_244, %eq3A_245 : i32
    %jit3A_247 = arith.constant 1 : i32
    %select_n3A_248 = arith.select %eq3A_246, %jit3A_247, %jit3A_244 : i32
    %rem3A_249 = vector.broadcast %select_n3A_248 : i32 to vector<256x256xi32>
    %rem3A_250 = arith.remsi %iota3A_243, %rem3A_249 : vector<256x256xi32>
    %ne3A_251 = arith.constant 0 : i32
    %ne3A_252 = vector.broadcast %ne3A_251 : i32 to vector<256x256xi32>
    %ne3A_253 = arith.cmpi ne, %rem3A_250, %ne3A_252 : vector<256x256xi32>
    %lt3A_254 = arith.constant 0 : i32
    %lt3A_255 = vector.broadcast %lt3A_254 : i32 to vector<256x256xi32>
    %lt3A_256 = arith.cmpi slt, %rem3A_250, %lt3A_255 : vector<256x256xi32>
    %lt3A_257 = arith.constant 0 : i32
    %lt3A_258 = arith.cmpi slt, %select_n3A_248, %lt3A_257 : i32
    %ne3A_259 = vector.broadcast %lt3A_258 : i1 to vector<256x256xi1>
    %ne3A_260 = vector.broadcast %ne3A_259 : vector<256x256xi1> to vector<256x256xi1>
    %ne3A_261 = arith.xori %lt3A_256, %ne3A_260 : vector<256x256xi1>
    %and3A_262 = arith.andi %ne3A_261, %ne3A_253 : vector<256x256xi1>
    %add3A_263 = vector.broadcast %select_n3A_248 : i32 to vector<256x256xi32>
    %add3A_264 = arith.addi %rem3A_250, %add3A_263 : vector<256x256xi32>
    %select_n3A_265 = arith.select %and3A_262, %add3A_264, %rem3A_250 : vector<256x256xi1>, vector<256x256xi32>
    %lt3A_266 = arith.constant 32 : i32
    %lt3A_267 = vector.broadcast %lt3A_266 : i32 to vector<256x256xi32>
    %lt3A_268 = arith.cmpi slt, %select_n3A_265, %lt3A_267 : vector<256x256xi32>
    %roll3A_269 = arith.constant 224 : i32
    %roll3A_270 = tpu.dynamic_rotate %mul3A_242 by %roll3A_269 dim 1 : vector<256x256xf32>, i32 -> vector<256x256xf32>
    %roll3A_271 = arith.constant 32 : i32
    %roll3A_272 = tpu.dynamic_rotate %mul3A_242 by %roll3A_271 dim 1 : vector<256x256xf32>, i32 -> vector<256x256xf32>
    %select_n3A_273 = arith.select %lt3A_268, %roll3A_270, %roll3A_272 : vector<256x256xi1>, vector<256x256xf32>
    %concatenate3A_274 = tpu.concatenate %concatenate3A, %concatenate3A, %concatenate3A, %concatenate3A in 1 : vector<256x64xf32>, vector<256x64xf32>, vector<256x64xf32>, vector<256x64xf32> -> vector<256x256xf32>
    %concatenate3A_275 = tpu.concatenate %concatenate3A_34, %concatenate3A_34, %concatenate3A_34, %concatenate3A_34 in 1 : vector<256x64xf32>, vector<256x64xf32>, vector<256x64xf32>, vector<256x64xf32> -> vector<256x256xf32>
    %mul3A_276 = arith.mulf %mul3A_242, %concatenate3A_274 : vector<256x256xf32>
    %mul3A_277 = arith.mulf %select_n3A_273, %concatenate3A_275 : vector<256x256xf32>
    %add3A_278 = arith.addf %mul3A_276, %mul3A_277 : vector<256x256xf32>
    %convert_element_type3A_279 = arith.truncf %add3A_278 : vector<256x256xf32> to vector<256x256xbf16>
    %slice3A_280 = vector.extract_strided_slice %convert_element_type3A_151 {offsets = [0, 0], sizes = [256, 64], strides = [1, 1]} : vector<256x1024xbf16> to vector<256x64xbf16>
    %swap3A = arith.constant 0 : index
    %swap3A_281 = arith.constant 0 : index
    %swap3A_282 = arith.constant 0 : index
    %swap3A_283 = vector.load %arg7[%swap3A, %swap3A_281, %swap3A_282] : memref<16x256x64xbf16, #tpu.memory_space<vmem>>, vector<1x256x64xbf16>
    %swap3A_284 = vector.shape_cast %swap3A_283 : vector<1x256x64xbf16> to vector<256x64xbf16>
    %swap3A_285 = vector.shape_cast %slice3A_280 : vector<256x64xbf16> to vector<1x256x64xbf16>
    tpu.vector_store %arg7[%swap3A, %swap3A_281, %swap3A_282], %swap3A_285 {strides = array<i32>} : memref<16x256x64xbf16, #tpu.memory_space<vmem>>, vector<1x256x64xbf16>,
    %slice3A_286 = vector.extract_strided_slice %convert_element_type3A_151 {offsets = [0, 64], sizes = [256, 64], strides = [1, 1]} : vector<256x1024xbf16> to vector<256x64xbf16>
    %swap3A_287 = arith.constant 1 : index
    %swap3A_288 = arith.constant 0 : index
    %swap3A_289 = arith.constant 0 : index
    %swap3A_290 = vector.load %arg7[%swap3A_287, %swap3A_288, %swap3A_289] : memref<16x256x64xbf16, #tpu.memory_space<vmem>>, vector<1x256x64xbf16>
    %swap3A_291 = vector.shape_cast %swap3A_290 : vector<1x256x64xbf16> to vector<256x64xbf16>
    %swap3A_292 = vector.shape_cast %slice3A_286 : vector<256x64xbf16> to vector<1x256x64xbf16>
    tpu.vector_store %arg7[%swap3A_287, %swap3A_288, %swap3A_289], %swap3A_292 {strides = array<i32>} : memref<16x256x64xbf16, #tpu.memory_space<vmem>>, vector<1x256x64xbf16>,
    %slice3A_293 = vector.extract_strided_slice %convert_element_type3A_151 {offsets = [0, 128], sizes = [256, 64], strides = [1, 1]} : vector<256x1024xbf16> to vector<256x64xbf16>
    %swap3A_294 = arith.constant 2 : index
    %swap3A_295 = arith.constant 0 : index
    %swap3A_296 = arith.constant 0 : index
    %swap3A_297 = vector.load %arg7[%swap3A_294, %swap3A_295, %swap3A_296] : memref<16x256x64xbf16, #tpu.memory_space<vmem>>, vector<1x256x64xbf16>
    %swap3A_298 = vector.shape_cast %swap3A_297 : vector<1x256x64xbf16> to vector<256x64xbf16>
    %swap3A_299 = vector.shape_cast %slice3A_293 : vector<256x64xbf16> to vector<1x256x64xbf16>
    tpu.vector_store %arg7[%swap3A_294, %swap3A_295, %swap3A_296], %swap3A_299 {strides = array<i32>} : memref<16x256x64xbf16, #tpu.memory_space<vmem>>, vector<1x256x64xbf16>,
    %slice3A_300 = vector.extract_strided_slice %convert_element_type3A_151 {offsets = [0, 192], sizes = [256, 64], strides = [1, 1]} : vector<256x1024xbf16> to vector<256x64xbf16>
    %swap3A_301 = arith.constant 3 : index
    %swap3A_302 = arith.constant 0 : index
    %swap3A_303 = arith.constant 0 : index
    %swap3A_304 = vector.load %arg7[%swap3A_301, %swap3A_302, %swap3A_303] : memref<16x256x64xbf16, #tpu.memory_space<vmem>>, vector<1x256x64xbf16>
    %swap3A_305 = vector.shape_cast %swap3A_304 : vector<1x256x64xbf16> to vector<256x64xbf16>
    %swap3A_306 = vector.shape_cast %slice3A_300 : vector<256x64xbf16> to vector<1x256x64xbf16>
    tpu.vector_store %arg7[%swap3A_301, %swap3A_302, %swap3A_303], %swap3A_306 {strides = array<i32>} : memref<16x256x64xbf16, #tpu.memory_space<vmem>>, vector<1x256x64xbf16>,
    %slice3A_307 = vector.extract_strided_slice %convert_element_type3A_151 {offsets = [0, 256], sizes = [256, 64], strides = [1, 1]} : vector<256x1024xbf16> to vector<256x64xbf16>
    %swap3A_308 = arith.constant 4 : index
    %swap3A_309 = arith.constant 0 : index
    %swap3A_310 = arith.constant 0 : index
    %swap3A_311 = vector.load %arg7[%swap3A_308, %swap3A_309, %swap3A_310] : memref<16x256x64xbf16, #tpu.memory_space<vmem>>, vector<1x256x64xbf16>
    %swap3A_312 = vector.shape_cast %swap3A_311 : vector<1x256x64xbf16> to vector<256x64xbf16>
    %swap3A_313 = vector.shape_cast %slice3A_307 : vector<256x64xbf16> to vector<1x256x64xbf16>
    tpu.vector_store %arg7[%swap3A_308, %swap3A_309, %swap3A_310], %swap3A_313 {strides = array<i32>} : memref<16x256x64xbf16, #tpu.memory_space<vmem>>, vector<1x256x64xbf16>,
    %slice3A_314 = vector.extract_strided_slice %convert_element_type3A_151 {offsets = [0, 320], sizes = [256, 64], strides = [1, 1]} : vector<256x1024xbf16> to vector<256x64xbf16>
    %swap3A_315 = arith.constant 5 : index
    %swap3A_316 = arith.constant 0 : index
    %swap3A_317 = arith.constant 0 : index
    %swap3A_318 = vector.load %arg7[%swap3A_315, %swap3A_316, %swap3A_317] : memref<16x256x64xbf16, #tpu.memory_space<vmem>>, vector<1x256x64xbf16>
    %swap3A_319 = vector.shape_cast %swap3A_318 : vector<1x256x64xbf16> to vector<256x64xbf16>
    %swap3A_320 = vector.shape_cast %slice3A_314 : vector<256x64xbf16> to vector<1x256x64xbf16>
    tpu.vector_store %arg7[%swap3A_315, %swap3A_316, %swap3A_317], %swap3A_320 {strides = array<i32>} : memref<16x256x64xbf16, #tpu.memory_space<vmem>>, vector<1x256x64xbf16>,
    %slice3A_321 = vector.extract_strided_slice %convert_element_type3A_151 {offsets = [0, 384], sizes = [256, 64], strides = [1, 1]} : vector<256x1024xbf16> to vector<256x64xbf16>
    %swap3A_322 = arith.constant 6 : index
    %swap3A_323 = arith.constant 0 : index
    %swap3A_324 = arith.constant 0 : index
    %swap3A_325 = vector.load %arg7[%swap3A_322, %swap3A_323, %swap3A_324] : memref<16x256x64xbf16, #tpu.memory_space<vmem>>, vector<1x256x64xbf16>
    %swap3A_326 = vector.shape_cast %swap3A_325 : vector<1x256x64xbf16> to vector<256x64xbf16>
    %swap3A_327 = vector.shape_cast %slice3A_321 : vector<256x64xbf16> to vector<1x256x64xbf16>
    tpu.vector_store %arg7[%swap3A_322, %swap3A_323, %swap3A_324], %swap3A_327 {strides = array<i32>} : memref<16x256x64xbf16, #tpu.memory_space<vmem>>, vector<1x256x64xbf16>,
    %slice3A_328 = vector.extract_strided_slice %convert_element_type3A_151 {offsets = [0, 448], sizes = [256, 64], strides = [1, 1]} : vector<256x1024xbf16> to vector<256x64xbf16>
    %swap3A_329 = arith.constant 7 : index
    %swap3A_330 = arith.constant 0 : index
    %swap3A_331 = arith.constant 0 : index
    %swap3A_332 = vector.load %arg7[%swap3A_329, %swap3A_330, %swap3A_331] : memref<16x256x64xbf16, #tpu.memory_space<vmem>>, vector<1x256x64xbf16>
    %swap3A_333 = vector.shape_cast %swap3A_332 : vector<1x256x64xbf16> to vector<256x64xbf16>
    %swap3A_334 = vector.shape_cast %slice3A_328 : vector<256x64xbf16> to vector<1x256x64xbf16>
    tpu.vector_store %arg7[%swap3A_329, %swap3A_330, %swap3A_331], %swap3A_334 {strides = array<i32>} : memref<16x256x64xbf16, #tpu.memory_space<vmem>>, vector<1x256x64xbf16>,
    %slice3A_335 = vector.extract_strided_slice %convert_element_type3A_151 {offsets = [0, 512], sizes = [256, 64], strides = [1, 1]} : vector<256x1024xbf16> to vector<256x64xbf16>
    %swap3A_336 = arith.constant 8 : index
    %swap3A_337 = arith.constant 0 : index
    %swap3A_338 = arith.constant 0 : index
    %swap3A_339 = vector.load %arg7[%swap3A_336, %swap3A_337, %swap3A_338] : memref<16x256x64xbf16, #tpu.memory_space<vmem>>, vector<1x256x64xbf16>
    %swap3A_340 = vector.shape_cast %swap3A_339 : vector<1x256x64xbf16> to vector<256x64xbf16>
    %swap3A_341 = vector.shape_cast %slice3A_335 : vector<256x64xbf16> to vector<1x256x64xbf16>
    tpu.vector_store %arg7[%swap3A_336, %swap3A_337, %swap3A_338], %swap3A_341 {strides = array<i32>} : memref<16x256x64xbf16, #tpu.memory_space<vmem>>, vector<1x256x64xbf16>,
    %slice3A_342 = vector.extract_strided_slice %convert_element_type3A_151 {offsets = [0, 576], sizes = [256, 64], strides = [1, 1]} : vector<256x1024xbf16> to vector<256x64xbf16>
    %swap3A_343 = arith.constant 9 : index
    %swap3A_344 = arith.constant 0 : index
    %swap3A_345 = arith.constant 0 : index
    %swap3A_346 = vector.load %arg7[%swap3A_343, %swap3A_344, %swap3A_345] : memref<16x256x64xbf16, #tpu.memory_space<vmem>>, vector<1x256x64xbf16>
    %swap3A_347 = vector.shape_cast %swap3A_346 : vector<1x256x64xbf16> to vector<256x64xbf16>
    %swap3A_348 = vector.shape_cast %slice3A_342 : vector<256x64xbf16> to vector<1x256x64xbf16>
    tpu.vector_store %arg7[%swap3A_343, %swap3A_344, %swap3A_345], %swap3A_348 {strides = array<i32>} : memref<16x256x64xbf16, #tpu.memory_space<vmem>>, vector<1x256x64xbf16>,
    %slice3A_349 = vector.extract_strided_slice %convert_element_type3A_151 {offsets = [0, 640], sizes = [256, 64], strides = [1, 1]} : vector<256x1024xbf16> to vector<256x64xbf16>
    %swap3A_350 = arith.constant 10 : index
    %swap3A_351 = arith.constant 0 : index
    %swap3A_352 = arith.constant 0 : index
    %swap3A_353 = vector.load %arg7[%swap3A_350, %swap3A_351, %swap3A_352] : memref<16x256x64xbf16, #tpu.memory_space<vmem>>, vector<1x256x64xbf16>
    %swap3A_354 = vector.shape_cast %swap3A_353 : vector<1x256x64xbf16> to vector<256x64xbf16>
    %swap3A_355 = vector.shape_cast %slice3A_349 : vector<256x64xbf16> to vector<1x256x64xbf16>
    tpu.vector_store %arg7[%swap3A_350, %swap3A_351, %swap3A_352], %swap3A_355 {strides = array<i32>} : memref<16x256x64xbf16, #tpu.memory_space<vmem>>, vector<1x256x64xbf16>,
    %slice3A_356 = vector.extract_strided_slice %convert_element_type3A_151 {offsets = [0, 704], sizes = [256, 64], strides = [1, 1]} : vector<256x1024xbf16> to vector<256x64xbf16>
    %swap3A_357 = arith.constant 11 : index
    %swap3A_358 = arith.constant 0 : index
    %swap3A_359 = arith.constant 0 : index
    %swap3A_360 = vector.load %arg7[%swap3A_357, %swap3A_358, %swap3A_359] : memref<16x256x64xbf16, #tpu.memory_space<vmem>>, vector<1x256x64xbf16>
    %swap3A_361 = vector.shape_cast %swap3A_360 : vector<1x256x64xbf16> to vector<256x64xbf16>
    %swap3A_362 = vector.shape_cast %slice3A_356 : vector<256x64xbf16> to vector<1x256x64xbf16>
    tpu.vector_store %arg7[%swap3A_357, %swap3A_358, %swap3A_359], %swap3A_362 {strides = array<i32>} : memref<16x256x64xbf16, #tpu.memory_space<vmem>>, vector<1x256x64xbf16>,
    %slice3A_363 = vector.extract_strided_slice %convert_element_type3A_151 {offsets = [0, 768], sizes = [256, 64], strides = [1, 1]} : vector<256x1024xbf16> to vector<256x64xbf16>
    %swap3A_364 = arith.constant 12 : index
    %swap3A_365 = arith.constant 0 : index
    %swap3A_366 = arith.constant 0 : index
    %swap3A_367 = vector.load %arg7[%swap3A_364, %swap3A_365, %swap3A_366] : memref<16x256x64xbf16, #tpu.memory_space<vmem>>, vector<1x256x64xbf16>
    %swap3A_368 = vector.shape_cast %swap3A_367 : vector<1x256x64xbf16> to vector<256x64xbf16>
    %swap3A_369 = vector.shape_cast %slice3A_363 : vector<256x64xbf16> to vector<1x256x64xbf16>
    tpu.vector_store %arg7[%swap3A_364, %swap3A_365, %swap3A_366], %swap3A_369 {strides = array<i32>} : memref<16x256x64xbf16, #tpu.memory_space<vmem>>, vector<1x256x64xbf16>,
    %slice3A_370 = vector.extract_strided_slice %convert_element_type3A_151 {offsets = [0, 832], sizes = [256, 64], strides = [1, 1]} : vector<256x1024xbf16> to vector<256x64xbf16>
    %swap3A_371 = arith.constant 13 : index
    %swap3A_372 = arith.constant 0 : index
    %swap3A_373 = arith.constant 0 : index
    %swap3A_374 = vector.load %arg7[%swap3A_371, %swap3A_372, %swap3A_373] : memref<16x256x64xbf16, #tpu.memory_space<vmem>>, vector<1x256x64xbf16>
    %swap3A_375 = vector.shape_cast %swap3A_374 : vector<1x256x64xbf16> to vector<256x64xbf16>
    %swap3A_376 = vector.shape_cast %slice3A_370 : vector<256x64xbf16> to vector<1x256x64xbf16>
    tpu.vector_store %arg7[%swap3A_371, %swap3A_372, %swap3A_373], %swap3A_376 {strides = array<i32>} : memref<16x256x64xbf16, #tpu.memory_space<vmem>>, vector<1x256x64xbf16>,
    %slice3A_377 = vector.extract_strided_slice %convert_element_type3A_151 {offsets = [0, 896], sizes = [256, 64], strides = [1, 1]} : vector<256x1024xbf16> to vector<256x64xbf16>
    %swap3A_378 = arith.constant 14 : index
    %swap3A_379 = arith.constant 0 : index
    %swap3A_380 = arith.constant 0 : index
    %swap3A_381 = vector.load %arg7[%swap3A_378, %swap3A_379, %swap3A_380] : memref<16x256x64xbf16, #tpu.memory_space<vmem>>, vector<1x256x64xbf16>
    %swap3A_382 = vector.shape_cast %swap3A_381 : vector<1x256x64xbf16> to vector<256x64xbf16>
    %swap3A_383 = vector.shape_cast %slice3A_377 : vector<256x64xbf16> to vector<1x256x64xbf16>
    tpu.vector_store %arg7[%swap3A_378, %swap3A_379, %swap3A_380], %swap3A_383 {strides = array<i32>} : memref<16x256x64xbf16, #tpu.memory_space<vmem>>, vector<1x256x64xbf16>,
    %slice3A_384 = vector.extract_strided_slice %convert_element_type3A_151 {offsets = [0, 960], sizes = [256, 64], strides = [1, 1]} : vector<256x1024xbf16> to vector<256x64xbf16>
    %swap3A_385 = arith.constant 15 : index
    %swap3A_386 = arith.constant 0 : index
    %swap3A_387 = arith.constant 0 : index
    %swap3A_388 = vector.load %arg7[%swap3A_385, %swap3A_386, %swap3A_387] : memref<16x256x64xbf16, #tpu.memory_space<vmem>>, vector<1x256x64xbf16>
    %swap3A_389 = vector.shape_cast %swap3A_388 : vector<1x256x64xbf16> to vector<256x64xbf16>
    %swap3A_390 = vector.shape_cast %slice3A_384 : vector<256x64xbf16> to vector<1x256x64xbf16>
    tpu.vector_store %arg7[%swap3A_385, %swap3A_386, %swap3A_387], %swap3A_390 {strides = array<i32>} : memref<16x256x64xbf16, #tpu.memory_space<vmem>>, vector<1x256x64xbf16>,
    %slice3A_391 = vector.extract_strided_slice %convert_element_type3A_279 {offsets = [0, 0], sizes = [256, 64], strides = [1, 1]} : vector<256x256xbf16> to vector<256x64xbf16>
    %swap3A_392 = arith.constant 0 : index
    %swap3A_393 = arith.constant 0 : index
    %swap3A_394 = arith.constant 0 : index
    %swap3A_395 = vector.load %arg8[%swap3A_392, %swap3A_393, %swap3A_394] : memref<4x256x64xbf16, #tpu.memory_space<vmem>>, vector<1x256x64xbf16>
    %swap3A_396 = vector.shape_cast %swap3A_395 : vector<1x256x64xbf16> to vector<256x64xbf16>
    %swap3A_397 = vector.shape_cast %slice3A_391 : vector<256x64xbf16> to vector<1x256x64xbf16>
    tpu.vector_store %arg8[%swap3A_392, %swap3A_393, %swap3A_394], %swap3A_397 {strides = array<i32>} : memref<4x256x64xbf16, #tpu.memory_space<vmem>>, vector<1x256x64xbf16>,
    %slice3A_398 = vector.extract_strided_slice %dot_general3A_17 {offsets = [0, 1280], sizes = [256, 64], strides = [1, 1]} : vector<256x1536xf32> to vector<256x64xf32>
    %convert_element_type3A_399 = arith.truncf %slice3A_398 : vector<256x64xf32> to vector<256x64xbf16>
    %swap3A_400 = arith.constant 0 : index
    %swap3A_401 = arith.constant 0 : index
    %swap3A_402 = arith.constant 0 : index
    %swap3A_403 = vector.load %arg9[%swap3A_400, %swap3A_401, %swap3A_402] : memref<4x256x64xbf16, #tpu.memory_space<vmem>>, vector<1x256x64xbf16>
    %swap3A_404 = vector.shape_cast %swap3A_403 : vector<1x256x64xbf16> to vector<256x64xbf16>
    %swap3A_405 = vector.shape_cast %convert_element_type3A_399 : vector<256x64xbf16> to vector<1x256x64xbf16>
    tpu.vector_store %arg9[%swap3A_400, %swap3A_401, %swap3A_402], %swap3A_405 {strides = array<i32>} : memref<4x256x64xbf16, #tpu.memory_space<vmem>>, vector<1x256x64xbf16>,
    %slice3A_406 = vector.extract_strided_slice %convert_element_type3A_279 {offsets = [0, 64], sizes = [256, 64], strides = [1, 1]} : vector<256x256xbf16> to vector<256x64xbf16>
    %swap3A_407 = arith.constant 1 : index
    %swap3A_408 = arith.constant 0 : index
    %swap3A_409 = arith.constant 0 : index
    %swap3A_410 = vector.load %arg8[%swap3A_407, %swap3A_408, %swap3A_409] : memref<4x256x64xbf16, #tpu.memory_space<vmem>>, vector<1x256x64xbf16>
    %swap3A_411 = vector.shape_cast %swap3A_410 : vector<1x256x64xbf16> to vector<256x64xbf16>
    %swap3A_412 = vector.shape_cast %slice3A_406 : vector<256x64xbf16> to vector<1x256x64xbf16>
    tpu.vector_store %arg8[%swap3A_407, %swap3A_408, %swap3A_409], %swap3A_412 {strides = array<i32>} : memref<4x256x64xbf16, #tpu.memory_space<vmem>>, vector<1x256x64xbf16>,
    %slice3A_413 = vector.extract_strided_slice %dot_general3A_17 {offsets = [0, 1344], sizes = [256, 64], strides = [1, 1]} : vector<256x1536xf32> to vector<256x64xf32>
    %convert_element_type3A_414 = arith.truncf %slice3A_413 : vector<256x64xf32> to vector<256x64xbf16>
    %swap3A_415 = arith.constant 1 : index
    %swap3A_416 = arith.constant 0 : index
    %swap3A_417 = arith.constant 0 : index
    %swap3A_418 = vector.load %arg9[%swap3A_415, %swap3A_416, %swap3A_417] : memref<4x256x64xbf16, #tpu.memory_space<vmem>>, vector<1x256x64xbf16>
    %swap3A_419 = vector.shape_cast %swap3A_418 : vector<1x256x64xbf16> to vector<256x64xbf16>
    %swap3A_420 = vector.shape_cast %convert_element_type3A_414 : vector<256x64xbf16> to vector<1x256x64xbf16>
    tpu.vector_store %arg9[%swap3A_415, %swap3A_416, %swap3A_417], %swap3A_420 {strides = array<i32>} : memref<4x256x64xbf16, #tpu.memory_space<vmem>>, vector<1x256x64xbf16>,
    %slice3A_421 = vector.extract_strided_slice %convert_element_type3A_279 {offsets = [0, 128], sizes = [256, 64], strides = [1, 1]} : vector<256x256xbf16> to vector<256x64xbf16>
    %swap3A_422 = arith.constant 2 : index
    %swap3A_423 = arith.constant 0 : index
    %swap3A_424 = arith.constant 0 : index
    %swap3A_425 = vector.load %arg8[%swap3A_422, %swap3A_423, %swap3A_424] : memref<4x256x64xbf16, #tpu.memory_space<vmem>>, vector<1x256x64xbf16>
    %swap3A_426 = vector.shape_cast %swap3A_425 : vector<1x256x64xbf16> to vector<256x64xbf16>
    %swap3A_427 = vector.shape_cast %slice3A_421 : vector<256x64xbf16> to vector<1x256x64xbf16>
    tpu.vector_store %arg8[%swap3A_422, %swap3A_423, %swap3A_424], %swap3A_427 {strides = array<i32>} : memref<4x256x64xbf16, #tpu.memory_space<vmem>>, vector<1x256x64xbf16>,
    %slice3A_428 = vector.extract_strided_slice %dot_general3A_17 {offsets = [0, 1408], sizes = [256, 64], strides = [1, 1]} : vector<256x1536xf32> to vector<256x64xf32>
    %convert_element_type3A_429 = arith.truncf %slice3A_428 : vector<256x64xf32> to vector<256x64xbf16>
    %swap3A_430 = arith.constant 2 : index
    %swap3A_431 = arith.constant 0 : index
    %swap3A_432 = arith.constant 0 : index
    %swap3A_433 = vector.load %arg9[%swap3A_430, %swap3A_431, %swap3A_432] : memref<4x256x64xbf16, #tpu.memory_space<vmem>>, vector<1x256x64xbf16>
    %swap3A_434 = vector.shape_cast %swap3A_433 : vector<1x256x64xbf16> to vector<256x64xbf16>
    %swap3A_435 = vector.shape_cast %convert_element_type3A_429 : vector<256x64xbf16> to vector<1x256x64xbf16>
    tpu.vector_store %arg9[%swap3A_430, %swap3A_431, %swap3A_432], %swap3A_435 {strides = array<i32>} : memref<4x256x64xbf16, #tpu.memory_space<vmem>>, vector<1x256x64xbf16>,
    %slice3A_436 = vector.extract_strided_slice %convert_element_type3A_279 {offsets = [0, 192], sizes = [256, 64], strides = [1, 1]} : vector<256x256xbf16> to vector<256x64xbf16>
    %swap3A_437 = arith.constant 3 : index
    %swap3A_438 = arith.constant 0 : index
    %swap3A_439 = arith.constant 0 : index
    %swap3A_440 = vector.load %arg8[%swap3A_437, %swap3A_438, %swap3A_439] : memref<4x256x64xbf16, #tpu.memory_space<vmem>>, vector<1x256x64xbf16>
    %swap3A_441 = vector.shape_cast %swap3A_440 : vector<1x256x64xbf16> to vector<256x64xbf16>
    %swap3A_442 = vector.shape_cast %slice3A_436 : vector<256x64xbf16> to vector<1x256x64xbf16>
    tpu.vector_store %arg8[%swap3A_437, %swap3A_438, %swap3A_439], %swap3A_442 {strides = array<i32>} : memref<4x256x64xbf16, #tpu.memory_space<vmem>>, vector<1x256x64xbf16>,
    %slice3A_443 = vector.extract_strided_slice %dot_general3A_17 {offsets = [0, 1472], sizes = [256, 64], strides = [1, 1]} : vector<256x1536xf32> to vector<256x64xf32>
    %convert_element_type3A_444 = arith.truncf %slice3A_443 : vector<256x64xf32> to vector<256x64xbf16>
    %swap3A_445 = arith.constant 3 : index
    %swap3A_446 = arith.constant 0 : index
    %swap3A_447 = arith.constant 0 : index
    %swap3A_448 = vector.load %arg9[%swap3A_445, %swap3A_446, %swap3A_447] : memref<4x256x64xbf16, #tpu.memory_space<vmem>>, vector<1x256x64xbf16>
    %swap3A_449 = vector.shape_cast %swap3A_448 : vector<1x256x64xbf16> to vector<256x64xbf16>
    %swap3A_450 = vector.shape_cast %convert_element_type3A_444 : vector<256x64xbf16> to vector<1x256x64xbf16>
    tpu.vector_store %arg9[%swap3A_445, %swap3A_446, %swap3A_447], %swap3A_450 {strides = array<i32>} : memref<4x256x64xbf16, #tpu.memory_space<vmem>>, vector<1x256x64xbf16>,
    return
  }
  func.func @transform_0(%arg0: i32) -> (i32, i32) {
    %c0_i32 = arith.constant 0 : i32
    %c0_i32_0 = arith.constant 0 : i32
    return %arg0, %c0_i32 : i32, i32
  }
  func.func @transform_1(%arg0: i32) -> (i32, i32) {
    %c0_i32 = arith.constant 0 : i32
    %c0_i32_0 = arith.constant 0 : i32
    return %arg0, %c0_i32 : i32, i32
  }
  func.func @transform_2(%arg0: i32) -> (i32, i32) {
    %c0_i32 = arith.constant 0 : i32
    %c0_i32_0 = arith.constant 0 : i32
    %c0_i32_1 = arith.constant 0 : i32
    return %c0_i32, %c0_i32_0 : i32, i32
  }
  func.func @transform_3(%arg0: i32) -> (i32, i32) {
    %c0_i32 = arith.constant 0 : i32
    %c0_i32_0 = arith.constant 0 : i32
    %c0_i32_1 = arith.constant 0 : i32
    return %c0_i32, %c0_i32_0 : i32, i32
  }
  func.func @transform_4(%arg0: i32) -> (i32, i32) {
    %c0_i32 = arith.constant 0 : i32
    %c0_i32_0 = arith.constant 0 : i32
    %c0_i32_1 = arith.constant 0 : i32
    return %c0_i32, %c0_i32_0 : i32, i32
  }
  func.func @transform_5(%arg0: i32) -> (i32, i32) {
    %c0_i32 = arith.constant 0 : i32
    %c0_i32_0 = arith.constant 0 : i32
    %c0_i32_1 = arith.constant 0 : i32
    return %c0_i32, %c0_i32_0 : i32, i32
  }
  func.func @transform_6(%arg0: i32) -> (i32, i32, i32) {
    %c0_i32 = arith.constant 0 : i32
    %c0_i32_0 = arith.constant 0 : i32
    %c0_i32_1 = arith.constant 0 : i32
    return %c0_i32, %arg0, %c0_i32_0 : i32, i32, i32
  }
  func.func @transform_7(%arg0: i32) -> (i32, i32, i32) {
    %c0_i32 = arith.constant 0 : i32
    %c0_i32_0 = arith.constant 0 : i32
    %c0_i32_1 = arith.constant 0 : i32
    return %c0_i32, %arg0, %c0_i32_0 : i32, i32, i32
  }
  func.func @transform_8(%arg0: i32) -> (i32, i32, i32) {
    %c0_i32 = arith.constant 0 : i32
    %c0_i32_0 = arith.constant 0 : i32
    %c0_i32_1 = arith.constant 0 : i32
    return %c0_i32, %arg0, %c0_i32_0 : i32, i32, i32
  }
}

module attributes {stable_mosaic.version = 14 : i64} {
  func.func @_flash_kernel(%arg0: i32, %arg1: i32, %arg2: memref<4x256x64xbf16, #tpu.memory_space<vmem>>, %arg3: memref<1x2048x64xbf16, #tpu.memory_space<vmem>>, %arg4: memref<1x2048x64xbf16, #tpu.memory_space<vmem>>, %arg5: memref<4x256x64xbf16, #tpu.memory_space<vmem>>) attributes {dimension_semantics = [#tpu.dimension_semantics<arbitrary>, #tpu.dimension_semantics<arbitrary>], iteration_bounds = array<i64: 4, 8>, scalar_prefetch = 0 : i64, scratch_operands = 0 : i64, tpu.core_type = #tpu.core_type<tc>, window_params = [{transform_indices = @transform_0, window_bounds = array<i64: 4, 256, 64>}, {transform_indices = @transform_1, window_bounds = array<i64: 1, 2048, 64>}, {transform_indices = @transform_2, window_bounds = array<i64: 1, 2048, 64>}, {transform_indices = @transform_3, window_bounds = array<i64: 4, 256, 64>}]} {
    %get3A = arith.constant 0 : index
    %get3A_0 = arith.constant 0 : index
    %get3A_1 = arith.constant 0 : index
    %get3A_2 = vector.load %arg2[%get3A, %get3A_0, %get3A_1] : memref<4x256x64xbf16, #tpu.memory_space<vmem>>, vector<1x256x64xbf16>
    %get3A_3 = vector.shape_cast %get3A_2 : vector<1x256x64xbf16> to vector<256x64xbf16>
    %mul3A = arith.constant 1.250000e-01 : bf16
    %mul3A_4 = vector.broadcast %mul3A : bf16 to vector<256x64xbf16>
    %mul3A_5 = arith.mulf %get3A_3, %mul3A_4 : vector<256x64xbf16>
    %get3A_6 = arith.constant 1 : index
    %get3A_7 = arith.constant 0 : index
    %get3A_8 = arith.constant 0 : index
    %get3A_9 = vector.load %arg2[%get3A_6, %get3A_7, %get3A_8] : memref<4x256x64xbf16, #tpu.memory_space<vmem>>, vector<1x256x64xbf16>
    %get3A_10 = vector.shape_cast %get3A_9 : vector<1x256x64xbf16> to vector<256x64xbf16>
    %mul3A_11 = arith.constant 1.250000e-01 : bf16
    %mul3A_12 = vector.broadcast %mul3A_11 : bf16 to vector<256x64xbf16>
    %mul3A_13 = arith.mulf %get3A_10, %mul3A_12 : vector<256x64xbf16>
    %get3A_14 = arith.constant 2 : index
    %get3A_15 = arith.constant 0 : index
    %get3A_16 = arith.constant 0 : index
    %get3A_17 = vector.load %arg2[%get3A_14, %get3A_15, %get3A_16] : memref<4x256x64xbf16, #tpu.memory_space<vmem>>, vector<1x256x64xbf16>
    %get3A_18 = vector.shape_cast %get3A_17 : vector<1x256x64xbf16> to vector<256x64xbf16>
    %mul3A_19 = arith.constant 1.250000e-01 : bf16
    %mul3A_20 = vector.broadcast %mul3A_19 : bf16 to vector<256x64xbf16>
    %mul3A_21 = arith.mulf %get3A_18, %mul3A_20 : vector<256x64xbf16>
    %get3A_22 = arith.constant 3 : index
    %get3A_23 = arith.constant 0 : index
    %get3A_24 = arith.constant 0 : index
    %get3A_25 = vector.load %arg2[%get3A_22, %get3A_23, %get3A_24] : memref<4x256x64xbf16, #tpu.memory_space<vmem>>, vector<1x256x64xbf16>
    %get3A_26 = vector.shape_cast %get3A_25 : vector<1x256x64xbf16> to vector<256x64xbf16>
    %mul3A_27 = arith.constant 1.250000e-01 : bf16
    %mul3A_28 = vector.broadcast %mul3A_27 : bf16 to vector<256x64xbf16>
    %mul3A_29 = arith.mulf %get3A_26, %mul3A_28 : vector<256x64xbf16>
    %broadcast_in_dim3A = arith.constant -3.40282347E+38 : f32
    %broadcast_in_dim3A_30 = vector.broadcast %broadcast_in_dim3A : f32 to vector<256x1xf32>
    %broadcast_in_dim3A_31 = arith.constant 0.000000e+00 : f32
    %broadcast_in_dim3A_32 = vector.broadcast %broadcast_in_dim3A_31 : f32 to vector<256x1xf32>
    %broadcast_in_dim3A_33 = arith.constant 0.000000e+00 : f32
    %broadcast_in_dim3A_34 = vector.broadcast %broadcast_in_dim3A_33 : f32 to vector<256x64xf32>
    %mul3A_35 = arith.constant 256 : i32
    %mul3A_36 = arith.muli %arg1, %mul3A_35 : i32
    %jit3A = arith.constant 512 : i32
    %div3A = arith.divsi %mul3A_36, %jit3A : i32
    %sign3A = arith.constant 0 : i32
    %sign3A_37 = arith.cmpi sgt, %mul3A_36, %sign3A : i32
    %sign3A_38 = arith.extui %sign3A_37 : i1 to i32
    %sign3A_39 = arith.constant 0 : i32
    %sign3A_40 = arith.cmpi slt, %mul3A_36, %sign3A_39 : i32
    %sign3A_41 = arith.extui %sign3A_40 : i1 to i32
    %sign3A_42 = arith.subi %sign3A_38, %sign3A_41 : i32
    %sign3A_43 = arith.constant 0 : i32
    %sign3A_44 = arith.cmpi sgt, %jit3A, %sign3A_43 : i32
    %sign3A_45 = arith.extui %sign3A_44 : i1 to i32
    %sign3A_46 = arith.constant 0 : i32
    %sign3A_47 = arith.cmpi slt, %jit3A, %sign3A_46 : i32
    %sign3A_48 = arith.extui %sign3A_47 : i1 to i32
    %sign3A_49 = arith.subi %sign3A_45, %sign3A_48 : i32
    %ne3A = arith.cmpi ne, %sign3A_42, %sign3A_49 : i32
    %rem3A = arith.remsi %mul3A_36, %jit3A : i32
    %ne3A_50 = arith.constant 0 : i32
    %ne3A_51 = arith.cmpi ne, %rem3A, %ne3A_50 : i32
    %and3A = arith.andi %ne3A, %ne3A_51 : i1
    %sub3A = arith.constant 1 : i32
    %sub3A_52 = arith.subi %div3A, %sub3A : i32
    %select_n3A = arith.select %and3A, %sub3A_52, %div3A : i32
    %while3A = arith.constant 0 : i32
    %while3A_53 = arith.subi %select_n3A, %while3A : i32
    %while3A_54 = arith.addi %while3A, %while3A_53 : i32
    %while3A_55 = arith.constant 1 : i32
    %while3A_56 = arith.divsi %while3A_53, %while3A_55 : i32
    %while3A_57 = arith.muli %while3A_56, %while3A_55 : i32
    %while3A_58 = arith.addi %while3A, %while3A_57 : i32
    %while3A_59 = arith.constant 1 : i32
    %while3A_60:12 = scf.for %while3A_214 = %while3A to %while3A_58 step %while3A_59 iter_args(%while3A_215 = %broadcast_in_dim3A_30, %while3A_216 = %broadcast_in_dim3A_30, %while3A_217 = %broadcast_in_dim3A_30, %while3A_218 = %broadcast_in_dim3A_30, %while3A_219 = %broadcast_in_dim3A_32, %while3A_220 = %broadcast_in_dim3A_32, %while3A_221 = %broadcast_in_dim3A_32, %while3A_222 = %broadcast_in_dim3A_32, %while3A_223 = %broadcast_in_dim3A_34, %while3A_224 = %broadcast_in_dim3A_34, %while3A_225 = %broadcast_in_dim3A_34, %while3A_226 = %broadcast_in_dim3A_34) -> (vector<256x1xf32>, vector<256x1xf32>, vector<256x1xf32>, vector<256x1xf32>, vector<256x1xf32>, vector<256x1xf32>, vector<256x1xf32>, vector<256x1xf32>, vector<256x64xf32>, vector<256x64xf32>, vector<256x64xf32>, vector<256x64xf32>)  : i32 {
      %mul3A_227 = arith.constant 512 : i32
      %mul3A_228 = arith.muli %while3A_214, %mul3A_227 : i32
      %get3A_229 = arith.constant 0 : index
      %get3A_230 = arith.index_cast %mul3A_228 : i32 to index
      %get3A_231 = arith.constant 0 : index
      %get3A_232 = vector.load %arg3[%get3A_229, %get3A_230, %get3A_231] : memref<1x2048x64xbf16, #tpu.memory_space<vmem>>, vector<1x512x64xbf16>
      %get3A_233 = vector.shape_cast %get3A_232 : vector<1x512x64xbf16> to vector<512x64xbf16>
      %mul3A_234 = arith.constant 512 : i32
      %mul3A_235 = arith.muli %while3A_214, %mul3A_234 : i32
      %get3A_236 = arith.constant 0 : index
      %get3A_237 = arith.index_cast %mul3A_235 : i32 to index
      %get3A_238 = arith.constant 0 : index
      %get3A_239 = vector.load %arg4[%get3A_236, %get3A_237, %get3A_238] : memref<1x2048x64xbf16, #tpu.memory_space<vmem>>, vector<1x512x64xbf16>
      %get3A_240 = vector.shape_cast %get3A_239 : vector<1x512x64xbf16> to vector<512x64xbf16>
      %dot_general3A_241 = arith.constant dense<0.000000e+00> : vector<256x512xf32>
      %dot_general3A_242 = tpu.matmul %mul3A_5, %get3A_233, %dot_general3A_241 {dimension_numbers = #tpu.dot_dimension_numbers<[1], [1], [0], [0], [0, 0, 1, 0], [], []>, transpose_lhs_hint = false} : vector<256x64xbf16>, vector<512x64xbf16>, vector<256x512xf32> -> vector<256x512xf32>
      %reduce_max3A_243 = arith.constant dense<0xFF800000> : vector<256xf32>
      %reduce_max3A_244 = vector.multi_reduction <maximumf>, %dot_general3A_242, %reduce_max3A_243 [1] : vector<256x512xf32> to vector<256xf32>
      %broadcast_in_dim3A_245 = vector.shape_cast %reduce_max3A_244 : vector<256xf32> to vector<256x1xf32>
      %max3A_246 = arith.maximumf %while3A_215, %broadcast_in_dim3A_245 : vector<256x1xf32>
      %sub3A_247 = vector.broadcast %max3A_246 : vector<256x1xf32> to vector<256x512xf32>
      %sub3A_248 = arith.subf %dot_general3A_242, %sub3A_247 : vector<256x512xf32>
      %exp3A_249 = math.exp %sub3A_248 : vector<256x512xf32>
      %sub3A_250 = arith.subf %while3A_215, %max3A_246 : vector<256x1xf32>
      %exp3A_251 = math.exp %sub3A_250 : vector<256x1xf32>
      %mul3A_252 = arith.mulf %while3A_219, %exp3A_251 : vector<256x1xf32>
      %reduce_sum3A_253 = arith.constant dense<0.000000e+00> : vector<256xf32>
      %reduce_sum3A_254 = vector.multi_reduction <add>, %exp3A_249, %reduce_sum3A_253 [1] : vector<256x512xf32> to vector<256xf32>
      %broadcast_in_dim3A_255 = vector.shape_cast %reduce_sum3A_254 : vector<256xf32> to vector<256x1xf32>
      %add3A_256 = arith.addf %mul3A_252, %broadcast_in_dim3A_255 : vector<256x1xf32>
      %mul3A_257 = vector.broadcast %exp3A_251 : vector<256x1xf32> to vector<256x64xf32>
      %mul3A_258 = arith.mulf %while3A_223, %mul3A_257 : vector<256x64xf32>
      %convert_element_type3A_259 = arith.truncf %exp3A_249 : vector<256x512xf32> to vector<256x512xbf16>
      %dot_general3A_260 = arith.constant dense<0.000000e+00> : vector<256x64xf32>
      %dot_general3A_261 = tpu.matmul %convert_element_type3A_259, %get3A_240, %dot_general3A_260 {dimension_numbers = #tpu.dot_dimension_numbers<[1], [0], [0], [1], [0, 0, 1, 1], [], []>, transpose_lhs_hint = false} : vector<256x512xbf16>, vector<512x64xbf16>, vector<256x64xf32> -> vector<256x64xf32>
      %add3A_262 = arith.addf %mul3A_258, %dot_general3A_261 : vector<256x64xf32>
      %dot_general3A_263 = arith.constant dense<0.000000e+00> : vector<256x512xf32>
      %dot_general3A_264 = tpu.matmul %mul3A_13, %get3A_233, %dot_general3A_263 {dimension_numbers = #tpu.dot_dimension_numbers<[1], [1], [0], [0], [0, 0, 1, 0], [], []>, transpose_lhs_hint = false} : vector<256x64xbf16>, vector<512x64xbf16>, vector<256x512xf32> -> vector<256x512xf32>
      %reduce_max3A_265 = arith.constant dense<0xFF800000> : vector<256xf32>
      %reduce_max3A_266 = vector.multi_reduction <maximumf>, %dot_general3A_264, %reduce_max3A_265 [1] : vector<256x512xf32> to vector<256xf32>
      %broadcast_in_dim3A_267 = vector.shape_cast %reduce_max3A_266 : vector<256xf32> to vector<256x1xf32>
      %max3A_268 = arith.maximumf %while3A_216, %broadcast_in_dim3A_267 : vector<256x1xf32>
      %sub3A_269 = vector.broadcast %max3A_268 : vector<256x1xf32> to vector<256x512xf32>
      %sub3A_270 = arith.subf %dot_general3A_264, %sub3A_269 : vector<256x512xf32>
      %exp3A_271 = math.exp %sub3A_270 : vector<256x512xf32>
      %sub3A_272 = arith.subf %while3A_216, %max3A_268 : vector<256x1xf32>
      %exp3A_273 = math.exp %sub3A_272 : vector<256x1xf32>
      %mul3A_274 = arith.mulf %while3A_220, %exp3A_273 : vector<256x1xf32>
      %reduce_sum3A_275 = arith.constant dense<0.000000e+00> : vector<256xf32>
      %reduce_sum3A_276 = vector.multi_reduction <add>, %exp3A_271, %reduce_sum3A_275 [1] : vector<256x512xf32> to vector<256xf32>
      %broadcast_in_dim3A_277 = vector.shape_cast %reduce_sum3A_276 : vector<256xf32> to vector<256x1xf32>
      %add3A_278 = arith.addf %mul3A_274, %broadcast_in_dim3A_277 : vector<256x1xf32>
      %mul3A_279 = vector.broadcast %exp3A_273 : vector<256x1xf32> to vector<256x64xf32>
      %mul3A_280 = arith.mulf %while3A_224, %mul3A_279 : vector<256x64xf32>
      %convert_element_type3A_281 = arith.truncf %exp3A_271 : vector<256x512xf32> to vector<256x512xbf16>
      %dot_general3A_282 = arith.constant dense<0.000000e+00> : vector<256x64xf32>
      %dot_general3A_283 = tpu.matmul %convert_element_type3A_281, %get3A_240, %dot_general3A_282 {dimension_numbers = #tpu.dot_dimension_numbers<[1], [0], [0], [1], [0, 0, 1, 1], [], []>, transpose_lhs_hint = false} : vector<256x512xbf16>, vector<512x64xbf16>, vector<256x64xf32> -> vector<256x64xf32>
      %add3A_284 = arith.addf %mul3A_280, %dot_general3A_283 : vector<256x64xf32>
      %dot_general3A_285 = arith.constant dense<0.000000e+00> : vector<256x512xf32>
      %dot_general3A_286 = tpu.matmul %mul3A_21, %get3A_233, %dot_general3A_285 {dimension_numbers = #tpu.dot_dimension_numbers<[1], [1], [0], [0], [0, 0, 1, 0], [], []>, transpose_lhs_hint = false} : vector<256x64xbf16>, vector<512x64xbf16>, vector<256x512xf32> -> vector<256x512xf32>
      %reduce_max3A_287 = arith.constant dense<0xFF800000> : vector<256xf32>
      %reduce_max3A_288 = vector.multi_reduction <maximumf>, %dot_general3A_286, %reduce_max3A_287 [1] : vector<256x512xf32> to vector<256xf32>
      %broadcast_in_dim3A_289 = vector.shape_cast %reduce_max3A_288 : vector<256xf32> to vector<256x1xf32>
      %max3A_290 = arith.maximumf %while3A_217, %broadcast_in_dim3A_289 : vector<256x1xf32>
      %sub3A_291 = vector.broadcast %max3A_290 : vector<256x1xf32> to vector<256x512xf32>
      %sub3A_292 = arith.subf %dot_general3A_286, %sub3A_291 : vector<256x512xf32>
      %exp3A_293 = math.exp %sub3A_292 : vector<256x512xf32>
      %sub3A_294 = arith.subf %while3A_217, %max3A_290 : vector<256x1xf32>
      %exp3A_295 = math.exp %sub3A_294 : vector<256x1xf32>
      %mul3A_296 = arith.mulf %while3A_221, %exp3A_295 : vector<256x1xf32>
      %reduce_sum3A_297 = arith.constant dense<0.000000e+00> : vector<256xf32>
      %reduce_sum3A_298 = vector.multi_reduction <add>, %exp3A_293, %reduce_sum3A_297 [1] : vector<256x512xf32> to vector<256xf32>
      %broadcast_in_dim3A_299 = vector.shape_cast %reduce_sum3A_298 : vector<256xf32> to vector<256x1xf32>
      %add3A_300 = arith.addf %mul3A_296, %broadcast_in_dim3A_299 : vector<256x1xf32>
      %mul3A_301 = vector.broadcast %exp3A_295 : vector<256x1xf32> to vector<256x64xf32>
      %mul3A_302 = arith.mulf %while3A_225, %mul3A_301 : vector<256x64xf32>
      %convert_element_type3A_303 = arith.truncf %exp3A_293 : vector<256x512xf32> to vector<256x512xbf16>
      %dot_general3A_304 = arith.constant dense<0.000000e+00> : vector<256x64xf32>
      %dot_general3A_305 = tpu.matmul %convert_element_type3A_303, %get3A_240, %dot_general3A_304 {dimension_numbers = #tpu.dot_dimension_numbers<[1], [0], [0], [1], [0, 0, 1, 1], [], []>, transpose_lhs_hint = false} : vector<256x512xbf16>, vector<512x64xbf16>, vector<256x64xf32> -> vector<256x64xf32>
      %add3A_306 = arith.addf %mul3A_302, %dot_general3A_305 : vector<256x64xf32>
      %dot_general3A_307 = arith.constant dense<0.000000e+00> : vector<256x512xf32>
      %dot_general3A_308 = tpu.matmul %mul3A_29, %get3A_233, %dot_general3A_307 {dimension_numbers = #tpu.dot_dimension_numbers<[1], [1], [0], [0], [0, 0, 1, 0], [], []>, transpose_lhs_hint = false} : vector<256x64xbf16>, vector<512x64xbf16>, vector<256x512xf32> -> vector<256x512xf32>
      %reduce_max3A_309 = arith.constant dense<0xFF800000> : vector<256xf32>
      %reduce_max3A_310 = vector.multi_reduction <maximumf>, %dot_general3A_308, %reduce_max3A_309 [1] : vector<256x512xf32> to vector<256xf32>
      %broadcast_in_dim3A_311 = vector.shape_cast %reduce_max3A_310 : vector<256xf32> to vector<256x1xf32>
      %max3A_312 = arith.maximumf %while3A_218, %broadcast_in_dim3A_311 : vector<256x1xf32>
      %sub3A_313 = vector.broadcast %max3A_312 : vector<256x1xf32> to vector<256x512xf32>
      %sub3A_314 = arith.subf %dot_general3A_308, %sub3A_313 : vector<256x512xf32>
      %exp3A_315 = math.exp %sub3A_314 : vector<256x512xf32>
      %sub3A_316 = arith.subf %while3A_218, %max3A_312 : vector<256x1xf32>
      %exp3A_317 = math.exp %sub3A_316 : vector<256x1xf32>
      %mul3A_318 = arith.mulf %while3A_222, %exp3A_317 : vector<256x1xf32>
      %reduce_sum3A_319 = arith.constant dense<0.000000e+00> : vector<256xf32>
      %reduce_sum3A_320 = vector.multi_reduction <add>, %exp3A_315, %reduce_sum3A_319 [1] : vector<256x512xf32> to vector<256xf32>
      %broadcast_in_dim3A_321 = vector.shape_cast %reduce_sum3A_320 : vector<256xf32> to vector<256x1xf32>
      %add3A_322 = arith.addf %mul3A_318, %broadcast_in_dim3A_321 : vector<256x1xf32>
      %mul3A_323 = vector.broadcast %exp3A_317 : vector<256x1xf32> to vector<256x64xf32>
      %mul3A_324 = arith.mulf %while3A_226, %mul3A_323 : vector<256x64xf32>
      %convert_element_type3A_325 = arith.truncf %exp3A_315 : vector<256x512xf32> to vector<256x512xbf16>
      %dot_general3A_326 = arith.constant dense<0.000000e+00> : vector<256x64xf32>
      %dot_general3A_327 = tpu.matmul %convert_element_type3A_325, %get3A_240, %dot_general3A_326 {dimension_numbers = #tpu.dot_dimension_numbers<[1], [0], [0], [1], [0, 0, 1, 1], [], []>, transpose_lhs_hint = false} : vector<256x512xbf16>, vector<512x64xbf16>, vector<256x64xf32> -> vector<256x64xf32>
      %add3A_328 = arith.addf %mul3A_324, %dot_general3A_327 : vector<256x64xf32>
      scf.yield %max3A_246, %max3A_268, %max3A_290, %max3A_312, %add3A_256, %add3A_278, %add3A_300, %add3A_322, %add3A_262, %add3A_284, %add3A_306, %add3A_328 : vector<256x1xf32>, vector<256x1xf32>, vector<256x1xf32>, vector<256x1xf32>, vector<256x1xf32>, vector<256x1xf32>, vector<256x1xf32>, vector<256x1xf32>, vector<256x64xf32>, vector<256x64xf32>, vector<256x64xf32>, vector<256x64xf32>
    }
    %while3A_61 = arith.constant 1 : i32
    %while3A_62:12 = scf.for %while3A_214 = %while3A_58 to %while3A_54 step %while3A_61 iter_args(%while3A_215 = %while3A_60#0, %while3A_216 = %while3A_60#1, %while3A_217 = %while3A_60#2, %while3A_218 = %while3A_60#3, %while3A_219 = %while3A_60#4, %while3A_220 = %while3A_60#5, %while3A_221 = %while3A_60#6, %while3A_222 = %while3A_60#7, %while3A_223 = %while3A_60#8, %while3A_224 = %while3A_60#9, %while3A_225 = %while3A_60#10, %while3A_226 = %while3A_60#11) -> (vector<256x1xf32>, vector<256x1xf32>, vector<256x1xf32>, vector<256x1xf32>, vector<256x1xf32>, vector<256x1xf32>, vector<256x1xf32>, vector<256x1xf32>, vector<256x64xf32>, vector<256x64xf32>, vector<256x64xf32>, vector<256x64xf32>)  : i32 {
      %mul3A_227 = arith.constant 512 : i32
      %mul3A_228 = arith.muli %while3A_214, %mul3A_227 : i32
      %get3A_229 = arith.constant 0 : index
      %get3A_230 = arith.index_cast %mul3A_228 : i32 to index
      %get3A_231 = arith.constant 0 : index
      %get3A_232 = vector.load %arg3[%get3A_229, %get3A_230, %get3A_231] : memref<1x2048x64xbf16, #tpu.memory_space<vmem>>, vector<1x512x64xbf16>
      %get3A_233 = vector.shape_cast %get3A_232 : vector<1x512x64xbf16> to vector<512x64xbf16>
      %mul3A_234 = arith.constant 512 : i32
      %mul3A_235 = arith.muli %while3A_214, %mul3A_234 : i32
      %get3A_236 = arith.constant 0 : index
      %get3A_237 = arith.index_cast %mul3A_235 : i32 to index
      %get3A_238 = arith.constant 0 : index
      %get3A_239 = vector.load %arg4[%get3A_236, %get3A_237, %get3A_238] : memref<1x2048x64xbf16, #tpu.memory_space<vmem>>, vector<1x512x64xbf16>
      %get3A_240 = vector.shape_cast %get3A_239 : vector<1x512x64xbf16> to vector<512x64xbf16>
      %dot_general3A_241 = arith.constant dense<0.000000e+00> : vector<256x512xf32>
      %dot_general3A_242 = tpu.matmul %mul3A_5, %get3A_233, %dot_general3A_241 {dimension_numbers = #tpu.dot_dimension_numbers<[1], [1], [0], [0], [0, 0, 1, 0], [], []>, transpose_lhs_hint = false} : vector<256x64xbf16>, vector<512x64xbf16>, vector<256x512xf32> -> vector<256x512xf32>
      %reduce_max3A_243 = arith.constant dense<0xFF800000> : vector<256xf32>
      %reduce_max3A_244 = vector.multi_reduction <maximumf>, %dot_general3A_242, %reduce_max3A_243 [1] : vector<256x512xf32> to vector<256xf32>
      %broadcast_in_dim3A_245 = vector.shape_cast %reduce_max3A_244 : vector<256xf32> to vector<256x1xf32>
      %max3A_246 = arith.maximumf %while3A_215, %broadcast_in_dim3A_245 : vector<256x1xf32>
      %sub3A_247 = vector.broadcast %max3A_246 : vector<256x1xf32> to vector<256x512xf32>
      %sub3A_248 = arith.subf %dot_general3A_242, %sub3A_247 : vector<256x512xf32>
      %exp3A_249 = math.exp %sub3A_248 : vector<256x512xf32>
      %sub3A_250 = arith.subf %while3A_215, %max3A_246 : vector<256x1xf32>
      %exp3A_251 = math.exp %sub3A_250 : vector<256x1xf32>
      %mul3A_252 = arith.mulf %while3A_219, %exp3A_251 : vector<256x1xf32>
      %reduce_sum3A_253 = arith.constant dense<0.000000e+00> : vector<256xf32>
      %reduce_sum3A_254 = vector.multi_reduction <add>, %exp3A_249, %reduce_sum3A_253 [1] : vector<256x512xf32> to vector<256xf32>
      %broadcast_in_dim3A_255 = vector.shape_cast %reduce_sum3A_254 : vector<256xf32> to vector<256x1xf32>
      %add3A_256 = arith.addf %mul3A_252, %broadcast_in_dim3A_255 : vector<256x1xf32>
      %mul3A_257 = vector.broadcast %exp3A_251 : vector<256x1xf32> to vector<256x64xf32>
      %mul3A_258 = arith.mulf %while3A_223, %mul3A_257 : vector<256x64xf32>
      %convert_element_type3A_259 = arith.truncf %exp3A_249 : vector<256x512xf32> to vector<256x512xbf16>
      %dot_general3A_260 = arith.constant dense<0.000000e+00> : vector<256x64xf32>
      %dot_general3A_261 = tpu.matmul %convert_element_type3A_259, %get3A_240, %dot_general3A_260 {dimension_numbers = #tpu.dot_dimension_numbers<[1], [0], [0], [1], [0, 0, 1, 1], [], []>, transpose_lhs_hint = false} : vector<256x512xbf16>, vector<512x64xbf16>, vector<256x64xf32> -> vector<256x64xf32>
      %add3A_262 = arith.addf %mul3A_258, %dot_general3A_261 : vector<256x64xf32>
      %dot_general3A_263 = arith.constant dense<0.000000e+00> : vector<256x512xf32>
      %dot_general3A_264 = tpu.matmul %mul3A_13, %get3A_233, %dot_general3A_263 {dimension_numbers = #tpu.dot_dimension_numbers<[1], [1], [0], [0], [0, 0, 1, 0], [], []>, transpose_lhs_hint = false} : vector<256x64xbf16>, vector<512x64xbf16>, vector<256x512xf32> -> vector<256x512xf32>
      %reduce_max3A_265 = arith.constant dense<0xFF800000> : vector<256xf32>
      %reduce_max3A_266 = vector.multi_reduction <maximumf>, %dot_general3A_264, %reduce_max3A_265 [1] : vector<256x512xf32> to vector<256xf32>
      %broadcast_in_dim3A_267 = vector.shape_cast %reduce_max3A_266 : vector<256xf32> to vector<256x1xf32>
      %max3A_268 = arith.maximumf %while3A_216, %broadcast_in_dim3A_267 : vector<256x1xf32>
      %sub3A_269 = vector.broadcast %max3A_268 : vector<256x1xf32> to vector<256x512xf32>
      %sub3A_270 = arith.subf %dot_general3A_264, %sub3A_269 : vector<256x512xf32>
      %exp3A_271 = math.exp %sub3A_270 : vector<256x512xf32>
      %sub3A_272 = arith.subf %while3A_216, %max3A_268 : vector<256x1xf32>
      %exp3A_273 = math.exp %sub3A_272 : vector<256x1xf32>
      %mul3A_274 = arith.mulf %while3A_220, %exp3A_273 : vector<256x1xf32>
      %reduce_sum3A_275 = arith.constant dense<0.000000e+00> : vector<256xf32>
      %reduce_sum3A_276 = vector.multi_reduction <add>, %exp3A_271, %reduce_sum3A_275 [1] : vector<256x512xf32> to vector<256xf32>
      %broadcast_in_dim3A_277 = vector.shape_cast %reduce_sum3A_276 : vector<256xf32> to vector<256x1xf32>
      %add3A_278 = arith.addf %mul3A_274, %broadcast_in_dim3A_277 : vector<256x1xf32>
      %mul3A_279 = vector.broadcast %exp3A_273 : vector<256x1xf32> to vector<256x64xf32>
      %mul3A_280 = arith.mulf %while3A_224, %mul3A_279 : vector<256x64xf32>
      %convert_element_type3A_281 = arith.truncf %exp3A_271 : vector<256x512xf32> to vector<256x512xbf16>
      %dot_general3A_282 = arith.constant dense<0.000000e+00> : vector<256x64xf32>
      %dot_general3A_283 = tpu.matmul %convert_element_type3A_281, %get3A_240, %dot_general3A_282 {dimension_numbers = #tpu.dot_dimension_numbers<[1], [0], [0], [1], [0, 0, 1, 1], [], []>, transpose_lhs_hint = false} : vector<256x512xbf16>, vector<512x64xbf16>, vector<256x64xf32> -> vector<256x64xf32>
      %add3A_284 = arith.addf %mul3A_280, %dot_general3A_283 : vector<256x64xf32>
      %dot_general3A_285 = arith.constant dense<0.000000e+00> : vector<256x512xf32>
      %dot_general3A_286 = tpu.matmul %mul3A_21, %get3A_233, %dot_general3A_285 {dimension_numbers = #tpu.dot_dimension_numbers<[1], [1], [0], [0], [0, 0, 1, 0], [], []>, transpose_lhs_hint = false} : vector<256x64xbf16>, vector<512x64xbf16>, vector<256x512xf32> -> vector<256x512xf32>
      %reduce_max3A_287 = arith.constant dense<0xFF800000> : vector<256xf32>
      %reduce_max3A_288 = vector.multi_reduction <maximumf>, %dot_general3A_286, %reduce_max3A_287 [1] : vector<256x512xf32> to vector<256xf32>
      %broadcast_in_dim3A_289 = vector.shape_cast %reduce_max3A_288 : vector<256xf32> to vector<256x1xf32>
      %max3A_290 = arith.maximumf %while3A_217, %broadcast_in_dim3A_289 : vector<256x1xf32>
      %sub3A_291 = vector.broadcast %max3A_290 : vector<256x1xf32> to vector<256x512xf32>
      %sub3A_292 = arith.subf %dot_general3A_286, %sub3A_291 : vector<256x512xf32>
      %exp3A_293 = math.exp %sub3A_292 : vector<256x512xf32>
      %sub3A_294 = arith.subf %while3A_217, %max3A_290 : vector<256x1xf32>
      %exp3A_295 = math.exp %sub3A_294 : vector<256x1xf32>
      %mul3A_296 = arith.mulf %while3A_221, %exp3A_295 : vector<256x1xf32>
      %reduce_sum3A_297 = arith.constant dense<0.000000e+00> : vector<256xf32>
      %reduce_sum3A_298 = vector.multi_reduction <add>, %exp3A_293, %reduce_sum3A_297 [1] : vector<256x512xf32> to vector<256xf32>
      %broadcast_in_dim3A_299 = vector.shape_cast %reduce_sum3A_298 : vector<256xf32> to vector<256x1xf32>
      %add3A_300 = arith.addf %mul3A_296, %broadcast_in_dim3A_299 : vector<256x1xf32>
      %mul3A_301 = vector.broadcast %exp3A_295 : vector<256x1xf32> to vector<256x64xf32>
      %mul3A_302 = arith.mulf %while3A_225, %mul3A_301 : vector<256x64xf32>
      %convert_element_type3A_303 = arith.truncf %exp3A_293 : vector<256x512xf32> to vector<256x512xbf16>
      %dot_general3A_304 = arith.constant dense<0.000000e+00> : vector<256x64xf32>
      %dot_general3A_305 = tpu.matmul %convert_element_type3A_303, %get3A_240, %dot_general3A_304 {dimension_numbers = #tpu.dot_dimension_numbers<[1], [0], [0], [1], [0, 0, 1, 1], [], []>, transpose_lhs_hint = false} : vector<256x512xbf16>, vector<512x64xbf16>, vector<256x64xf32> -> vector<256x64xf32>
      %add3A_306 = arith.addf %mul3A_302, %dot_general3A_305 : vector<256x64xf32>
      %dot_general3A_307 = arith.constant dense<0.000000e+00> : vector<256x512xf32>
      %dot_general3A_308 = tpu.matmul %mul3A_29, %get3A_233, %dot_general3A_307 {dimension_numbers = #tpu.dot_dimension_numbers<[1], [1], [0], [0], [0, 0, 1, 0], [], []>, transpose_lhs_hint = false} : vector<256x64xbf16>, vector<512x64xbf16>, vector<256x512xf32> -> vector<256x512xf32>
      %reduce_max3A_309 = arith.constant dense<0xFF800000> : vector<256xf32>
      %reduce_max3A_310 = vector.multi_reduction <maximumf>, %dot_general3A_308, %reduce_max3A_309 [1] : vector<256x512xf32> to vector<256xf32>
      %broadcast_in_dim3A_311 = vector.shape_cast %reduce_max3A_310 : vector<256xf32> to vector<256x1xf32>
      %max3A_312 = arith.maximumf %while3A_218, %broadcast_in_dim3A_311 : vector<256x1xf32>
      %sub3A_313 = vector.broadcast %max3A_312 : vector<256x1xf32> to vector<256x512xf32>
      %sub3A_314 = arith.subf %dot_general3A_308, %sub3A_313 : vector<256x512xf32>
      %exp3A_315 = math.exp %sub3A_314 : vector<256x512xf32>
      %sub3A_316 = arith.subf %while3A_218, %max3A_312 : vector<256x1xf32>
      %exp3A_317 = math.exp %sub3A_316 : vector<256x1xf32>
      %mul3A_318 = arith.mulf %while3A_222, %exp3A_317 : vector<256x1xf32>
      %reduce_sum3A_319 = arith.constant dense<0.000000e+00> : vector<256xf32>
      %reduce_sum3A_320 = vector.multi_reduction <add>, %exp3A_315, %reduce_sum3A_319 [1] : vector<256x512xf32> to vector<256xf32>
      %broadcast_in_dim3A_321 = vector.shape_cast %reduce_sum3A_320 : vector<256xf32> to vector<256x1xf32>
      %add3A_322 = arith.addf %mul3A_318, %broadcast_in_dim3A_321 : vector<256x1xf32>
      %mul3A_323 = vector.broadcast %exp3A_317 : vector<256x1xf32> to vector<256x64xf32>
      %mul3A_324 = arith.mulf %while3A_226, %mul3A_323 : vector<256x64xf32>
      %convert_element_type3A_325 = arith.truncf %exp3A_315 : vector<256x512xf32> to vector<256x512xbf16>
      %dot_general3A_326 = arith.constant dense<0.000000e+00> : vector<256x64xf32>
      %dot_general3A_327 = tpu.matmul %convert_element_type3A_325, %get3A_240, %dot_general3A_326 {dimension_numbers = #tpu.dot_dimension_numbers<[1], [0], [0], [1], [0, 0, 1, 1], [], []>, transpose_lhs_hint = false} : vector<256x512xbf16>, vector<512x64xbf16>, vector<256x64xf32> -> vector<256x64xf32>
      %add3A_328 = arith.addf %mul3A_324, %dot_general3A_327 : vector<256x64xf32>
      scf.yield %max3A_246, %max3A_268, %max3A_290, %max3A_312, %add3A_256, %add3A_278, %add3A_300, %add3A_322, %add3A_262, %add3A_284, %add3A_306, %add3A_328 : vector<256x1xf32>, vector<256x1xf32>, vector<256x1xf32>, vector<256x1xf32>, vector<256x1xf32>, vector<256x1xf32>, vector<256x1xf32>, vector<256x1xf32>, vector<256x64xf32>, vector<256x64xf32>, vector<256x64xf32>, vector<256x64xf32>
    }
    %mul3A_63 = arith.constant 512 : i32
    %mul3A_64 = arith.muli %select_n3A, %mul3A_63 : i32
    %get3A_65 = arith.constant 0 : index
    %get3A_66 = arith.index_cast %mul3A_64 : i32 to index
    %get3A_67 = arith.constant 0 : index
    %get3A_68 = vector.load %arg3[%get3A_65, %get3A_66, %get3A_67] : memref<1x2048x64xbf16, #tpu.memory_space<vmem>>, vector<1x512x64xbf16>
    %get3A_69 = vector.shape_cast %get3A_68 : vector<1x512x64xbf16> to vector<512x64xbf16>
    %mul3A_70 = arith.constant 512 : i32
    %mul3A_71 = arith.muli %select_n3A, %mul3A_70 : i32
    %get3A_72 = arith.constant 0 : index
    %get3A_73 = arith.index_cast %mul3A_71 : i32 to index
    %get3A_74 = arith.constant 0 : index
    %get3A_75 = vector.load %arg4[%get3A_72, %get3A_73, %get3A_74] : memref<1x2048x64xbf16, #tpu.memory_space<vmem>>, vector<1x512x64xbf16>
    %get3A_76 = vector.shape_cast %get3A_75 : vector<1x512x64xbf16> to vector<512x64xbf16>
    %mul3A_77 = arith.constant 256 : i32
    %mul3A_78 = arith.muli %arg1, %mul3A_77 : i32
    %iota3A = tpu.iota {dimensions = array<i32: 0>} : vector<256x512xi32>
    %add3A = vector.broadcast %mul3A_78 : i32 to vector<256x512xi32>
    %add3A_79 = arith.addi %add3A, %iota3A : vector<256x512xi32>
    %mul3A_80 = arith.constant 512 : i32
    %mul3A_81 = arith.muli %select_n3A, %mul3A_80 : i32
    %iota3A_82 = tpu.iota {dimensions = array<i32: 1>} : vector<256x512xi32>
    %add3A_83 = vector.broadcast %mul3A_81 : i32 to vector<256x512xi32>
    %add3A_84 = arith.addi %add3A_83, %iota3A_82 : vector<256x512xi32>
    %ge3A = arith.cmpi sge, %add3A_79, %add3A_84 : vector<256x512xi32>
    %dot_general3A = arith.constant dense<0.000000e+00> : vector<256x512xf32>
    %dot_general3A_85 = tpu.matmul %mul3A_5, %get3A_69, %dot_general3A {dimension_numbers = #tpu.dot_dimension_numbers<[1], [1], [0], [0], [0, 0, 1, 0], [], []>, transpose_lhs_hint = false} : vector<256x64xbf16>, vector<512x64xbf16>, vector<256x512xf32> -> vector<256x512xf32>
    %jit3A_86 = arith.constant -3.40282347E+38 : f32
    %broadcast_in_dim3A_87 = vector.broadcast %jit3A_86 : f32 to vector<256x512xf32>
    %select_n3A_88 = arith.select %ge3A, %dot_general3A_85, %broadcast_in_dim3A_87 : vector<256x512xi1>, vector<256x512xf32>
    %reduce_max3A = arith.constant dense<0xFF800000> : vector<256xf32>
    %reduce_max3A_89 = vector.multi_reduction <maximumf>, %select_n3A_88, %reduce_max3A [1] : vector<256x512xf32> to vector<256xf32>
    %broadcast_in_dim3A_90 = vector.shape_cast %reduce_max3A_89 : vector<256xf32> to vector<256x1xf32>
    %max3A = arith.maximumf %while3A_62#0, %broadcast_in_dim3A_90 : vector<256x1xf32>
    %sub3A_91 = vector.broadcast %max3A : vector<256x1xf32> to vector<256x512xf32>
    %sub3A_92 = arith.subf %select_n3A_88, %sub3A_91 : vector<256x512xf32>
    %exp3A = math.exp %sub3A_92 : vector<256x512xf32>
    %sub3A_93 = arith.subf %while3A_62#0, %max3A : vector<256x1xf32>
    %exp3A_94 = math.exp %sub3A_93 : vector<256x1xf32>
    %mul3A_95 = arith.mulf %while3A_62#4, %exp3A_94 : vector<256x1xf32>
    %reduce_sum3A = arith.constant dense<0.000000e+00> : vector<256xf32>
    %reduce_sum3A_96 = vector.multi_reduction <add>, %exp3A, %reduce_sum3A [1] : vector<256x512xf32> to vector<256xf32>
    %broadcast_in_dim3A_97 = vector.shape_cast %reduce_sum3A_96 : vector<256xf32> to vector<256x1xf32>
    %add3A_98 = arith.addf %mul3A_95, %broadcast_in_dim3A_97 : vector<256x1xf32>
    %mul3A_99 = vector.broadcast %exp3A_94 : vector<256x1xf32> to vector<256x64xf32>
    %mul3A_100 = arith.mulf %while3A_62#8, %mul3A_99 : vector<256x64xf32>
    %convert_element_type3A = arith.truncf %exp3A : vector<256x512xf32> to vector<256x512xbf16>
    %dot_general3A_101 = arith.constant dense<0.000000e+00> : vector<256x64xf32>
    %dot_general3A_102 = tpu.matmul %convert_element_type3A, %get3A_76, %dot_general3A_101 {dimension_numbers = #tpu.dot_dimension_numbers<[1], [0], [0], [1], [0, 0, 1, 1], [], []>, transpose_lhs_hint = false} : vector<256x512xbf16>, vector<512x64xbf16>, vector<256x64xf32> -> vector<256x64xf32>
    %add3A_103 = arith.addf %mul3A_100, %dot_general3A_102 : vector<256x64xf32>
    %dot_general3A_104 = arith.constant dense<0.000000e+00> : vector<256x512xf32>
    %dot_general3A_105 = tpu.matmul %mul3A_13, %get3A_69, %dot_general3A_104 {dimension_numbers = #tpu.dot_dimension_numbers<[1], [1], [0], [0], [0, 0, 1, 0], [], []>, transpose_lhs_hint = false} : vector<256x64xbf16>, vector<512x64xbf16>, vector<256x512xf32> -> vector<256x512xf32>
    %jit3A_106 = arith.constant -3.40282347E+38 : f32
    %broadcast_in_dim3A_107 = vector.broadcast %jit3A_106 : f32 to vector<256x512xf32>
    %select_n3A_108 = arith.select %ge3A, %dot_general3A_105, %broadcast_in_dim3A_107 : vector<256x512xi1>, vector<256x512xf32>
    %reduce_max3A_109 = arith.constant dense<0xFF800000> : vector<256xf32>
    %reduce_max3A_110 = vector.multi_reduction <maximumf>, %select_n3A_108, %reduce_max3A_109 [1] : vector<256x512xf32> to vector<256xf32>
    %broadcast_in_dim3A_111 = vector.shape_cast %reduce_max3A_110 : vector<256xf32> to vector<256x1xf32>
    %max3A_112 = arith.maximumf %while3A_62#1, %broadcast_in_dim3A_111 : vector<256x1xf32>
    %sub3A_113 = vector.broadcast %max3A_112 : vector<256x1xf32> to vector<256x512xf32>
    %sub3A_114 = arith.subf %select_n3A_108, %sub3A_113 : vector<256x512xf32>
    %exp3A_115 = math.exp %sub3A_114 : vector<256x512xf32>
    %sub3A_116 = arith.subf %while3A_62#1, %max3A_112 : vector<256x1xf32>
    %exp3A_117 = math.exp %sub3A_116 : vector<256x1xf32>
    %mul3A_118 = arith.mulf %while3A_62#5, %exp3A_117 : vector<256x1xf32>
    %reduce_sum3A_119 = arith.constant dense<0.000000e+00> : vector<256xf32>
    %reduce_sum3A_120 = vector.multi_reduction <add>, %exp3A_115, %reduce_sum3A_119 [1] : vector<256x512xf32> to vector<256xf32>
    %broadcast_in_dim3A_121 = vector.shape_cast %reduce_sum3A_120 : vector<256xf32> to vector<256x1xf32>
    %add3A_122 = arith.addf %mul3A_118, %broadcast_in_dim3A_121 : vector<256x1xf32>
    %mul3A_123 = vector.broadcast %exp3A_117 : vector<256x1xf32> to vector<256x64xf32>
    %mul3A_124 = arith.mulf %while3A_62#9, %mul3A_123 : vector<256x64xf32>
    %convert_element_type3A_125 = arith.truncf %exp3A_115 : vector<256x512xf32> to vector<256x512xbf16>
    %dot_general3A_126 = arith.constant dense<0.000000e+00> : vector<256x64xf32>
    %dot_general3A_127 = tpu.matmul %convert_element_type3A_125, %get3A_76, %dot_general3A_126 {dimension_numbers = #tpu.dot_dimension_numbers<[1], [0], [0], [1], [0, 0, 1, 1], [], []>, transpose_lhs_hint = false} : vector<256x512xbf16>, vector<512x64xbf16>, vector<256x64xf32> -> vector<256x64xf32>
    %add3A_128 = arith.addf %mul3A_124, %dot_general3A_127 : vector<256x64xf32>
    %dot_general3A_129 = arith.constant dense<0.000000e+00> : vector<256x512xf32>
    %dot_general3A_130 = tpu.matmul %mul3A_21, %get3A_69, %dot_general3A_129 {dimension_numbers = #tpu.dot_dimension_numbers<[1], [1], [0], [0], [0, 0, 1, 0], [], []>, transpose_lhs_hint = false} : vector<256x64xbf16>, vector<512x64xbf16>, vector<256x512xf32> -> vector<256x512xf32>
    %jit3A_131 = arith.constant -3.40282347E+38 : f32
    %broadcast_in_dim3A_132 = vector.broadcast %jit3A_131 : f32 to vector<256x512xf32>
    %select_n3A_133 = arith.select %ge3A, %dot_general3A_130, %broadcast_in_dim3A_132 : vector<256x512xi1>, vector<256x512xf32>
    %reduce_max3A_134 = arith.constant dense<0xFF800000> : vector<256xf32>
    %reduce_max3A_135 = vector.multi_reduction <maximumf>, %select_n3A_133, %reduce_max3A_134 [1] : vector<256x512xf32> to vector<256xf32>
    %broadcast_in_dim3A_136 = vector.shape_cast %reduce_max3A_135 : vector<256xf32> to vector<256x1xf32>
    %max3A_137 = arith.maximumf %while3A_62#2, %broadcast_in_dim3A_136 : vector<256x1xf32>
    %sub3A_138 = vector.broadcast %max3A_137 : vector<256x1xf32> to vector<256x512xf32>
    %sub3A_139 = arith.subf %select_n3A_133, %sub3A_138 : vector<256x512xf32>
    %exp3A_140 = math.exp %sub3A_139 : vector<256x512xf32>
    %sub3A_141 = arith.subf %while3A_62#2, %max3A_137 : vector<256x1xf32>
    %exp3A_142 = math.exp %sub3A_141 : vector<256x1xf32>
    %mul3A_143 = arith.mulf %while3A_62#6, %exp3A_142 : vector<256x1xf32>
    %reduce_sum3A_144 = arith.constant dense<0.000000e+00> : vector<256xf32>
    %reduce_sum3A_145 = vector.multi_reduction <add>, %exp3A_140, %reduce_sum3A_144 [1] : vector<256x512xf32> to vector<256xf32>
    %broadcast_in_dim3A_146 = vector.shape_cast %reduce_sum3A_145 : vector<256xf32> to vector<256x1xf32>
    %add3A_147 = arith.addf %mul3A_143, %broadcast_in_dim3A_146 : vector<256x1xf32>
    %mul3A_148 = vector.broadcast %exp3A_142 : vector<256x1xf32> to vector<256x64xf32>
    %mul3A_149 = arith.mulf %while3A_62#10, %mul3A_148 : vector<256x64xf32>
    %convert_element_type3A_150 = arith.truncf %exp3A_140 : vector<256x512xf32> to vector<256x512xbf16>
    %dot_general3A_151 = arith.constant dense<0.000000e+00> : vector<256x64xf32>
    %dot_general3A_152 = tpu.matmul %convert_element_type3A_150, %get3A_76, %dot_general3A_151 {dimension_numbers = #tpu.dot_dimension_numbers<[1], [0], [0], [1], [0, 0, 1, 1], [], []>, transpose_lhs_hint = false} : vector<256x512xbf16>, vector<512x64xbf16>, vector<256x64xf32> -> vector<256x64xf32>
    %add3A_153 = arith.addf %mul3A_149, %dot_general3A_152 : vector<256x64xf32>
    %dot_general3A_154 = arith.constant dense<0.000000e+00> : vector<256x512xf32>
    %dot_general3A_155 = tpu.matmul %mul3A_29, %get3A_69, %dot_general3A_154 {dimension_numbers = #tpu.dot_dimension_numbers<[1], [1], [0], [0], [0, 0, 1, 0], [], []>, transpose_lhs_hint = false} : vector<256x64xbf16>, vector<512x64xbf16>, vector<256x512xf32> -> vector<256x512xf32>
    %jit3A_156 = arith.constant -3.40282347E+38 : f32
    %broadcast_in_dim3A_157 = vector.broadcast %jit3A_156 : f32 to vector<256x512xf32>
    %select_n3A_158 = arith.select %ge3A, %dot_general3A_155, %broadcast_in_dim3A_157 : vector<256x512xi1>, vector<256x512xf32>
    %reduce_max3A_159 = arith.constant dense<0xFF800000> : vector<256xf32>
    %reduce_max3A_160 = vector.multi_reduction <maximumf>, %select_n3A_158, %reduce_max3A_159 [1] : vector<256x512xf32> to vector<256xf32>
    %broadcast_in_dim3A_161 = vector.shape_cast %reduce_max3A_160 : vector<256xf32> to vector<256x1xf32>
    %max3A_162 = arith.maximumf %while3A_62#3, %broadcast_in_dim3A_161 : vector<256x1xf32>
    %sub3A_163 = vector.broadcast %max3A_162 : vector<256x1xf32> to vector<256x512xf32>
    %sub3A_164 = arith.subf %select_n3A_158, %sub3A_163 : vector<256x512xf32>
    %exp3A_165 = math.exp %sub3A_164 : vector<256x512xf32>
    %sub3A_166 = arith.subf %while3A_62#3, %max3A_162 : vector<256x1xf32>
    %exp3A_167 = math.exp %sub3A_166 : vector<256x1xf32>
    %mul3A_168 = arith.mulf %while3A_62#7, %exp3A_167 : vector<256x1xf32>
    %reduce_sum3A_169 = arith.constant dense<0.000000e+00> : vector<256xf32>
    %reduce_sum3A_170 = vector.multi_reduction <add>, %exp3A_165, %reduce_sum3A_169 [1] : vector<256x512xf32> to vector<256xf32>
    %broadcast_in_dim3A_171 = vector.shape_cast %reduce_sum3A_170 : vector<256xf32> to vector<256x1xf32>
    %add3A_172 = arith.addf %mul3A_168, %broadcast_in_dim3A_171 : vector<256x1xf32>
    %mul3A_173 = vector.broadcast %exp3A_167 : vector<256x1xf32> to vector<256x64xf32>
    %mul3A_174 = arith.mulf %while3A_62#11, %mul3A_173 : vector<256x64xf32>
    %convert_element_type3A_175 = arith.truncf %exp3A_165 : vector<256x512xf32> to vector<256x512xbf16>
    %dot_general3A_176 = arith.constant dense<0.000000e+00> : vector<256x64xf32>
    %dot_general3A_177 = tpu.matmul %convert_element_type3A_175, %get3A_76, %dot_general3A_176 {dimension_numbers = #tpu.dot_dimension_numbers<[1], [0], [0], [1], [0, 0, 1, 1], [], []>, transpose_lhs_hint = false} : vector<256x512xbf16>, vector<512x64xbf16>, vector<256x64xf32> -> vector<256x64xf32>
    %add3A_178 = arith.addf %mul3A_174, %dot_general3A_177 : vector<256x64xf32>
    %div3A_179 = vector.broadcast %add3A_98 : vector<256x1xf32> to vector<256x64xf32>
    %div3A_180 = arith.divf %add3A_103, %div3A_179 : vector<256x64xf32>
    %convert_element_type3A_181 = arith.truncf %div3A_180 : vector<256x64xf32> to vector<256x64xbf16>
    %swap3A = arith.constant 0 : index
    %swap3A_182 = arith.constant 0 : index
    %swap3A_183 = arith.constant 0 : index
    %swap3A_184 = vector.load %arg5[%swap3A, %swap3A_182, %swap3A_183] : memref<4x256x64xbf16, #tpu.memory_space<vmem>>, vector<1x256x64xbf16>
    %swap3A_185 = vector.shape_cast %swap3A_184 : vector<1x256x64xbf16> to vector<256x64xbf16>
    %swap3A_186 = vector.shape_cast %convert_element_type3A_181 : vector<256x64xbf16> to vector<1x256x64xbf16>
    tpu.vector_store %arg5[%swap3A, %swap3A_182, %swap3A_183], %swap3A_186 {strides = array<i32>} : memref<4x256x64xbf16, #tpu.memory_space<vmem>>, vector<1x256x64xbf16>,
    %div3A_187 = vector.broadcast %add3A_122 : vector<256x1xf32> to vector<256x64xf32>
    %div3A_188 = arith.divf %add3A_128, %div3A_187 : vector<256x64xf32>
    %convert_element_type3A_189 = arith.truncf %div3A_188 : vector<256x64xf32> to vector<256x64xbf16>
    %swap3A_190 = arith.constant 1 : index
    %swap3A_191 = arith.constant 0 : index
    %swap3A_192 = arith.constant 0 : index
    %swap3A_193 = vector.load %arg5[%swap3A_190, %swap3A_191, %swap3A_192] : memref<4x256x64xbf16, #tpu.memory_space<vmem>>, vector<1x256x64xbf16>
    %swap3A_194 = vector.shape_cast %swap3A_193 : vector<1x256x64xbf16> to vector<256x64xbf16>
    %swap3A_195 = vector.shape_cast %convert_element_type3A_189 : vector<256x64xbf16> to vector<1x256x64xbf16>
    tpu.vector_store %arg5[%swap3A_190, %swap3A_191, %swap3A_192], %swap3A_195 {strides = array<i32>} : memref<4x256x64xbf16, #tpu.memory_space<vmem>>, vector<1x256x64xbf16>,
    %div3A_196 = vector.broadcast %add3A_147 : vector<256x1xf32> to vector<256x64xf32>
    %div3A_197 = arith.divf %add3A_153, %div3A_196 : vector<256x64xf32>
    %convert_element_type3A_198 = arith.truncf %div3A_197 : vector<256x64xf32> to vector<256x64xbf16>
    %swap3A_199 = arith.constant 2 : index
    %swap3A_200 = arith.constant 0 : index
    %swap3A_201 = arith.constant 0 : index
    %swap3A_202 = vector.load %arg5[%swap3A_199, %swap3A_200, %swap3A_201] : memref<4x256x64xbf16, #tpu.memory_space<vmem>>, vector<1x256x64xbf16>
    %swap3A_203 = vector.shape_cast %swap3A_202 : vector<1x256x64xbf16> to vector<256x64xbf16>
    %swap3A_204 = vector.shape_cast %convert_element_type3A_198 : vector<256x64xbf16> to vector<1x256x64xbf16>
    tpu.vector_store %arg5[%swap3A_199, %swap3A_200, %swap3A_201], %swap3A_204 {strides = array<i32>} : memref<4x256x64xbf16, #tpu.memory_space<vmem>>, vector<1x256x64xbf16>,
    %div3A_205 = vector.broadcast %add3A_172 : vector<256x1xf32> to vector<256x64xf32>
    %div3A_206 = arith.divf %add3A_178, %div3A_205 : vector<256x64xf32>
    %convert_element_type3A_207 = arith.truncf %div3A_206 : vector<256x64xf32> to vector<256x64xbf16>
    %swap3A_208 = arith.constant 3 : index
    %swap3A_209 = arith.constant 0 : index
    %swap3A_210 = arith.constant 0 : index
    %swap3A_211 = vector.load %arg5[%swap3A_208, %swap3A_209, %swap3A_210] : memref<4x256x64xbf16, #tpu.memory_space<vmem>>, vector<1x256x64xbf16>
    %swap3A_212 = vector.shape_cast %swap3A_211 : vector<1x256x64xbf16> to vector<256x64xbf16>
    %swap3A_213 = vector.shape_cast %convert_element_type3A_207 : vector<256x64xbf16> to vector<1x256x64xbf16>
    tpu.vector_store %arg5[%swap3A_208, %swap3A_209, %swap3A_210], %swap3A_213 {strides = array<i32>} : memref<4x256x64xbf16, #tpu.memory_space<vmem>>, vector<1x256x64xbf16>,
    return
  }
  func.func @transform_0(%arg0: i32, %arg1: i32) -> (i32, i32, i32) {
    %c0_i32 = arith.constant 0 : i32
    %c0_i32_0 = arith.constant 0 : i32
    return %arg0, %arg1, %c0_i32 : i32, i32, i32
  }
  func.func @transform_1(%arg0: i32, %arg1: i32) -> (i32, i32, i32) {
    %c0_i32 = arith.constant 0 : i32
    %c0_i32_0 = arith.constant 0 : i32
    %c0_i32_1 = arith.constant 0 : i32
    return %arg0, %c0_i32, %c0_i32_0 : i32, i32, i32
  }
  func.func @transform_2(%arg0: i32, %arg1: i32) -> (i32, i32, i32) {
    %c0_i32 = arith.constant 0 : i32
    %c0_i32_0 = arith.constant 0 : i32
    %c0_i32_1 = arith.constant 0 : i32
    return %arg0, %c0_i32, %c0_i32_0 : i32, i32, i32
  }
  func.func @transform_3(%arg0: i32, %arg1: i32) -> (i32, i32, i32) {
    %c0_i32 = arith.constant 0 : i32
    %c0_i32_0 = arith.constant 0 : i32
    return %arg0, %arg1, %c0_i32 : i32, i32, i32
  }
}

module attributes {stable_mosaic.version = 14 : i64} {
  func.func @_post_kernel(%arg0: i32, %arg1: memref<16x256x64xbf16, #tpu.memory_space<vmem>>, %arg2: memref<256x1024xf32, #tpu.memory_space<vmem>>, %arg3: memref<1024x1024xbf16, #tpu.memory_space<vmem>>, %arg4: memref<1x1024xf32, #tpu.memory_space<vmem>>, %arg5: memref<1024x128xf32, #tpu.memory_space<vmem>>, %arg6: memref<256x1024xf32, #tpu.memory_space<vmem>>, %arg7: memref<256x1024xf32, #tpu.memory_space<vmem>>, %arg8: memref<256x128xf32, #tpu.memory_space<vmem>>) attributes {dimension_semantics = [#tpu.dimension_semantics<arbitrary>], iteration_bounds = array<i64: 8>, scalar_prefetch = 0 : i64, scratch_operands = 0 : i64, tpu.core_type = #tpu.core_type<tc>, window_params = [{transform_indices = @transform_0, window_bounds = array<i64: 16, 256, 64>}, {transform_indices = @transform_1, window_bounds = array<i64: 256, 1024>}, {pipeline_mode = #tpu.pipeline_mode<synchronous>, transform_indices = @transform_2, window_bounds = array<i64: 1024, 1024>}, {pipeline_mode = #tpu.pipeline_mode<synchronous>, transform_indices = @transform_3, window_bounds = array<i64: 1, 1024>}, {pipeline_mode = #tpu.pipeline_mode<synchronous>, transform_indices = @transform_4, window_bounds = array<i64: 1024, 128>}, {transform_indices = @transform_5, window_bounds = array<i64: 256, 1024>}, {transform_indices = @transform_6, window_bounds = array<i64: 256, 1024>}, {transform_indices = @transform_7, window_bounds = array<i64: 256, 128>}]} {
    %get3A = arith.constant 0 : index
    %get3A_0 = arith.constant 0 : index
    %get3A_1 = arith.constant 0 : index
    %get3A_2 = vector.load %arg1[%get3A, %get3A_0, %get3A_1] : memref<16x256x64xbf16, #tpu.memory_space<vmem>>, vector<1x256x64xbf16>
    %get3A_3 = vector.shape_cast %get3A_2 : vector<1x256x64xbf16> to vector<256x64xbf16>
    %get3A_4 = arith.constant 1 : index
    %get3A_5 = arith.constant 0 : index
    %get3A_6 = arith.constant 0 : index
    %get3A_7 = vector.load %arg1[%get3A_4, %get3A_5, %get3A_6] : memref<16x256x64xbf16, #tpu.memory_space<vmem>>, vector<1x256x64xbf16>
    %get3A_8 = vector.shape_cast %get3A_7 : vector<1x256x64xbf16> to vector<256x64xbf16>
    %get3A_9 = arith.constant 2 : index
    %get3A_10 = arith.constant 0 : index
    %get3A_11 = arith.constant 0 : index
    %get3A_12 = vector.load %arg1[%get3A_9, %get3A_10, %get3A_11] : memref<16x256x64xbf16, #tpu.memory_space<vmem>>, vector<1x256x64xbf16>
    %get3A_13 = vector.shape_cast %get3A_12 : vector<1x256x64xbf16> to vector<256x64xbf16>
    %get3A_14 = arith.constant 3 : index
    %get3A_15 = arith.constant 0 : index
    %get3A_16 = arith.constant 0 : index
    %get3A_17 = vector.load %arg1[%get3A_14, %get3A_15, %get3A_16] : memref<16x256x64xbf16, #tpu.memory_space<vmem>>, vector<1x256x64xbf16>
    %get3A_18 = vector.shape_cast %get3A_17 : vector<1x256x64xbf16> to vector<256x64xbf16>
    %get3A_19 = arith.constant 4 : index
    %get3A_20 = arith.constant 0 : index
    %get3A_21 = arith.constant 0 : index
    %get3A_22 = vector.load %arg1[%get3A_19, %get3A_20, %get3A_21] : memref<16x256x64xbf16, #tpu.memory_space<vmem>>, vector<1x256x64xbf16>
    %get3A_23 = vector.shape_cast %get3A_22 : vector<1x256x64xbf16> to vector<256x64xbf16>
    %get3A_24 = arith.constant 5 : index
    %get3A_25 = arith.constant 0 : index
    %get3A_26 = arith.constant 0 : index
    %get3A_27 = vector.load %arg1[%get3A_24, %get3A_25, %get3A_26] : memref<16x256x64xbf16, #tpu.memory_space<vmem>>, vector<1x256x64xbf16>
    %get3A_28 = vector.shape_cast %get3A_27 : vector<1x256x64xbf16> to vector<256x64xbf16>
    %get3A_29 = arith.constant 6 : index
    %get3A_30 = arith.constant 0 : index
    %get3A_31 = arith.constant 0 : index
    %get3A_32 = vector.load %arg1[%get3A_29, %get3A_30, %get3A_31] : memref<16x256x64xbf16, #tpu.memory_space<vmem>>, vector<1x256x64xbf16>
    %get3A_33 = vector.shape_cast %get3A_32 : vector<1x256x64xbf16> to vector<256x64xbf16>
    %get3A_34 = arith.constant 7 : index
    %get3A_35 = arith.constant 0 : index
    %get3A_36 = arith.constant 0 : index
    %get3A_37 = vector.load %arg1[%get3A_34, %get3A_35, %get3A_36] : memref<16x256x64xbf16, #tpu.memory_space<vmem>>, vector<1x256x64xbf16>
    %get3A_38 = vector.shape_cast %get3A_37 : vector<1x256x64xbf16> to vector<256x64xbf16>
    %get3A_39 = arith.constant 8 : index
    %get3A_40 = arith.constant 0 : index
    %get3A_41 = arith.constant 0 : index
    %get3A_42 = vector.load %arg1[%get3A_39, %get3A_40, %get3A_41] : memref<16x256x64xbf16, #tpu.memory_space<vmem>>, vector<1x256x64xbf16>
    %get3A_43 = vector.shape_cast %get3A_42 : vector<1x256x64xbf16> to vector<256x64xbf16>
    %get3A_44 = arith.constant 9 : index
    %get3A_45 = arith.constant 0 : index
    %get3A_46 = arith.constant 0 : index
    %get3A_47 = vector.load %arg1[%get3A_44, %get3A_45, %get3A_46] : memref<16x256x64xbf16, #tpu.memory_space<vmem>>, vector<1x256x64xbf16>
    %get3A_48 = vector.shape_cast %get3A_47 : vector<1x256x64xbf16> to vector<256x64xbf16>
    %get3A_49 = arith.constant 10 : index
    %get3A_50 = arith.constant 0 : index
    %get3A_51 = arith.constant 0 : index
    %get3A_52 = vector.load %arg1[%get3A_49, %get3A_50, %get3A_51] : memref<16x256x64xbf16, #tpu.memory_space<vmem>>, vector<1x256x64xbf16>
    %get3A_53 = vector.shape_cast %get3A_52 : vector<1x256x64xbf16> to vector<256x64xbf16>
    %get3A_54 = arith.constant 11 : index
    %get3A_55 = arith.constant 0 : index
    %get3A_56 = arith.constant 0 : index
    %get3A_57 = vector.load %arg1[%get3A_54, %get3A_55, %get3A_56] : memref<16x256x64xbf16, #tpu.memory_space<vmem>>, vector<1x256x64xbf16>
    %get3A_58 = vector.shape_cast %get3A_57 : vector<1x256x64xbf16> to vector<256x64xbf16>
    %get3A_59 = arith.constant 12 : index
    %get3A_60 = arith.constant 0 : index
    %get3A_61 = arith.constant 0 : index
    %get3A_62 = vector.load %arg1[%get3A_59, %get3A_60, %get3A_61] : memref<16x256x64xbf16, #tpu.memory_space<vmem>>, vector<1x256x64xbf16>
    %get3A_63 = vector.shape_cast %get3A_62 : vector<1x256x64xbf16> to vector<256x64xbf16>
    %get3A_64 = arith.constant 13 : index
    %get3A_65 = arith.constant 0 : index
    %get3A_66 = arith.constant 0 : index
    %get3A_67 = vector.load %arg1[%get3A_64, %get3A_65, %get3A_66] : memref<16x256x64xbf16, #tpu.memory_space<vmem>>, vector<1x256x64xbf16>
    %get3A_68 = vector.shape_cast %get3A_67 : vector<1x256x64xbf16> to vector<256x64xbf16>
    %get3A_69 = arith.constant 14 : index
    %get3A_70 = arith.constant 0 : index
    %get3A_71 = arith.constant 0 : index
    %get3A_72 = vector.load %arg1[%get3A_69, %get3A_70, %get3A_71] : memref<16x256x64xbf16, #tpu.memory_space<vmem>>, vector<1x256x64xbf16>
    %get3A_73 = vector.shape_cast %get3A_72 : vector<1x256x64xbf16> to vector<256x64xbf16>
    %get3A_74 = arith.constant 15 : index
    %get3A_75 = arith.constant 0 : index
    %get3A_76 = arith.constant 0 : index
    %get3A_77 = vector.load %arg1[%get3A_74, %get3A_75, %get3A_76] : memref<16x256x64xbf16, #tpu.memory_space<vmem>>, vector<1x256x64xbf16>
    %get3A_78 = vector.shape_cast %get3A_77 : vector<1x256x64xbf16> to vector<256x64xbf16>
    %concatenate3A = tpu.concatenate %get3A_3, %get3A_8, %get3A_13, %get3A_18, %get3A_23, %get3A_28, %get3A_33, %get3A_38, %get3A_43, %get3A_48, %get3A_53, %get3A_58, %get3A_63, %get3A_68, %get3A_73, %get3A_78 in 1 : vector<256x64xbf16>, vector<256x64xbf16>, vector<256x64xbf16>, vector<256x64xbf16>, vector<256x64xbf16>, vector<256x64xbf16>, vector<256x64xbf16>, vector<256x64xbf16>, vector<256x64xbf16>, vector<256x64xbf16>, vector<256x64xbf16>, vector<256x64xbf16>, vector<256x64xbf16>, vector<256x64xbf16>, vector<256x64xbf16>, vector<256x64xbf16> -> vector<256x1024xbf16>
    %get3A_79 = arith.constant 0 : index
    %get3A_80 = arith.constant 0 : index
    %get3A_81 = vector.load %arg3[%get3A_79, %get3A_80] : memref<1024x1024xbf16, #tpu.memory_space<vmem>>, vector<1024x1024xbf16>
    %dot_general3A = arith.constant dense<0.000000e+00> : vector<256x1024xf32>
    %dot_general3A_82 = tpu.matmul %concatenate3A, %get3A_81, %dot_general3A {dimension_numbers = #tpu.dot_dimension_numbers<[1], [0], [0], [1], [0, 0, 1, 1], [], []>, transpose_lhs_hint = false} : vector<256x1024xbf16>, vector<1024x1024xbf16>, vector<256x1024xf32> -> vector<256x1024xf32>
    %get3A_83 = arith.constant 0 : index
    %get3A_84 = arith.constant 0 : index
    %get3A_85 = vector.load %arg2[%get3A_83, %get3A_84] : memref<256x1024xf32, #tpu.memory_space<vmem>>, vector<256x1024xf32>
    %add3A = arith.addf %get3A_85, %dot_general3A_82 : vector<256x1024xf32>
    %swap3A = arith.constant 0 : index
    %swap3A_86 = arith.constant 0 : index
    %swap3A_87 = vector.load %arg6[%swap3A, %swap3A_86] : memref<256x1024xf32, #tpu.memory_space<vmem>>, vector<256x1024xf32>
    tpu.vector_store %arg6[%swap3A, %swap3A_86], %add3A {strides = array<i32>} : memref<256x1024xf32, #tpu.memory_space<vmem>>, vector<256x1024xf32>,
    %mul3A = arith.mulf %add3A, %add3A : vector<256x1024xf32>
    %reduce_sum3A = arith.constant dense<0.000000e+00> : vector<256xf32>
    %reduce_sum3A_88 = vector.multi_reduction <add>, %mul3A, %reduce_sum3A [1] : vector<256x1024xf32> to vector<256xf32>
    %broadcast_in_dim3A = vector.shape_cast %reduce_sum3A_88 : vector<256xf32> to vector<256x1xf32>
    %div3A = arith.constant 1.024000e+03 : f32
    %div3A_89 = vector.broadcast %div3A : f32 to vector<256x1xf32>
    %div3A_90 = arith.divf %broadcast_in_dim3A, %div3A_89 : vector<256x1xf32>
    %add3A_91 = arith.constant 9.99999997E-7 : f32
    %add3A_92 = vector.broadcast %add3A_91 : f32 to vector<256x1xf32>
    %add3A_93 = arith.addf %div3A_90, %add3A_92 : vector<256x1xf32>
    %rsqrt3A = math.rsqrt %add3A_93 : vector<256x1xf32>
    %mul3A_94 = vector.broadcast %rsqrt3A : vector<256x1xf32> to vector<256x1024xf32>
    %mul3A_95 = arith.mulf %add3A, %mul3A_94 : vector<256x1024xf32>
    %get3A_96 = arith.constant 0 : index
    %get3A_97 = arith.constant 0 : index
    %get3A_98 = vector.load %arg4[%get3A_96, %get3A_97] : memref<1x1024xf32, #tpu.memory_space<vmem>>, vector<1x1024xf32>
    %mul3A_99 = vector.broadcast %get3A_98 : vector<1x1024xf32> to vector<256x1024xf32>
    %mul3A_100 = arith.mulf %mul3A_95, %mul3A_99 : vector<256x1024xf32>
    %swap3A_101 = arith.constant 0 : index
    %swap3A_102 = arith.constant 0 : index
    %swap3A_103 = vector.load %arg7[%swap3A_101, %swap3A_102] : memref<256x1024xf32, #tpu.memory_space<vmem>>, vector<256x1024xf32>
    tpu.vector_store %arg7[%swap3A_101, %swap3A_102], %mul3A_100 {strides = array<i32>} : memref<256x1024xf32, #tpu.memory_space<vmem>>, vector<256x1024xf32>,
    %get3A_104 = arith.constant 0 : index
    %get3A_105 = arith.constant 0 : index
    %get3A_106 = vector.load %arg5[%get3A_104, %get3A_105] : memref<1024x128xf32, #tpu.memory_space<vmem>>, vector<1024x128xf32>
    %dot_general3A_107 = arith.constant dense<0.000000e+00> : vector<256x128xf32>
    %dot_general3A_108 = tpu.matmul %mul3A_100, %get3A_106, %dot_general3A_107 {dimension_numbers = #tpu.dot_dimension_numbers<[1], [0], [0], [1], [0, 0, 1, 1], [], []>, transpose_lhs_hint = false} : vector<256x1024xf32>, vector<1024x128xf32>, vector<256x128xf32> -> vector<256x128xf32>
    %iota3A = tpu.iota {dimensions = array<i32: 1>} : vector<256x128xi32>
    %lt3A = arith.constant 8 : i32
    %lt3A_109 = vector.broadcast %lt3A : i32 to vector<256x128xi32>
    %lt3A_110 = arith.cmpi slt, %iota3A, %lt3A_109 : vector<256x128xi32>
    %jit3A = arith.constant -3.40282347E+38 : f32
    %broadcast_in_dim3A_111 = vector.broadcast %jit3A : f32 to vector<256x128xf32>
    %select_n3A = arith.select %lt3A_110, %dot_general3A_108, %broadcast_in_dim3A_111 : vector<256x128xi1>, vector<256x128xf32>
    %reduce_max3A = arith.constant dense<0xFF800000> : vector<256xf32>
    %reduce_max3A_112 = vector.multi_reduction <maximumf>, %select_n3A, %reduce_max3A [1] : vector<256x128xf32> to vector<256xf32>
    %broadcast_in_dim3A_113 = vector.shape_cast %reduce_max3A_112 : vector<256xf32> to vector<256x1xf32>
    %sub3A = vector.broadcast %broadcast_in_dim3A_113 : vector<256x1xf32> to vector<256x128xf32>
    %sub3A_114 = arith.subf %select_n3A, %sub3A : vector<256x128xf32>
    %exp3A = math.exp %sub3A_114 : vector<256x128xf32>
    %jit3A_115 = arith.constant 0.000000e+00 : f32
    %broadcast_in_dim3A_116 = vector.broadcast %jit3A_115 : f32 to vector<256x128xf32>
    %select_n3A_117 = arith.select %lt3A_110, %exp3A, %broadcast_in_dim3A_116 : vector<256x128xi1>, vector<256x128xf32>
    %reduce_sum3A_118 = arith.constant dense<0.000000e+00> : vector<256xf32>
    %reduce_sum3A_119 = vector.multi_reduction <add>, %select_n3A_117, %reduce_sum3A_118 [1] : vector<256x128xf32> to vector<256xf32>
    %broadcast_in_dim3A_120 = vector.shape_cast %reduce_sum3A_119 : vector<256xf32> to vector<256x1xf32>
    %div3A_121 = vector.broadcast %broadcast_in_dim3A_120 : vector<256x1xf32> to vector<256x128xf32>
    %div3A_122 = arith.divf %select_n3A_117, %div3A_121 : vector<256x128xf32>
    %reduce_max3A_123 = arith.constant dense<0xFF800000> : vector<256xf32>
    %reduce_max3A_124 = vector.multi_reduction <maximumf>, %div3A_122, %reduce_max3A_123 [1] : vector<256x128xf32> to vector<256xf32>
    %broadcast_in_dim3A_125 = vector.shape_cast %reduce_max3A_124 : vector<256xf32> to vector<256x1xf32>
    %eq3A = vector.broadcast %broadcast_in_dim3A_125 : vector<256x1xf32> to vector<256x128xf32>
    %eq3A_126 = arith.cmpf oeq, %div3A_122, %eq3A : vector<256x128xf32>
    %jit3A_127 = arith.constant 128 : i32
    %broadcast_in_dim3A_128 = vector.broadcast %jit3A_127 : i32 to vector<256x128xi32>
    %select_n3A_129 = arith.select %eq3A_126, %iota3A, %broadcast_in_dim3A_128 : vector<256x128xi1>, vector<256x128xi32>
    %reduce_min3A = arith.constant dense<2147483647> : vector<256xi32>
    %reduce_min3A_130 = vector.multi_reduction <minsi>, %select_n3A_129, %reduce_min3A [1] : vector<256x128xi32> to vector<256xi32>
    %broadcast_in_dim3A_131 = vector.shape_cast %reduce_min3A_130 : vector<256xi32> to vector<256x1xi32>
    %eq3A_132 = vector.broadcast %broadcast_in_dim3A_131 : vector<256x1xi32> to vector<256x128xi32>
    %eq3A_133 = arith.cmpi eq, %iota3A, %eq3A_132 : vector<256x128xi32>
    %jit3A_134 = arith.constant -1.000000e+00 : f32
    %broadcast_in_dim3A_135 = vector.broadcast %jit3A_134 : f32 to vector<256x128xf32>
    %select_n3A_136 = arith.select %eq3A_133, %broadcast_in_dim3A_135, %div3A_122 : vector<256x128xi1>, vector<256x128xf32>
    %reduce_max3A_137 = arith.constant dense<0xFF800000> : vector<256xf32>
    %reduce_max3A_138 = vector.multi_reduction <maximumf>, %select_n3A_136, %reduce_max3A_137 [1] : vector<256x128xf32> to vector<256xf32>
    %broadcast_in_dim3A_139 = vector.shape_cast %reduce_max3A_138 : vector<256xf32> to vector<256x1xf32>
    %eq3A_140 = vector.broadcast %broadcast_in_dim3A_139 : vector<256x1xf32> to vector<256x128xf32>
    %eq3A_141 = arith.cmpf oeq, %select_n3A_136, %eq3A_140 : vector<256x128xf32>
    %jit3A_142 = arith.constant 128 : i32
    %broadcast_in_dim3A_143 = vector.broadcast %jit3A_142 : i32 to vector<256x128xi32>
    %select_n3A_144 = arith.select %eq3A_141, %iota3A, %broadcast_in_dim3A_143 : vector<256x128xi1>, vector<256x128xi32>
    %reduce_min3A_145 = arith.constant dense<2147483647> : vector<256xi32>
    %reduce_min3A_146 = vector.multi_reduction <minsi>, %select_n3A_144, %reduce_min3A_145 [1] : vector<256x128xi32> to vector<256xi32>
    %broadcast_in_dim3A_147 = vector.shape_cast %reduce_min3A_146 : vector<256xi32> to vector<256x1xi32>
    %eq3A_148 = vector.broadcast %broadcast_in_dim3A_147 : vector<256x1xi32> to vector<256x128xi32>
    %eq3A_149 = arith.cmpi eq, %iota3A, %eq3A_148 : vector<256x128xi32>
    %add3A_150 = arith.addf %broadcast_in_dim3A_125, %broadcast_in_dim3A_139 : vector<256x1xf32>
    %jit3A_151 = arith.constant 0.000000e+00 : f32
    %broadcast_in_dim3A_152 = vector.shape_cast %broadcast_in_dim3A_125 : vector<256x1xf32> to vector<256x1xf32>
    %broadcast_in_dim3A_153 = vector.broadcast %broadcast_in_dim3A_152 : vector<256x1xf32> to vector<256x128xf32>
    %broadcast_in_dim3A_154 = vector.broadcast %jit3A_151 : f32 to vector<256x128xf32>
    %select_n3A_155 = arith.select %eq3A_133, %broadcast_in_dim3A_153, %broadcast_in_dim3A_154 : vector<256x128xi1>, vector<256x128xf32>
    %jit3A_156 = arith.constant 0.000000e+00 : f32
    %broadcast_in_dim3A_157 = vector.shape_cast %broadcast_in_dim3A_139 : vector<256x1xf32> to vector<256x1xf32>
    %broadcast_in_dim3A_158 = vector.broadcast %broadcast_in_dim3A_157 : vector<256x1xf32> to vector<256x128xf32>
    %broadcast_in_dim3A_159 = vector.broadcast %jit3A_156 : f32 to vector<256x128xf32>
    %select_n3A_160 = arith.select %eq3A_149, %broadcast_in_dim3A_158, %broadcast_in_dim3A_159 : vector<256x128xi1>, vector<256x128xf32>
    %add3A_161 = arith.addf %select_n3A_155, %select_n3A_160 : vector<256x128xf32>
    %div3A_162 = vector.broadcast %add3A_150 : vector<256x1xf32> to vector<256x128xf32>
    %div3A_163 = arith.divf %add3A_161, %div3A_162 : vector<256x128xf32>
    %swap3A_164 = arith.constant 0 : index
    %swap3A_165 = arith.constant 0 : index
    %swap3A_166 = vector.load %arg8[%swap3A_164, %swap3A_165] : memref<256x128xf32, #tpu.memory_space<vmem>>, vector<256x128xf32>
    tpu.vector_store %arg8[%swap3A_164, %swap3A_165], %div3A_163 {strides = array<i32>} : memref<256x128xf32, #tpu.memory_space<vmem>>, vector<256x128xf32>,
    return
  }
  func.func @transform_0(%arg0: i32) -> (i32, i32, i32) {
    %c0_i32 = arith.constant 0 : i32
    %c0_i32_0 = arith.constant 0 : i32
    %c0_i32_1 = arith.constant 0 : i32
    return %c0_i32, %arg0, %c0_i32_0 : i32, i32, i32
  }
  func.func @transform_1(%arg0: i32) -> (i32, i32) {
    %c0_i32 = arith.constant 0 : i32
    %c0_i32_0 = arith.constant 0 : i32
    return %arg0, %c0_i32 : i32, i32
  }
  func.func @transform_2(%arg0: i32) -> (i32, i32) {
    %c0_i32 = arith.constant 0 : i32
    %c0_i32_0 = arith.constant 0 : i32
    %c0_i32_1 = arith.constant 0 : i32
    return %c0_i32, %c0_i32_0 : i32, i32
  }
  func.func @transform_3(%arg0: i32) -> (i32, i32) {
    %c0_i32 = arith.constant 0 : i32
    %c0_i32_0 = arith.constant 0 : i32
    %c0_i32_1 = arith.constant 0 : i32
    return %c0_i32, %c0_i32_0 : i32, i32
  }
  func.func @transform_4(%arg0: i32) -> (i32, i32) {
    %c0_i32 = arith.constant 0 : i32
    %c0_i32_0 = arith.constant 0 : i32
    %c0_i32_1 = arith.constant 0 : i32
    return %c0_i32, %c0_i32_0 : i32, i32
  }
  func.func @transform_5(%arg0: i32) -> (i32, i32) {
    %c0_i32 = arith.constant 0 : i32
    %c0_i32_0 = arith.constant 0 : i32
    return %arg0, %c0_i32 : i32, i32
  }
  func.func @transform_6(%arg0: i32) -> (i32, i32) {
    %c0_i32 = arith.constant 0 : i32
    %c0_i32_0 = arith.constant 0 : i32
    return %arg0, %c0_i32 : i32, i32
  }
  func.func @transform_7(%arg0: i32) -> (i32, i32) {
    %c0_i32 = arith.constant 0 : i32
    %c0_i32_0 = arith.constant 0 : i32
    return %arg0, %c0_i32 : i32, i32
  }
}

module attributes {stable_mosaic.version = 14 : i64} {
  func.func @_sched_kernel(%arg0: i32, %arg1: memref<2048x128xf32, #tpu.memory_space<vmem>>, %arg2: memref<2048x128xi32, #tpu.memory_space<vmem>>, %arg3: memref<2048x128xf32, #tpu.memory_space<vmem>>, %arg4: memref<128x1xi32, #tpu.memory_space<vmem>>, %arg5: memref<2048x1xi32, #tpu.memory_space<vmem>>, %arg6: memref<2048x1xi32, #tpu.memory_space<vmem>>) attributes {dimension_semantics = [#tpu.dimension_semantics<arbitrary>], iteration_bounds = array<i64: 1>, scalar_prefetch = 0 : i64, scratch_operands = 0 : i64, tpu.core_type = #tpu.core_type<tc>, window_params = [{pipeline_mode = #tpu.pipeline_mode<synchronous>, transform_indices = @transform_0, window_bounds = array<i64: 2048, 128>}, {pipeline_mode = #tpu.pipeline_mode<synchronous>, transform_indices = @transform_1, window_bounds = array<i64: 2048, 128>}, {pipeline_mode = #tpu.pipeline_mode<synchronous>, transform_indices = @transform_2, window_bounds = array<i64: 2048, 128>}, {pipeline_mode = #tpu.pipeline_mode<synchronous>, transform_indices = @transform_3, window_bounds = array<i64: 128, 1>}, {pipeline_mode = #tpu.pipeline_mode<synchronous>, transform_indices = @transform_4, window_bounds = array<i64: 2048, 1>}, {pipeline_mode = #tpu.pipeline_mode<synchronous>, transform_indices = @transform_5, window_bounds = array<i64: 2048, 1>}]} {
    %get3A = arith.constant 0 : index
    %get3A_0 = arith.constant 0 : index
    %get3A_1 = vector.load %arg1[%get3A, %get3A_0] : memref<2048x128xf32, #tpu.memory_space<vmem>>, vector<2048x128xf32>
    %gt3A = arith.constant 0.000000e+00 : f32
    %gt3A_2 = vector.broadcast %gt3A : f32 to vector<2048x128xf32>
    %gt3A_3 = arith.cmpf ogt, %get3A_1, %gt3A_2 : vector<2048x128xf32>
    %convert_element_type3A = arith.extui %gt3A_3 : vector<2048x128xi1> to vector<2048x128xi32>
    %convert_element_type3A_4 = arith.sitofp %convert_element_type3A : vector<2048x128xi32> to vector<2048x128xf32>
    %iota3A = tpu.iota {dimensions = array<i32: 0>} : vector<256x256xi32>
    %iota3A_5 = tpu.iota {dimensions = array<i32: 1>} : vector<256x256xi32>
    %gt3A_6 = arith.cmpi sgt, %iota3A, %iota3A_5 : vector<256x256xi32>
    %convert_element_type3A_7 = arith.extui %gt3A_6 : vector<256x256xi1> to vector<256x256xi32>
    %convert_element_type3A_8 = arith.sitofp %convert_element_type3A_7 : vector<256x256xi32> to vector<256x256xf32>
    %broadcast_in_dim3A = arith.constant 0.000000e+00 : f32
    %broadcast_in_dim3A_9 = vector.broadcast %broadcast_in_dim3A : f32 to vector<1x128xf32>
    %slice3A = vector.extract_strided_slice %convert_element_type3A_4 {offsets = [0, 0], sizes = [256, 128], strides = [1, 1]} : vector<2048x128xf32> to vector<256x128xf32>
    %dot_general3A = arith.constant dense<0.000000e+00> : vector<256x128xf32>
    %dot_general3A_10 = tpu.matmul %convert_element_type3A_8, %slice3A, %dot_general3A {dimension_numbers = #tpu.dot_dimension_numbers<[1], [0], [0], [1], [0, 0, 1, 1], [], []>, transpose_lhs_hint = false} : vector<256x256xf32>, vector<256x128xf32>, vector<256x128xf32> -> vector<256x128xf32>
    %add3A = vector.broadcast %broadcast_in_dim3A_9 : vector<1x128xf32> to vector<256x128xf32>
    %add3A_11 = arith.addf %dot_general3A_10, %add3A : vector<256x128xf32>
    %reduce_sum3A = arith.constant dense<0.000000e+00> : vector<128xf32>
    %reduce_sum3A_12 = vector.multi_reduction <add>, %slice3A, %reduce_sum3A [0] : vector<256x128xf32> to vector<128xf32>
    %broadcast_in_dim3A_13 = vector.shape_cast %reduce_sum3A_12 : vector<128xf32> to vector<1x128xf32>
    %add3A_14 = arith.addf %broadcast_in_dim3A_9, %broadcast_in_dim3A_13 : vector<1x128xf32>
    %slice3A_15 = vector.extract_strided_slice %convert_element_type3A_4 {offsets = [256, 0], sizes = [256, 128], strides = [1, 1]} : vector<2048x128xf32> to vector<256x128xf32>
    %dot_general3A_16 = arith.constant dense<0.000000e+00> : vector<256x128xf32>
    %dot_general3A_17 = tpu.matmul %convert_element_type3A_8, %slice3A_15, %dot_general3A_16 {dimension_numbers = #tpu.dot_dimension_numbers<[1], [0], [0], [1], [0, 0, 1, 1], [], []>, transpose_lhs_hint = false} : vector<256x256xf32>, vector<256x128xf32>, vector<256x128xf32> -> vector<256x128xf32>
    %add3A_18 = vector.broadcast %add3A_14 : vector<1x128xf32> to vector<256x128xf32>
    %add3A_19 = arith.addf %dot_general3A_17, %add3A_18 : vector<256x128xf32>
    %reduce_sum3A_20 = arith.constant dense<0.000000e+00> : vector<128xf32>
    %reduce_sum3A_21 = vector.multi_reduction <add>, %slice3A_15, %reduce_sum3A_20 [0] : vector<256x128xf32> to vector<128xf32>
    %broadcast_in_dim3A_22 = vector.shape_cast %reduce_sum3A_21 : vector<128xf32> to vector<1x128xf32>
    %add3A_23 = arith.addf %add3A_14, %broadcast_in_dim3A_22 : vector<1x128xf32>
    %slice3A_24 = vector.extract_strided_slice %convert_element_type3A_4 {offsets = [512, 0], sizes = [256, 128], strides = [1, 1]} : vector<2048x128xf32> to vector<256x128xf32>
    %dot_general3A_25 = arith.constant dense<0.000000e+00> : vector<256x128xf32>
    %dot_general3A_26 = tpu.matmul %convert_element_type3A_8, %slice3A_24, %dot_general3A_25 {dimension_numbers = #tpu.dot_dimension_numbers<[1], [0], [0], [1], [0, 0, 1, 1], [], []>, transpose_lhs_hint = false} : vector<256x256xf32>, vector<256x128xf32>, vector<256x128xf32> -> vector<256x128xf32>
    %add3A_27 = vector.broadcast %add3A_23 : vector<1x128xf32> to vector<256x128xf32>
    %add3A_28 = arith.addf %dot_general3A_26, %add3A_27 : vector<256x128xf32>
    %reduce_sum3A_29 = arith.constant dense<0.000000e+00> : vector<128xf32>
    %reduce_sum3A_30 = vector.multi_reduction <add>, %slice3A_24, %reduce_sum3A_29 [0] : vector<256x128xf32> to vector<128xf32>
    %broadcast_in_dim3A_31 = vector.shape_cast %reduce_sum3A_30 : vector<128xf32> to vector<1x128xf32>
    %add3A_32 = arith.addf %add3A_23, %broadcast_in_dim3A_31 : vector<1x128xf32>
    %slice3A_33 = vector.extract_strided_slice %convert_element_type3A_4 {offsets = [768, 0], sizes = [256, 128], strides = [1, 1]} : vector<2048x128xf32> to vector<256x128xf32>
    %dot_general3A_34 = arith.constant dense<0.000000e+00> : vector<256x128xf32>
    %dot_general3A_35 = tpu.matmul %convert_element_type3A_8, %slice3A_33, %dot_general3A_34 {dimension_numbers = #tpu.dot_dimension_numbers<[1], [0], [0], [1], [0, 0, 1, 1], [], []>, transpose_lhs_hint = false} : vector<256x256xf32>, vector<256x128xf32>, vector<256x128xf32> -> vector<256x128xf32>
    %add3A_36 = vector.broadcast %add3A_32 : vector<1x128xf32> to vector<256x128xf32>
    %add3A_37 = arith.addf %dot_general3A_35, %add3A_36 : vector<256x128xf32>
    %reduce_sum3A_38 = arith.constant dense<0.000000e+00> : vector<128xf32>
    %reduce_sum3A_39 = vector.multi_reduction <add>, %slice3A_33, %reduce_sum3A_38 [0] : vector<256x128xf32> to vector<128xf32>
    %broadcast_in_dim3A_40 = vector.shape_cast %reduce_sum3A_39 : vector<128xf32> to vector<1x128xf32>
    %add3A_41 = arith.addf %add3A_32, %broadcast_in_dim3A_40 : vector<1x128xf32>
    %slice3A_42 = vector.extract_strided_slice %convert_element_type3A_4 {offsets = [1024, 0], sizes = [256, 128], strides = [1, 1]} : vector<2048x128xf32> to vector<256x128xf32>
    %dot_general3A_43 = arith.constant dense<0.000000e+00> : vector<256x128xf32>
    %dot_general3A_44 = tpu.matmul %convert_element_type3A_8, %slice3A_42, %dot_general3A_43 {dimension_numbers = #tpu.dot_dimension_numbers<[1], [0], [0], [1], [0, 0, 1, 1], [], []>, transpose_lhs_hint = false} : vector<256x256xf32>, vector<256x128xf32>, vector<256x128xf32> -> vector<256x128xf32>
    %add3A_45 = vector.broadcast %add3A_41 : vector<1x128xf32> to vector<256x128xf32>
    %add3A_46 = arith.addf %dot_general3A_44, %add3A_45 : vector<256x128xf32>
    %reduce_sum3A_47 = arith.constant dense<0.000000e+00> : vector<128xf32>
    %reduce_sum3A_48 = vector.multi_reduction <add>, %slice3A_42, %reduce_sum3A_47 [0] : vector<256x128xf32> to vector<128xf32>
    %broadcast_in_dim3A_49 = vector.shape_cast %reduce_sum3A_48 : vector<128xf32> to vector<1x128xf32>
    %add3A_50 = arith.addf %add3A_41, %broadcast_in_dim3A_49 : vector<1x128xf32>
    %slice3A_51 = vector.extract_strided_slice %convert_element_type3A_4 {offsets = [1280, 0], sizes = [256, 128], strides = [1, 1]} : vector<2048x128xf32> to vector<256x128xf32>
    %dot_general3A_52 = arith.constant dense<0.000000e+00> : vector<256x128xf32>
    %dot_general3A_53 = tpu.matmul %convert_element_type3A_8, %slice3A_51, %dot_general3A_52 {dimension_numbers = #tpu.dot_dimension_numbers<[1], [0], [0], [1], [0, 0, 1, 1], [], []>, transpose_lhs_hint = false} : vector<256x256xf32>, vector<256x128xf32>, vector<256x128xf32> -> vector<256x128xf32>
    %add3A_54 = vector.broadcast %add3A_50 : vector<1x128xf32> to vector<256x128xf32>
    %add3A_55 = arith.addf %dot_general3A_53, %add3A_54 : vector<256x128xf32>
    %reduce_sum3A_56 = arith.constant dense<0.000000e+00> : vector<128xf32>
    %reduce_sum3A_57 = vector.multi_reduction <add>, %slice3A_51, %reduce_sum3A_56 [0] : vector<256x128xf32> to vector<128xf32>
    %broadcast_in_dim3A_58 = vector.shape_cast %reduce_sum3A_57 : vector<128xf32> to vector<1x128xf32>
    %add3A_59 = arith.addf %add3A_50, %broadcast_in_dim3A_58 : vector<1x128xf32>
    %slice3A_60 = vector.extract_strided_slice %convert_element_type3A_4 {offsets = [1536, 0], sizes = [256, 128], strides = [1, 1]} : vector<2048x128xf32> to vector<256x128xf32>
    %dot_general3A_61 = arith.constant dense<0.000000e+00> : vector<256x128xf32>
    %dot_general3A_62 = tpu.matmul %convert_element_type3A_8, %slice3A_60, %dot_general3A_61 {dimension_numbers = #tpu.dot_dimension_numbers<[1], [0], [0], [1], [0, 0, 1, 1], [], []>, transpose_lhs_hint = false} : vector<256x256xf32>, vector<256x128xf32>, vector<256x128xf32> -> vector<256x128xf32>
    %add3A_63 = vector.broadcast %add3A_59 : vector<1x128xf32> to vector<256x128xf32>
    %add3A_64 = arith.addf %dot_general3A_62, %add3A_63 : vector<256x128xf32>
    %reduce_sum3A_65 = arith.constant dense<0.000000e+00> : vector<128xf32>
    %reduce_sum3A_66 = vector.multi_reduction <add>, %slice3A_60, %reduce_sum3A_65 [0] : vector<256x128xf32> to vector<128xf32>
    %broadcast_in_dim3A_67 = vector.shape_cast %reduce_sum3A_66 : vector<128xf32> to vector<1x128xf32>
    %add3A_68 = arith.addf %add3A_59, %broadcast_in_dim3A_67 : vector<1x128xf32>
    %slice3A_69 = vector.extract_strided_slice %convert_element_type3A_4 {offsets = [1792, 0], sizes = [256, 128], strides = [1, 1]} : vector<2048x128xf32> to vector<256x128xf32>
    %dot_general3A_70 = arith.constant dense<0.000000e+00> : vector<256x128xf32>
    %dot_general3A_71 = tpu.matmul %convert_element_type3A_8, %slice3A_69, %dot_general3A_70 {dimension_numbers = #tpu.dot_dimension_numbers<[1], [0], [0], [1], [0, 0, 1, 1], [], []>, transpose_lhs_hint = false} : vector<256x256xf32>, vector<256x128xf32>, vector<256x128xf32> -> vector<256x128xf32>
    %add3A_72 = vector.broadcast %add3A_68 : vector<1x128xf32> to vector<256x128xf32>
    %add3A_73 = arith.addf %dot_general3A_71, %add3A_72 : vector<256x128xf32>
    %reduce_sum3A_74 = arith.constant dense<0.000000e+00> : vector<128xf32>
    %reduce_sum3A_75 = vector.multi_reduction <add>, %slice3A_69, %reduce_sum3A_74 [0] : vector<256x128xf32> to vector<128xf32>
    %broadcast_in_dim3A_76 = vector.shape_cast %reduce_sum3A_75 : vector<128xf32> to vector<1x128xf32>
    %add3A_77 = arith.addf %add3A_68, %broadcast_in_dim3A_76 : vector<1x128xf32>
    %concatenate3A = tpu.concatenate %add3A_11, %add3A_19, %add3A_28, %add3A_37, %add3A_46, %add3A_55, %add3A_64, %add3A_73 in 0 : vector<256x128xf32>, vector<256x128xf32>, vector<256x128xf32>, vector<256x128xf32>, vector<256x128xf32>, vector<256x128xf32>, vector<256x128xf32>, vector<256x128xf32> -> vector<2048x128xf32>
    %mul3A = arith.constant 3.906250e-03 : f32
    %mul3A_78 = vector.broadcast %mul3A : f32 to vector<1x128xf32>
    %mul3A_79 = arith.mulf %add3A_77, %mul3A_78 : vector<1x128xf32>
    %ceil3A = math.ceil %mul3A_79 : vector<1x128xf32>
    %mul3A_80 = arith.constant 2.560000e+02 : f32
    %mul3A_81 = vector.broadcast %mul3A_80 : f32 to vector<1x128xf32>
    %mul3A_82 = arith.mulf %ceil3A, %mul3A_81 : vector<1x128xf32>
    %iota3A_83 = tpu.iota {dimensions = array<i32: 0>} : vector<128x128xi32>
    %iota3A_84 = tpu.iota {dimensions = array<i32: 1>} : vector<128x128xi32>
    %lt3A = arith.cmpi slt, %iota3A_83, %iota3A_84 : vector<128x128xi32>
    %convert_element_type3A_85 = arith.extui %lt3A : vector<128x128xi1> to vector<128x128xi32>
    %convert_element_type3A_86 = arith.sitofp %convert_element_type3A_85 : vector<128x128xi32> to vector<128x128xf32>
    %dot_general3A_87 = arith.constant dense<0.000000e+00> : vector<1x128xf32>
    %dot_general3A_88 = tpu.matmul %mul3A_82, %convert_element_type3A_86, %dot_general3A_87 {dimension_numbers = #tpu.dot_dimension_numbers<[1], [0], [0], [1], [0, 0, 1, 1], [], []>, transpose_lhs_hint = false} : vector<1x128xf32>, vector<128x128xf32>, vector<1x128xf32> -> vector<1x128xf32>
    %add3A_89 = vector.broadcast %dot_general3A_88 : vector<1x128xf32> to vector<2048x128xf32>
    %add3A_90 = arith.addf %add3A_89, %concatenate3A : vector<2048x128xf32>
    %convert_element_type3A_91 = arith.fptosi %add3A_90 : vector<2048x128xf32> to vector<2048x128xi32>
    %swap3A = arith.constant 0 : index
    %swap3A_92 = arith.constant 0 : index
    %swap3A_93 = vector.load %arg2[%swap3A, %swap3A_92] : memref<2048x128xi32, #tpu.memory_space<vmem>>, vector<2048x128xi32>
    tpu.vector_store %arg2[%swap3A, %swap3A_92], %convert_element_type3A_91 {strides = array<i32>} : memref<2048x128xi32, #tpu.memory_space<vmem>>, vector<2048x128xi32>,
    %swap3A_94 = arith.constant 0 : index
    %swap3A_95 = arith.constant 0 : index
    %swap3A_96 = vector.load %arg3[%swap3A_94, %swap3A_95] : memref<2048x128xf32, #tpu.memory_space<vmem>>, vector<2048x128xf32>
    tpu.vector_store %arg3[%swap3A_94, %swap3A_95], %get3A_1 {strides = array<i32>} : memref<2048x128xf32, #tpu.memory_space<vmem>>, vector<2048x128xf32>,
    %iota3A_97 = tpu.iota {dimensions = array<i32: 0>} : vector<128x128xi32>
    %mul3A_98 = arith.constant 256 : i32
    %mul3A_99 = vector.broadcast %mul3A_98 : i32 to vector<128x128xi32>
    %mul3A_100 = arith.muli %iota3A_97, %mul3A_99 : vector<128x128xi32>
    %convert_element_type3A_101 = arith.sitofp %mul3A_100 : vector<128x128xi32> to vector<128x128xf32>
    %broadcast_in_dim3A_102 = vector.shape_cast %dot_general3A_88 : vector<1x128xf32> to vector<1x128xf32>
    %broadcast_in_dim3A_103 = vector.broadcast %broadcast_in_dim3A_102 : vector<1x128xf32> to vector<128x128xf32>
    %le3A = arith.cmpf ole, %broadcast_in_dim3A_103, %convert_element_type3A_101 : vector<128x128xf32>
    %convert_element_type3A_104 = arith.extui %le3A : vector<128x128xi1> to vector<128x128xi32>
    %convert_element_type3A_105 = arith.sitofp %convert_element_type3A_104 : vector<128x128xi32> to vector<128x128xf32>
    %reduce_sum3A_106 = arith.constant dense<0.000000e+00> : vector<128xf32>
    %reduce_sum3A_107 = vector.multi_reduction <add>, %convert_element_type3A_105, %reduce_sum3A_106 [1] : vector<128x128xf32> to vector<128xf32>
    %broadcast_in_dim3A_108 = vector.shape_cast %reduce_sum3A_107 : vector<128xf32> to vector<128x1xf32>
    %sub3A = arith.constant 1.000000e+00 : f32
    %sub3A_109 = vector.broadcast %sub3A : f32 to vector<128x1xf32>
    %sub3A_110 = arith.subf %broadcast_in_dim3A_108, %sub3A_109 : vector<128x1xf32>
    %min3A = arith.constant 7.000000e+00 : f32
    %min3A_111 = vector.broadcast %min3A : f32 to vector<128x1xf32>
    %min3A_112 = arith.minimumf %sub3A_110, %min3A_111 : vector<128x1xf32>
    %convert_element_type3A_113 = arith.fptosi %min3A_112 : vector<128x1xf32> to vector<128x1xi32>
    %swap3A_114 = arith.constant 0 : index
    %swap3A_115 = arith.constant 0 : index
    %swap3A_116 = vector.load %arg4[%swap3A_114, %swap3A_115] : memref<128x1xi32, #tpu.memory_space<vmem>>, vector<128x1xi32>
    tpu.vector_store %arg4[%swap3A_114, %swap3A_115], %convert_element_type3A_113 {strides = array<i32>} : memref<128x1xi32, #tpu.memory_space<vmem>>, vector<128x1xi32>,
    %gt3A_117 = arith.constant 0.000000e+00 : f32
    %gt3A_118 = vector.broadcast %gt3A_117 : f32 to vector<2048x128xf32>
    %gt3A_119 = arith.cmpf ogt, %get3A_1, %gt3A_118 : vector<2048x128xf32>
    %jit3A = arith.constant 6.143000e+03 : f32
    %broadcast_in_dim3A_120 = vector.broadcast %jit3A : f32 to vector<2048x128xf32>
    %select_n3A = arith.select %gt3A_119, %add3A_90, %broadcast_in_dim3A_120 : vector<2048x128xi1>, vector<2048x128xf32>
    %reduce_min3A = arith.constant dense<0x7F800000> : vector<2048xf32>
    %reduce_min3A_121 = vector.multi_reduction <minimumf>, %select_n3A, %reduce_min3A [1] : vector<2048x128xf32> to vector<2048xf32>
    %broadcast_in_dim3A_122 = vector.shape_cast %reduce_min3A_121 : vector<2048xf32> to vector<2048x1xf32>
    %gt3A_123 = vector.broadcast %broadcast_in_dim3A_122 : vector<2048x1xf32> to vector<2048x128xf32>
    %gt3A_124 = arith.cmpf ogt, %add3A_90, %gt3A_123 : vector<2048x128xf32>
    %and3A = arith.andi %gt3A_119, %gt3A_124 : vector<2048x128xi1>
    %jit3A_125 = arith.constant 6.143000e+03 : f32
    %broadcast_in_dim3A_126 = vector.broadcast %jit3A_125 : f32 to vector<2048x128xf32>
    %select_n3A_127 = arith.select %and3A, %add3A_90, %broadcast_in_dim3A_126 : vector<2048x128xi1>, vector<2048x128xf32>
    %reduce_min3A_128 = arith.constant dense<0x7F800000> : vector<2048xf32>
    %reduce_min3A_129 = vector.multi_reduction <minimumf>, %select_n3A_127, %reduce_min3A_128 [1] : vector<2048x128xf32> to vector<2048xf32>
    %broadcast_in_dim3A_130 = vector.shape_cast %reduce_min3A_129 : vector<2048xf32> to vector<2048x1xf32>
    %convert_element_type3A_131 = arith.fptosi %broadcast_in_dim3A_122 : vector<2048x1xf32> to vector<2048x1xi32>
    %swap3A_132 = arith.constant 0 : index
    %swap3A_133 = arith.constant 0 : index
    %swap3A_134 = vector.load %arg5[%swap3A_132, %swap3A_133] : memref<2048x1xi32, #tpu.memory_space<vmem>>, vector<2048x1xi32>
    tpu.vector_store %arg5[%swap3A_132, %swap3A_133], %convert_element_type3A_131 {strides = array<i32>} : memref<2048x1xi32, #tpu.memory_space<vmem>>, vector<2048x1xi32>,
    %convert_element_type3A_135 = arith.fptosi %broadcast_in_dim3A_130 : vector<2048x1xf32> to vector<2048x1xi32>
    %swap3A_136 = arith.constant 0 : index
    %swap3A_137 = arith.constant 0 : index
    %swap3A_138 = vector.load %arg6[%swap3A_136, %swap3A_137] : memref<2048x1xi32, #tpu.memory_space<vmem>>, vector<2048x1xi32>
    tpu.vector_store %arg6[%swap3A_136, %swap3A_137], %convert_element_type3A_135 {strides = array<i32>} : memref<2048x1xi32, #tpu.memory_space<vmem>>, vector<2048x1xi32>,
    return
  }
  func.func @transform_0(%arg0: i32) -> (i32, i32) {
    %c0_i32 = arith.constant 0 : i32
    %c0_i32_0 = arith.constant 0 : i32
    %c0_i32_1 = arith.constant 0 : i32
    return %c0_i32, %c0_i32_0 : i32, i32
  }
  func.func @transform_1(%arg0: i32) -> (i32, i32) {
    %c0_i32 = arith.constant 0 : i32
    %c0_i32_0 = arith.constant 0 : i32
    %c0_i32_1 = arith.constant 0 : i32
    return %c0_i32, %c0_i32_0 : i32, i32
  }
  func.func @transform_2(%arg0: i32) -> (i32, i32) {
    %c0_i32 = arith.constant 0 : i32
    %c0_i32_0 = arith.constant 0 : i32
    %c0_i32_1 = arith.constant 0 : i32
    return %c0_i32, %c0_i32_0 : i32, i32
  }
  func.func @transform_3(%arg0: i32) -> (i32, i32) {
    %c0_i32 = arith.constant 0 : i32
    %c0_i32_0 = arith.constant 0 : i32
    %c0_i32_1 = arith.constant 0 : i32
    return %c0_i32, %c0_i32_0 : i32, i32
  }
  func.func @transform_4(%arg0: i32) -> (i32, i32) {
    %c0_i32 = arith.constant 0 : i32
    %c0_i32_0 = arith.constant 0 : i32
    %c0_i32_1 = arith.constant 0 : i32
    return %c0_i32, %c0_i32_0 : i32, i32
  }
  func.func @transform_5(%arg0: i32) -> (i32, i32) {
    %c0_i32 = arith.constant 0 : i32
    %c0_i32_0 = arith.constant 0 : i32
    %c0_i32_1 = arith.constant 0 : i32
    return %c0_i32, %c0_i32_0 : i32, i32
  }
}

module attributes {stable_mosaic.version = 14 : i64} {
  func.func @_group_kernel(%arg0: i32, %arg1: memref<24xi32, #tpu.memory_space<smem>>, %arg2: memref<256x1024xf32, #tpu.memory_space<vmem>>, %arg3: memref<1x1024x1536xbf16, #tpu.memory_space<vmem>>, %arg4: memref<1x768x1024xbf16, #tpu.memory_space<vmem>>, %arg5: memref<256x1xf32, #tpu.memory_space<vmem>>, %arg6: memref<256x1024xf32, #tpu.memory_space<vmem>>) attributes {dimension_semantics = [#tpu.dimension_semantics<arbitrary>], iteration_bounds = array<i64: 24>, scalar_prefetch = 1 : i64, scratch_operands = 0 : i64, tpu.core_type = #tpu.core_type<tc>, window_params = [{transform_indices = @transform_0, window_bounds = array<i64: 256, 1024>}, {transform_indices = @transform_1, window_bounds = array<i64: 1, 1024, 1536>}, {transform_indices = @transform_2, window_bounds = array<i64: 1, 768, 1024>}, {transform_indices = @transform_3, window_bounds = array<i64: 256, 1>}, {transform_indices = @transform_4, window_bounds = array<i64: 256, 1024>}]} {
    %get3A = arith.constant 0 : index
    %get3A_0 = arith.constant 0 : index
    %get3A_1 = vector.load %arg2[%get3A, %get3A_0] : memref<256x1024xf32, #tpu.memory_space<vmem>>, vector<256x1024xf32>
    %convert_element_type3A = arith.truncf %get3A_1 : vector<256x1024xf32> to vector<256x1024xbf16>
    %get3A_2 = arith.constant 0 : index
    %get3A_3 = arith.constant 0 : index
    %get3A_4 = arith.constant 0 : index
    %get3A_5 = vector.load %arg3[%get3A_2, %get3A_3, %get3A_4] : memref<1x1024x1536xbf16, #tpu.memory_space<vmem>>, vector<1x1024x1536xbf16>
    %get3A_6 = vector.shape_cast %get3A_5 : vector<1x1024x1536xbf16> to vector<1024x1536xbf16>
    %dot_general3A = arith.constant dense<0.000000e+00> : vector<256x1536xf32>
    %dot_general3A_7 = tpu.matmul %convert_element_type3A, %get3A_6, %dot_general3A {dimension_numbers = #tpu.dot_dimension_numbers<[1], [0], [0], [1], [0, 0, 1, 1], [], []>, transpose_lhs_hint = false} : vector<256x1024xbf16>, vector<1024x1536xbf16>, vector<256x1536xf32> -> vector<256x1536xf32>
    %slice3A = vector.extract_strided_slice %dot_general3A_7 {offsets = [0, 0], sizes = [256, 768], strides = [1, 1]} : vector<256x1536xf32> to vector<256x768xf32>
    %slice3A_8 = vector.extract_strided_slice %dot_general3A_7 {offsets = [0, 768], sizes = [256, 768], strides = [1, 1]} : vector<256x1536xf32> to vector<256x768xf32>
    %neg3A = arith.constant 0.000000e+00 : f32
    %neg3A_9 = vector.broadcast %neg3A : f32 to vector<256x768xf32>
    %neg3A_10 = arith.subf %neg3A_9, %slice3A : vector<256x768xf32>
    %exp3A = math.exp %neg3A_10 : vector<256x768xf32>
    %add3A = arith.constant 1.000000e+00 : f32
    %add3A_11 = vector.broadcast %add3A : f32 to vector<256x768xf32>
    %add3A_12 = arith.addf %add3A_11, %exp3A : vector<256x768xf32>
    %div3A = arith.divf %slice3A, %add3A_12 : vector<256x768xf32>
    %mul3A = arith.mulf %div3A, %slice3A_8 : vector<256x768xf32>
    %get3A_13 = arith.constant 0 : index
    %get3A_14 = arith.constant 0 : index
    %get3A_15 = vector.load %arg5[%get3A_13, %get3A_14] : memref<256x1xf32, #tpu.memory_space<vmem>>, vector<256x1xf32>
    %mul3A_16 = vector.broadcast %get3A_15 : vector<256x1xf32> to vector<256x768xf32>
    %mul3A_17 = arith.mulf %mul3A, %mul3A_16 : vector<256x768xf32>
    %convert_element_type3A_18 = arith.truncf %mul3A_17 : vector<256x768xf32> to vector<256x768xbf16>
    %get3A_19 = arith.constant 0 : index
    %get3A_20 = arith.constant 0 : index
    %get3A_21 = arith.constant 0 : index
    %get3A_22 = vector.load %arg4[%get3A_19, %get3A_20, %get3A_21] : memref<1x768x1024xbf16, #tpu.memory_space<vmem>>, vector<1x768x1024xbf16>
    %get3A_23 = vector.shape_cast %get3A_22 : vector<1x768x1024xbf16> to vector<768x1024xbf16>
    %dot_general3A_24 = arith.constant dense<0.000000e+00> : vector<256x1024xf32>
    %dot_general3A_25 = tpu.matmul %convert_element_type3A_18, %get3A_23, %dot_general3A_24 {dimension_numbers = #tpu.dot_dimension_numbers<[1], [0], [0], [1], [0, 0, 1, 1], [], []>, transpose_lhs_hint = false} : vector<256x768xbf16>, vector<768x1024xbf16>, vector<256x1024xf32> -> vector<256x1024xf32>
    %swap3A = arith.constant 0 : index
    %swap3A_26 = arith.constant 0 : index
    %swap3A_27 = vector.load %arg6[%swap3A, %swap3A_26] : memref<256x1024xf32, #tpu.memory_space<vmem>>, vector<256x1024xf32>
    tpu.vector_store %arg6[%swap3A, %swap3A_26], %dot_general3A_25 {strides = array<i32>} : memref<256x1024xf32, #tpu.memory_space<vmem>>, vector<256x1024xf32>,
    return
  }
  func.func @transform_0(%arg0: i32, %arg1: memref<24xi32, #tpu.memory_space<smem>>) -> (i32, i32) {
    %c0_i32 = arith.constant 0 : i32
    %c0_i32_0 = arith.constant 0 : i32
    return %arg0, %c0_i32 : i32, i32
  }
  func.func @transform_1(%arg0: i32, %arg1: memref<24xi32, #tpu.memory_space<smem>>) -> (i32, i32, i32) {
    %get3A = arith.index_cast %arg0 : i32 to index
    %get3A_0 = memref.load %arg1[%get3A] : memref<24xi32, #tpu.memory_space<smem>>
    %c0_i32 = arith.constant 0 : i32
    %c0_i32_1 = arith.constant 0 : i32
    %c0_i32_2 = arith.constant 0 : i32
    return %get3A_0, %c0_i32, %c0_i32_1 : i32, i32, i32
  }
  func.func @transform_2(%arg0: i32, %arg1: memref<24xi32, #tpu.memory_space<smem>>) -> (i32, i32, i32) {
    %get3A = arith.index_cast %arg0 : i32 to index
    %get3A_0 = memref.load %arg1[%get3A] : memref<24xi32, #tpu.memory_space<smem>>
    %c0_i32 = arith.constant 0 : i32
    %c0_i32_1 = arith.constant 0 : i32
    %c0_i32_2 = arith.constant 0 : i32
    return %get3A_0, %c0_i32, %c0_i32_1 : i32, i32, i32
  }
  func.func @transform_3(%arg0: i32, %arg1: memref<24xi32, #tpu.memory_space<smem>>) -> (i32, i32) {
    %c0_i32 = arith.constant 0 : i32
    %c0_i32_0 = arith.constant 0 : i32
    return %arg0, %c0_i32 : i32, i32
  }
  func.func @transform_4(%arg0: i32, %arg1: memref<24xi32, #tpu.memory_space<smem>>) -> (i32, i32) {
    %c0_i32 = arith.constant 0 : i32
    %c0_i32_0 = arith.constant 0 : i32
    return %arg0, %c0_i32 : i32, i32
  }
}

module attributes {stable_mosaic.version = 14 : i64} {
  func.func @_final_kernel(%arg0: i32, %arg1: memref<256x1024xf32, #tpu.memory_space<vmem>>, %arg2: memref<256x1024xf32, #tpu.memory_space<vmem>>, %arg3: memref<256x1024xf32, #tpu.memory_space<vmem>>, %arg4: memref<256x1024xf32, #tpu.memory_space<vmem>>) attributes {dimension_semantics = [#tpu.dimension_semantics<arbitrary>], iteration_bounds = array<i64: 8>, scalar_prefetch = 0 : i64, scratch_operands = 0 : i64, tpu.core_type = #tpu.core_type<tc>, window_params = [{transform_indices = @transform_0, window_bounds = array<i64: 256, 1024>}, {transform_indices = @transform_1, window_bounds = array<i64: 256, 1024>}, {transform_indices = @transform_2, window_bounds = array<i64: 256, 1024>}, {transform_indices = @transform_3, window_bounds = array<i64: 256, 1024>}]} {
    %get3A = arith.constant 0 : index
    %get3A_0 = arith.constant 0 : index
    %get3A_1 = vector.load %arg1[%get3A, %get3A_0] : memref<256x1024xf32, #tpu.memory_space<vmem>>, vector<256x1024xf32>
    %get3A_2 = arith.constant 0 : index
    %get3A_3 = arith.constant 0 : index
    %get3A_4 = vector.load %arg2[%get3A_2, %get3A_3] : memref<256x1024xf32, #tpu.memory_space<vmem>>, vector<256x1024xf32>
    %add3A = arith.addf %get3A_1, %get3A_4 : vector<256x1024xf32>
    %get3A_5 = arith.constant 0 : index
    %get3A_6 = arith.constant 0 : index
    %get3A_7 = vector.load %arg3[%get3A_5, %get3A_6] : memref<256x1024xf32, #tpu.memory_space<vmem>>, vector<256x1024xf32>
    %add3A_8 = arith.addf %add3A, %get3A_7 : vector<256x1024xf32>
    %swap3A = arith.constant 0 : index
    %swap3A_9 = arith.constant 0 : index
    %swap3A_10 = vector.load %arg4[%swap3A, %swap3A_9] : memref<256x1024xf32, #tpu.memory_space<vmem>>, vector<256x1024xf32>
    tpu.vector_store %arg4[%swap3A, %swap3A_9], %add3A_8 {strides = array<i32>} : memref<256x1024xf32, #tpu.memory_space<vmem>>, vector<256x1024xf32>,
    return
  }
  func.func @transform_0(%arg0: i32) -> (i32, i32) {
    %c0_i32 = arith.constant 0 : i32
    %c0_i32_0 = arith.constant 0 : i32
    return %arg0, %c0_i32 : i32, i32
  }
  func.func @transform_1(%arg0: i32) -> (i32, i32) {
    %c0_i32 = arith.constant 0 : i32
    %c0_i32_0 = arith.constant 0 : i32
    return %arg0, %c0_i32 : i32, i32
  }
  func.func @transform_2(%arg0: i32) -> (i32, i32) {
    %c0_i32 = arith.constant 0 : i32
    %c0_i32_0 = arith.constant 0 : i32
    return %arg0, %c0_i32 : i32, i32
  }
  func.func @transform_3(%arg0: i32) -> (i32, i32) {
    %c0_i32 = arith.constant 0 : i32
    %c0_i32_0 = arith.constant 0 : i32
    return %arg0, %c0_i32 : i32, i32
  }
}

</mosaic_0001>

<sc_bundles>
// kernel: kernel.11.cloned.1.call-start
scs
__scs_entry_jumppad:
0x0: {  	(pc) =	sbr.rel $0x88, $3  }
0x1: {  	(tag) =	ssettag $0x0;
	lr =	simm.s32 $0x1  }
0x2: {  	[smem:$0x3F96] =	sst lr;
	_ =	strace $0xD0000000  }
0x3: {  	_ = 	snop  }
0x4: {  	_ = 	snop  }
0x5: {  	_ = 	snop  }
0x6: {  	_ = 	snop  }
0x7: {  	_ = 	snop  }
__scs_overlays_trampoline_lowered:
0x8: {  	[smem:$0x3FA5] =	sst s0  }
0x9: {  	[smem:$0x3FA6] =	sst s1  }
0xa: {  	[smem:$0x3FA7] =	sst s2  }
0xb: {  	[smem:$0x3FA8] =	sst s3  }
0xc: {  	[smem:$0x3FA9] =	sst s4  }
0xd: {  	[smem:$0x3FAA] =	sst s5  }
0xe: {  	[smem:$0x3FAB] =	sst s6  }
0xf: {  	[smem:$0x3FAC] =	sst s7  }
0x10: {  	[smem:$0x3FAD] =	sst s8  }
0x11: {  	[smem:$0x3FAE] =	sst s9;
	s0 =	simm.s32 @!p0 $0x0  }
0x12: {  	s1 =	sld [smem:$0x3F94];
	s0 =	simm.s32 @p0 $0x1  }
0x13: {  	[smem:$0x3FAF] =	sst s0;
	s0 =	simm.s32 @!p1 $0x0  }
0x14: {  	s2 =	sld [smem:$0x3F93];
	s0 =	simm.s32 @p1 $0x1  }
0x15: {  	[smem:$0x3FB0] =	sst s0;
	s0 =	simm.s32 @!p2 $0x0  }
0x16: {  	s3 =	sld [smem:$0x3FDB];
	s0 =	simm.s32 @p2 $0x1  }
0x17: {  	s4 =	simm.s32 $0x1BF5;
	[smem:$0x3FB2] =	sst s0  }
0x18: {  	s0 =	sld [smem:$0x3F95];
	_ =	swait.ge [sflag:s4], $0x0  }
0x19: {  	s7 =	sld [smem:$0x3F96]  }
0x1a: {  	s8 =	sadd.s32 $0xFFFFE003, lr  }
0x1b: {  	s9 =	sadd.s32 $0xFFFFFEF7, lr;
	s5 =	simm.s32 $0xFFFFFFFF;
	p2 =	slt.u32 s8, $0xFFFFF086  }
0x1c: {  	p1 =	slt.u32 s9, $0xF7A;
	s5 =	simm.s32 @!p2 $0x0  }
0x1d: {  	s5 =	simm.s32 @p1 $0x1;
	p0 =	seq.s32 s7, s2  }
0x1e: {  	s7 =	smul.u32 @!p0 $0xF7A, s2;
	p2 =	seq.s32 @!p0 s5, $0x0  }
0x1f: {  	s9 =	smul.u32 $0xF7A, s1;
	s8 =	simm.s32 @!p0 $0x1BF5;
	p2 =	por !p2, p0  }
0x20: {  	[sflag:s8] =	ssyncset.s32 @!p0 $0xFFFFF086;
	s6 =	sadd.s32 @!p0 s3, s7;
	s7 =	simm.s32 @!p0 $0x108  }
0x21: {  	s3 =	sadd.s32 s3, s9;
	s6 =	sadd.s32 @!p0 $0x88, s6;
	s7 =	simm.s32 @p2 $0x1082  }
0x22: {  	[simem:s7], [sflag:s8] =	dma.local @!p0 [hbm:s6], $0xF7A  }
0x23: {  	s9 =	sor.u32 $0xD0000000, s2;
	s6 =	simm.s32 $0x108;
	_ =	swait.ge @!p0 [sflag:s8], $0x0  }
0x24: {  	s3 =	sadd.s32 $0x88, s3;
	s6 =	simm.s32 @!p1 $0x1082;
	[sflag:s4] =	ssyncset.s32 $0xFFFFF086  }
0x25: {  	[simem:s6], [sflag:s4] =	dma.local [hbm:s3], $0xF7A  }
0x26: {  	[smem:$0x3F96] =	sst s1;
	(tag) =	ssettag s2;
	_ =	strace s9  }
0x27: {  	s1 =	sld [smem:$0x3FA6]  }
0x28: {  	s2 =	sld [smem:$0x3FA7]  }
0x29: {  	s4 =	sld [smem:$0x3FA9]  }
0x2a: {  	p0 =	seq.s32 s5, $0x0;
	s5 =	sld [smem:$0x3FAA]  }
0x2b: {  	s6 =	sld [smem:$0x3FAB]  }
0x2c: {  	s7 =	sld [smem:$0x3FAC]  }
0x2d: {  	s3 =	simm.s32 $0x108;
	s8 =	sld [smem:$0x3FAD]  }
0x2e: {  	s3 =	simm.s32 @!p0 $0x1082;
	s9 =	sld [smem:$0x3FAE]  }
0x2f: {  	lr =	sadd.s32 s0, s3;
	s0 =	sld [smem:$0x3FA5]  }
0x30: {  	s3 =	sld [smem:$0x3FA8]  }
0x31: {  	[smem:$0x3FB1] =	sst s10  }
0x32: {  	s10 =	sld [smem:$0x3FAF];
	_ =	sdelay $0x3  }
0x33: {  	p0 =	seq.s32 s10, $0x1;
	s10 =	sld [smem:$0x3FB1];
	_ =	sdelay $0x3  }
0x34: {  	[smem:$0x3FB1] =	sst s10  }
0x35: {  	s10 =	sld [smem:$0x3FB0];
	_ =	sdelay $0x3  }
0x36: {  	p1 =	seq.s32 s10, $0x1;
	s10 =	sld [smem:$0x3FB1];
	_ =	sdelay $0x3  }
0x37: {  	[smem:$0x3FB1] =	sst s10  }
0x38: {  	s10 =	sld [smem:$0x3FB2]  }
0x39: {  	_ = 	snop;
	(pc) =	sbr.ind lr, $3  }
0x3a: {  	_ = 	snop  }
0x3b: {  	_ = 	snop  }
0x3c: {  	p2 =	seq.s32 s10, $0x1;
	s10 =	sld [smem:$0x3FB1]  }
0x3d: {  	_ =	shalt  }
0x3e: {  	_ =	shalt  }
0x3f: {  	_ =	shalt  }
0x40: {  	_ =	shalt  }
0x41: {  	_ =	shalt  }
0x42: {  	_ =	shalt  }
0x43: {  	_ =	shalt  }
0x44: {  	_ =	shalt  }
0x45: {  	_ =	shalt  }
0x46: {  	_ =	shalt  }
0x47: {  	_ =	shalt  }
0x48: {  	_ =	shalt  }
0x49: {  	_ =	shalt  }
0x4a: {  	_ =	shalt  }
0x4b: {  	_ =	shalt  }
0x4c: {  	_ =	shalt  }
0x4d: {  	_ =	shalt  }
0x4e: {  	_ =	shalt  }
0x4f: {  	_ =	shalt  }
0x50: {  	_ =	shalt  }
0x51: {  	_ =	shalt  }
0x52: {  	_ =	shalt  }
0x53: {  	_ =	shalt  }
0x54: {  	_ =	shalt  }
0x55: {  	_ =	shalt  }
0x56: {  	_ =	shalt  }
0x57: {  	_ =	shalt  }
0x58: {  	_ =	shalt  }
0x59: {  	_ =	shalt  }
0x5a: {  	_ =	shalt  }
0x5b: {  	_ =	shalt  }
0x5c: {  	_ =	shalt  }
0x5d: {  	_ =	shalt  }
0x5e: {  	_ =	shalt  }
0x5f: {  	_ =	shalt  }
0x60: {  	_ =	shalt  }
0x61: {  	_ =	shalt  }
0x62: {  	_ =	shalt  }
0x63: {  	_ =	shalt  }
0x64: {  	_ =	shalt  }
0x65: {  	_ =	shalt  }
0x66: {  	_ =	shalt  }
0x67: {  	_ =	shalt  }
0x68: {  	_ =	shalt  }
0x69: {  	_ =	shalt  }
0x6a: {  	_ =	shalt  }
0x6b: {  	_ =	shalt  }
0x6c: {  	_ =	shalt  }
0x6d: {  	_ =	shalt  }
0x6e: {  	_ =	shalt  }
0x6f: {  	_ =	shalt  }
0x70: {  	_ =	shalt  }
0x71: {  	_ =	shalt  }
0x72: {  	_ =	shalt  }
0x73: {  	_ =	shalt  }
0x74: {  	_ =	shalt  }
0x75: {  	_ =	shalt  }
0x76: {  	_ =	shalt  }
0x77: {  	_ =	shalt  }
0x78: {  	_ =	shalt  }
0x79: {  	_ =	shalt  }
0x7a: {  	_ =	shalt  }
0x7b: {  	_ =	shalt  }
0x7c: {  	_ =	shalt  }
0x7d: {  	_ =	shalt  }
0x7e: {  	_ =	shalt  }
0x7f: {  	_ =	shalt  }
0x80: {  	_ =	shalt  }
0x81: {  	_ =	shalt  }
0x82: {  	_ =	shalt  }
0x83: {  	_ =	shalt  }
0x84: {  	_ =	shalt  }
0x85: {  	_ =	shalt  }
0x86: {  	_ =	shalt  }
0x87: {  	_ =	shalt  }
.Lfunc_end0:
.L_simem_size_0:
called_computation_lowered:
.L_overlay_start_0:
0x88: {  	s2 =	sld [smem:$0x3FD9]  }
0x89: {  	s3 =	sld [smem:$0x3FFE];
	_ =	sdelay $0x1  }
0x8a: {  	s1 =	srdreg.scid  }
0x8b: {  	s0 =	sand.u32 $0x1, s1  }
0x8c: {  	s16 =	sshll.u32 s0, $0xA;
	s2 =	sadd.s32 s3, s2  }
0x8d: {  	s2 =	sadd.s32 s2, s16  }
0x8e: {  	[smem:$0x3FBD] =	sst s2  }
0x8f: {  	_ = 	snop  }
0x90: {  	(tm) =	ssettm $0x1  }
0x91: {  	s17 =	sld [smem:$0x3FFB];
	_ =	sdelay $0x3  }
0x92: {  	_ =	strace s17  }
0x93: {  	s2 =	sld [smem:$0x3FFC];
	_ =	sdelay $0x3  }
0x94: {  	_ =	strace s2  }
0x95: {  	s2 =	sld [smem:$0x3FFD];
	_ =	sdelay $0x3  }
0x96: {  	_ =	strace s2  }
0x97: {  	_ =	strace $0x8FFFFFFF  }
0x98: {  	s18 =	sld [smem:$0x3FDB];
	_ =	sdelay $0x1  }
0x99: {  	s19 =	simm.s32 $_scs_section_size  }
0x9a: {  	s4 =	simm.s32 $_size__tile_overlayer_lowered;
	s5 =	simm.s32 $_tile_overlayer_lowered  }
0x9b: {  	s22 =	simm.s32 $0x1BFF;
	s21 =	sshll.u32 s5, $0x1;
	s2 =	sadd.s32 s19, s18  }
0x9c: {  	s6 =	simm.s32 $0x0;
	s20 =	sshll.u32 s4, $0x1;
	s4 =	sadd.s32 s21, s2  }
0x9d: {  	[timem:s6], [sflag:s22] =	dma.local [hbm:s4], s20  }
0x9e: {  	_ =	swait.ge [sflag:s22], s20  }
0x9f: {  	s3 =	ssub.s32 $0x0, s20;
	[sflag:s22] =	ssyncset.done $0x0  }
0xa0: {  	[sflag:s22] =	ssyncadd.s32 s3;
	_ =	sdelay $0x1  }
0xa1: {  	s23 =	simm.s32 $0x1B8B  }
0xa2: {  	_ =	swait.ge [sflag:s23], $0x1  }
0xa3: {  	[sflag:s23] =	ssyncset.done $0x0  }
0xa4: {  	s25 =	simm.s32 $0x1B8E;
	s24 =	sld [smem:$0x3FFE];
	[sflag:s23] =	ssyncadd.s32 $0xFFFFFFFF  }
0xa5: {  	s26 =	simm.s32 $execute0_lowered;
	[smem:$0x3FD2] =	sst s25  }
0xa6: {  	s4 =	sshll.u32 s26, $0x1;
	_ =	strace $0x80000046;
	[dreg:$0x1] =	wrdreg $0xFFFFFFFF  }
0xa7: {  	s28 =	simm.s32 $_size_execute0_lowered;
	s2 =	sadd.s32 s2, s4;
	[dreg:$0x0] =	wrdreg $0x0  }
0xa8: {  	s4 =	sshll.u32 s28, $0x1;
	[dreg:$0x2] =	wrdreg s2  }
0xa9: {  	[dreg:$0x3] =	wrdreg s4  }
0xaa: {  	[dreg:$0x4] =	wrdreg $0xC0  }
0xab: {  	_ =	task [dreg:s6], $0x5FFFF  }
0xac: {  	[dreg:$0x1] =	wrdreg $0xFFFFFFFF  }
0xad: {  	[dreg:$0x0] =	wrdreg $0x60  }
0xae: {  	[dreg:$0x2] =	wrdreg s24  }
0xaf: {  	[dreg:$0x3] =	wrdreg $0x9  }
0xb0: {  	_ =	task.clear_ibuf [dreg:s6], $0x4FFFF;
	_ =	strace $0x90000046  }
0xb1: {  	s29 =	simm.s32 $0x9;
	_ =	strace $0x80000048  }
0xb2: {  	_ =	swait.ge [sflag:s29], $0x1  }
0xb3: {  	[sflag:s29] =	ssyncadd.s32 $0xFFFFFFFF  }
0xb4: {  	_ =	strace $0x90000048  }
0xb5: {  	_ =	sfence  }
0xb6: {  	s30 =	sld [smem:$0x0];
	_ =	sdelay $0x2  }
0xb7: {  	s31 =	sshll.u32 s1, $0xD;
	s1 =	sshrl.u32 s1, $0x2  }
0xb8: {  	s3 =	sand.u32 $0x4000, s31;
	s1 =	sadd.s32 s1, s30  }
0xb9: {  	s0 =	sor.u32 s3, s0;
	s1 =	sshll.u32 s1, $0x11  }
0xba: {  	s0 =	sor.u32 s1, s0  }
0xbb: {  	s0 =	sadd.s32 $0x8F2B, s0  }
0xbc: {  	[sflag:s0] =	ssyncadd.remote.s32 $0x1  }
0xbd: {  	_ =	sfence.sel $0xFFFF  }
0xbe: {  	[dreg:$0x0] =	wrdreg $0xFFFFFFFF;
	(pc) =	sbr.abs _section_cstart, $3  }
0xbf: {  	[dreg:$0x1] =	wrdreg $0xFFFFFFFF  }
0xc0: {  	_ =	task.clear_ibuf [dreg:s6], $0x2FFFF;
	_ =	strace $0x9FFFFFFF  }
0xc1: {  	(tm) =	ssettm $0x7FFFFFFF  }
tec
execute0_lowered:
.L_overlay_start_1:
0x0: {  	(tag) =	ssettag $0x1  }
0x1: {  	s0 =	srdreg.scid  }
0x2: {  	s3 =	sand.u32 $0x1, s0;
	s0 =	stileid.u32  }
0x3: {  	s2 =	sor.u32 s0, s3  }
0x4: {  	p0 =	sne.s32 s2, $0x0  }
.Ltmp0:
0x5: {  	_ = 	snop;
	(pc) =	sbr.rel @p0 .LBB2_7-.Ltmp0, $3  }
0x6: {  	_ =	sdelay $0x1  }
0x7: {  	s4 =	rddreg [dreg:$0x0]  }
0x8: {  	s1 =	rddreg [dreg:$0x1];
	_ =	strace $0x80000047  }
0x9: {  	s2 =	sadd.s32 $0x1200, s4;
	s5 =	ssub.s32 $0x2, s3  }
0xa: {  	s3 =	sadd.s32 $0x1A00, s4;
	s4 =	sadd.s32 $0x2200, s4;
	s7 =	simm.s32 $0x1  }
0xb: {  	s8 =	simm.s32 $0x4000;
	s9 =	simm.s32 $0x8000;
	s6 =	sshrl.u32 s5, $0x1  }
0xc: {  	v0 =	vimm.f32 $0.0e+00;
	s10 =	simm.s32 $0x0;
	s5 =	ssub.s32 s5, s6;
	s6 =	simm.s32 $0x0  }
.LBB2_2:
0xd: {  	[tilespmem:s6], [sflag:$0x1] =	stream.linear.gather [hbm4b:s2+s6], $0x4000, $0x38;
	[tilespmem:$0x9800] =	vst v63  }
0xe: {  	_ =	swait.ge [sflag:s7], $0x4000  }
0xf: {  	[sflag:s7] =	ssyncset.done $0x0  }
0x10: {  	[sflag:s7] =	ssyncadd.s32 $0xFFFFC000  }
0x11: {  	[tilespmem:s8], [sflag:$0x1] =	stream.linear.gather [hbm4b:s3+s6], $0x4000, $0x38;
	[tilespmem:$0x9800] =	vst v63  }
0x12: {  	_ =	swait.ge [sflag:s7], $0x4000  }
0x13: {  	[sflag:s7] =	ssyncset.done $0x0  }
0x14: {  	s11 =	simm.s32 $0x0;
	[sflag:s7] =	ssyncadd.s32 $0xFFFFC000  }
.LBB2_3:
0x15: {  	p0 =	sne.s32 s11, $0x5FC0  }
.Ltmp1:
0x16: {  	_ = 	snop;
	(pc) =	sbr.rel @p0 .LBB2_3-.Ltmp1, $3  }
0x17: {  	_ =	sdelay $0x1  }
0x18: {  	s12 =	sshra.s32 s11, $0x2  }
0x19: {  	s11 =	sadd.s32 $0x40, s11;
	[tilespmem:s12+$0x8000] =	vst v0  }
0x1a: {  	s12 =	simm.s32 $0x0;
	s11 =	simm.s32 $0x40  }
.LBB2_5:
0x1b: {  	p0 =	sne.s32 s11, $0xFFC0;
	v1 =	vld [tilespmem:s12+$0x4000];
	_ =	sdelay $0x2  }
0x1c: {  	v2 =	vld [tilespmem:s12+$0x0];
	_ =	sdelay $0x1  }
0x1d: {  	vm0 =	vgt.f32 v1, $0.0e+00;
	_ =	sdelay $0x1  }
.Ltmp2:
0x1e: {  	(pc) =	sbr.rel @p0 .LBB2_5-.Ltmp2, $2  }
0x1f: {  	_ =	sdelay $0x2  }
0x20: {  	s12 =	sshra.s32 s11, $0x2;
	s11 =	sadd.s32 $0x40, s11;
	[tilespmem:v2+s9+$0x0] =	vst.idx.msk vm0, v1  }
0x21: {  	v1 =	vld [tilespmem:s12+$0x4000];
	_ =	sdelay $0x2  }
0x22: {  	v2 =	vld [tilespmem:s12+$0x0];
	_ =	sdelay $0x1  }
0x23: {  	vm0 =	vgt.f32 v1, $0.0e+00;
	_ =	sdelay $0x3  }
0x24: {  	s10 =	sadd.s32 $0x1, s10  }
0x25: {  	p0 =	sne.s32 s10, s5  }
.Ltmp3:
0x26: {  	[tilespmem:v2+s9+$0x0] =	vst.idx.msk vm0, v1;
	(pc) =	sbr.rel @p0 .LBB2_2-.Ltmp3, $4  }
0x27: {  	[hbm4b:s4+s6] =	stream.linear.scatter [tilespmem:s9], [sflag:$0x1], $0x1800, $0x38;
	[tilespmem:$0x9800] =	vst v63  }
0x28: {  	_ =	swait.ge [sflag:s7], $0x1800  }
0x29: {  	[sflag:s7] =	ssyncset.done $0x0  }
0x2a: {  	[sflag:s7] =	ssyncadd.s32 $0xFFFFE800  }
.LBB2_7:
0x2b: {  	_ =	sfence.sel $0x180000  }
0x2c: {  	[bflag:$0x0] =	sbarrier.arrive $0xFFFF  }
0x2d: {  	p0 =	sne.s32 s0, $0x0;
	_ =	strace $0x90000047  }
0x2e: {  	s0 =	sadd.s32 @!p0 $0x100000, s1;
	[bflag:$0x2] =	sbarrier.arrive $0xFFFF  }
0x2f: {  	[sflag:s0] =	ssyncadd.tile.s32 @!p0 $0x1;
	_ =	shalt  }
.Lfunc_end2:
_tile_overlayer_lowered:
.L_overlay_start_2:
0x30: {  	(tag) =	ssettag $0x2  }
0x31: {  	s0 =	rddreg [dreg:$0x0];
	s2 =	stileid.u32  }
0x32: {  	s1 =	rddreg [dreg:$0x1];
	p0 =	sne.s32 s2, $0x0  }
0x33: {  	s3 =	rddreg [dreg:$0x2];
	[bflag:$0x3] =	sbarrier.arrive $0xFFFF;
	s2 =	simm.s32 @!p0 $0x1C01  }
0x34: {  	[timem:s3], [sflag:s2] =	dma.local @!p0 [hbm:s0], s1  }
0x35: {  	s0 =	simm.s32 @!p0 $0x1  }
0x36: {  	_ =	swait.ge @!p0 [sflag:s0], s1  }
0x37: {  	s1 =	ssub.s32 @!p0 $0x0, s1;
	[sflag:s0] =	ssyncset.done @!p0 $0x0  }
0x38: {  	[sflag:s0] =	ssyncadd.s32 @!p0 s1  }
0x39: {  	[bflag:$0x3] =	sbarrier.arrive $0xFFFF  }
0x3a: {  	_ =	shalt  }

// kernel: kernel.14.cloned.1.call-start
scs
__scs_entry_jumppad:
0x0: {  	(pc) =	sbr.rel $0x88, $3  }
0x1: {  	(tag) =	ssettag $0x0;
	lr =	simm.s32 $0x1  }
0x2: {  	[smem:$0x3F96] =	sst lr;
	_ =	strace $0xD0000000  }
0x3: {  	_ = 	snop  }
0x4: {  	_ = 	snop  }
0x5: {  	_ = 	snop  }
0x6: {  	_ = 	snop  }
0x7: {  	_ = 	snop  }
__scs_overlays_trampoline_lowered:
0x8: {  	[smem:$0x3FA5] =	sst s0  }
0x9: {  	[smem:$0x3FA6] =	sst s1  }
0xa: {  	[smem:$0x3FA7] =	sst s2  }
0xb: {  	[smem:$0x3FA8] =	sst s3  }
0xc: {  	[smem:$0x3FA9] =	sst s4  }
0xd: {  	[smem:$0x3FAA] =	sst s5  }
0xe: {  	[smem:$0x3FAB] =	sst s6  }
0xf: {  	[smem:$0x3FAC] =	sst s7  }
0x10: {  	[smem:$0x3FAD] =	sst s8  }
0x11: {  	[smem:$0x3FAE] =	sst s9;
	s0 =	simm.s32 @!p0 $0x0  }
0x12: {  	s1 =	sld [smem:$0x3F94];
	s0 =	simm.s32 @p0 $0x1  }
0x13: {  	[smem:$0x3FAF] =	sst s0;
	s0 =	simm.s32 @!p1 $0x0  }
0x14: {  	s2 =	sld [smem:$0x3F93];
	s0 =	simm.s32 @p1 $0x1  }
0x15: {  	[smem:$0x3FB0] =	sst s0;
	s0 =	simm.s32 @!p2 $0x0  }
0x16: {  	s3 =	sld [smem:$0x3FDB];
	s0 =	simm.s32 @p2 $0x1  }
0x17: {  	s4 =	simm.s32 $0x1BF5;
	[smem:$0x3FB2] =	sst s0  }
0x18: {  	s0 =	sld [smem:$0x3F95];
	_ =	swait.ge [sflag:s4], $0x0  }
0x19: {  	s7 =	sld [smem:$0x3F96]  }
0x1a: {  	s8 =	sadd.s32 $0xFFFFE003, lr  }
0x1b: {  	s9 =	sadd.s32 $0xFFFFFEF7, lr;
	s5 =	simm.s32 $0xFFFFFFFF;
	p2 =	slt.u32 s8, $0xFFFFF086  }
0x1c: {  	p1 =	slt.u32 s9, $0xF7A;
	s5 =	simm.s32 @!p2 $0x0  }
0x1d: {  	s5 =	simm.s32 @p1 $0x1;
	p0 =	seq.s32 s7, s2  }
0x1e: {  	s7 =	smul.u32 @!p0 $0xF7A, s2;
	p2 =	seq.s32 @!p0 s5, $0x0  }
0x1f: {  	s9 =	smul.u32 $0xF7A, s1;
	s8 =	simm.s32 @!p0 $0x1BF5;
	p2 =	por !p2, p0  }
0x20: {  	[sflag:s8] =	ssyncset.s32 @!p0 $0xFFFFF086;
	s6 =	sadd.s32 @!p0 s3, s7;
	s7 =	simm.s32 @!p0 $0x108  }
0x21: {  	s3 =	sadd.s32 s3, s9;
	s6 =	sadd.s32 @!p0 $0x88, s6;
	s7 =	simm.s32 @p2 $0x1082  }
0x22: {  	[simem:s7], [sflag:s8] =	dma.local @!p0 [hbm:s6], $0xF7A  }
0x23: {  	s9 =	sor.u32 $0xD0000000, s2;
	s6 =	simm.s32 $0x108;
	_ =	swait.ge @!p0 [sflag:s8], $0x0  }
0x24: {  	s3 =	sadd.s32 $0x88, s3;
	s6 =	simm.s32 @!p1 $0x1082;
	[sflag:s4] =	ssyncset.s32 $0xFFFFF086  }
0x25: {  	[simem:s6], [sflag:s4] =	dma.local [hbm:s3], $0xF7A  }
0x26: {  	[smem:$0x3F96] =	sst s1;
	(tag) =	ssettag s2;
	_ =	strace s9  }
0x27: {  	s1 =	sld [smem:$0x3FA6]  }
0x28: {  	s2 =	sld [smem:$0x3FA7]  }
0x29: {  	s4 =	sld [smem:$0x3FA9]  }
0x2a: {  	p0 =	seq.s32 s5, $0x0;
	s5 =	sld [smem:$0x3FAA]  }
0x2b: {  	s6 =	sld [smem:$0x3FAB]  }
0x2c: {  	s7 =	sld [smem:$0x3FAC]  }
0x2d: {  	s3 =	simm.s32 $0x108;
	s8 =	sld [smem:$0x3FAD]  }
0x2e: {  	s3 =	simm.s32 @!p0 $0x1082;
	s9 =	sld [smem:$0x3FAE]  }
0x2f: {  	lr =	sadd.s32 s0, s3;
	s0 =	sld [smem:$0x3FA5]  }
0x30: {  	s3 =	sld [smem:$0x3FA8]  }
0x31: {  	[smem:$0x3FB1] =	sst s10  }
0x32: {  	s10 =	sld [smem:$0x3FAF];
	_ =	sdelay $0x3  }
0x33: {  	p0 =	seq.s32 s10, $0x1;
	s10 =	sld [smem:$0x3FB1];
	_ =	sdelay $0x3  }
0x34: {  	[smem:$0x3FB1] =	sst s10  }
0x35: {  	s10 =	sld [smem:$0x3FB0];
	_ =	sdelay $0x3  }
0x36: {  	p1 =	seq.s32 s10, $0x1;
	s10 =	sld [smem:$0x3FB1];
	_ =	sdelay $0x3  }
0x37: {  	[smem:$0x3FB1] =	sst s10  }
0x38: {  	s10 =	sld [smem:$0x3FB2]  }
0x39: {  	_ = 	snop;
	(pc) =	sbr.ind lr, $3  }
0x3a: {  	_ = 	snop  }
0x3b: {  	_ = 	snop  }
0x3c: {  	p2 =	seq.s32 s10, $0x1;
	s10 =	sld [smem:$0x3FB1]  }
0x3d: {  	_ =	shalt  }
0x3e: {  	_ =	shalt  }
0x3f: {  	_ =	shalt  }
0x40: {  	_ =	shalt  }
0x41: {  	_ =	shalt  }
0x42: {  	_ =	shalt  }
0x43: {  	_ =	shalt  }
0x44: {  	_ =	shalt  }
0x45: {  	_ =	shalt  }
0x46: {  	_ =	shalt  }
0x47: {  	_ =	shalt  }
0x48: {  	_ =	shalt  }
0x49: {  	_ =	shalt  }
0x4a: {  	_ =	shalt  }
0x4b: {  	_ =	shalt  }
0x4c: {  	_ =	shalt  }
0x4d: {  	_ =	shalt  }
0x4e: {  	_ =	shalt  }
0x4f: {  	_ =	shalt  }
0x50: {  	_ =	shalt  }
0x51: {  	_ =	shalt  }
0x52: {  	_ =	shalt  }
0x53: {  	_ =	shalt  }
0x54: {  	_ =	shalt  }
0x55: {  	_ =	shalt  }
0x56: {  	_ =	shalt  }
0x57: {  	_ =	shalt  }
0x58: {  	_ =	shalt  }
0x59: {  	_ =	shalt  }
0x5a: {  	_ =	shalt  }
0x5b: {  	_ =	shalt  }
0x5c: {  	_ =	shalt  }
0x5d: {  	_ =	shalt  }
0x5e: {  	_ =	shalt  }
0x5f: {  	_ =	shalt  }
0x60: {  	_ =	shalt  }
0x61: {  	_ =	shalt  }
0x62: {  	_ =	shalt  }
0x63: {  	_ =	shalt  }
0x64: {  	_ =	shalt  }
0x65: {  	_ =	shalt  }
0x66: {  	_ =	shalt  }
0x67: {  	_ =	shalt  }
0x68: {  	_ =	shalt  }
0x69: {  	_ =	shalt  }
0x6a: {  	_ =	shalt  }
0x6b: {  	_ =	shalt  }
0x6c: {  	_ =	shalt  }
0x6d: {  	_ =	shalt  }
0x6e: {  	_ =	shalt  }
0x6f: {  	_ =	shalt  }
0x70: {  	_ =	shalt  }
0x71: {  	_ =	shalt  }
0x72: {  	_ =	shalt  }
0x73: {  	_ =	shalt  }
0x74: {  	_ =	shalt  }
0x75: {  	_ =	shalt  }
0x76: {  	_ =	shalt  }
0x77: {  	_ =	shalt  }
0x78: {  	_ =	shalt  }
0x79: {  	_ =	shalt  }
0x7a: {  	_ =	shalt  }
0x7b: {  	_ =	shalt  }
0x7c: {  	_ =	shalt  }
0x7d: {  	_ =	shalt  }
0x7e: {  	_ =	shalt  }
0x7f: {  	_ =	shalt  }
0x80: {  	_ =	shalt  }
0x81: {  	_ =	shalt  }
0x82: {  	_ =	shalt  }
0x83: {  	_ =	shalt  }
0x84: {  	_ =	shalt  }
0x85: {  	_ =	shalt  }
0x86: {  	_ =	shalt  }
0x87: {  	_ =	shalt  }
.Lfunc_end0:
.L_simem_size_0:
called_computation.1_lowered:
.L_overlay_start_0:
0x88: {  	s2 =	sld [smem:$0x3FD9]  }
0x89: {  	s3 =	sld [smem:$0x3FFE];
	_ =	sdelay $0x1  }
0x8a: {  	s1 =	srdreg.scid  }
0x8b: {  	s0 =	sand.u32 $0x1, s1  }
0x8c: {  	s17 =	sshll.u32 s0, $0xA;
	s2 =	sadd.s32 s3, s2  }
0x8d: {  	s2 =	sadd.s32 s2, s17  }
0x8e: {  	[smem:$0x3FBD] =	sst s2  }
0x8f: {  	_ = 	snop  }
0x90: {  	s18 =	sld [smem:$0x3FD0];
	(tm) =	ssettm $0x1  }
0x91: {  	s19 =	sld [smem:$0x3FFB];
	_ =	sdelay $0x3  }
0x92: {  	_ =	strace s19  }
0x93: {  	s2 =	sld [smem:$0x3FFC];
	_ =	sdelay $0x3  }
0x94: {  	_ =	strace s2  }
0x95: {  	s2 =	sld [smem:$0x3FFD];
	_ =	sdelay $0x3  }
0x96: {  	_ =	strace s2  }
0x97: {  	_ =	strace $0x8FFFFFFF  }
0x98: {  	s20 =	sld [smem:$0x3FDB];
	_ =	sdelay $0x1  }
0x99: {  	s4 =	simm.s32 $_scs_section_size  }
0x9a: {  	s5 =	simm.s32 $_size__tile_overlayer_lowered;
	s6 =	simm.s32 $_tile_overlayer_lowered  }
0x9b: {  	s7 =	simm.s32 $0x1BFF;
	s21 =	sshll.u32 s6, $0x1;
	s4 =	sadd.s32 s4, s20  }
0x9c: {  	s22 =	simm.s32 $0x0;
	s5 =	sshll.u32 s5, $0x1;
	s6 =	sadd.s32 s21, s4  }
0x9d: {  	[timem:s22], [sflag:s7] =	dma.local [hbm:s6], s5  }
0x9e: {  	_ =	swait.ge [sflag:s7], s5  }
0x9f: {  	s5 =	ssub.s32 $0x0, s5;
	[sflag:s7] =	ssyncset.done $0x0  }
0xa0: {  	[sflag:s7] =	ssyncadd.s32 s5;
	_ =	sdelay $0x1  }
0xa1: {  	s23 =	simm.s32 $0x1B8B  }
0xa2: {  	_ =	swait.ge [sflag:s23], $0x1  }
0xa3: {  	[sflag:s23] =	ssyncset.done $0x0  }
0xa4: {  	[sflag:s23] =	ssyncadd.s32 $0xFFFFFFFF  }
0xa5: {  	s5 =	sld [smem:$0x0]  }
0xa6: {  	s6 =	sand.u32 $0xFFFFFFFE, s1  }
0xa7: {  	p0 =	sne.s32 s1, s6  }
0xa8: {  	s6 =	sshll.u32 @p0 s6, $0xE  }
0xa9: {  	s6 =	sadd.s32 @p0 $0x11B8D, s6;
	s7 =	sshll.u32 @p0 s5, $0x11  }
0xaa: {  	s6 =	sor.u32 @p0 s7, s6  }
0xab: {  	[sflag:s6] =	ssyncadd.remote.s32 @p0 $0x1;
	_ =	sdelay $0x1  }
0xac: {  	s6 =	simm.s32 @p0 $0x1B8D  }
0xad: {  	_ =	swait.eq @p0 [sflag:s6], $0x1  }
0xae: {  	[sflag:s6] =	ssyncadd.s32 @p0 $0xFFFFFFFF  }
0xaf: {  	s7 =	sshll.u32 @!p0 s1, $0xE  }
0xb0: {  	s7 =	sor.u32 @!p0 $0x4000, s7;
	s6 =	simm.s32 @!p0 $0x1B8D  }
0xb1: {  	s5 =	sshll.u32 @!p0 s5, $0x11;
	s7 =	sadd.s32 @!p0 $0x11B8D, s7;
	_ =	swait.eq @!p0 [sflag:s6], $0x1  }
0xb2: {  	s5 =	sor.u32 @!p0 s5, s7;
	[sflag:s6] =	ssyncadd.s32 @!p0 $0xFFFFFFFF  }
0xb3: {  	s25 =	simm.s32 $0x1B8E;
	s24 =	sld [smem:$0x3FFE];
	[sflag:s5] =	ssyncadd.remote.s32 @!p0 $0x1  }
0xb4: {  	s26 =	simm.s32 $execute0_lowered;
	[smem:$0x3FD2] =	sst s25  }
0xb5: {  	s6 =	sshll.u32 s26, $0x1;
	_ =	strace $0x80000049;
	[dreg:$0x1] =	wrdreg $0xFFFFFFFF  }
0xb6: {  	s28 =	simm.s32 $_size_execute0_lowered;
	s4 =	sadd.s32 s4, s6;
	[dreg:$0x0] =	wrdreg $0x0  }
0xb7: {  	s6 =	sshll.u32 s28, $0x1;
	[dreg:$0x2] =	wrdreg s4  }
0xb8: {  	[dreg:$0x3] =	wrdreg s6  }
0xb9: {  	[dreg:$0x4] =	wrdreg $0xC0  }
0xba: {  	_ =	task [dreg:s22], $0x5FFFF  }
0xbb: {  	[dreg:$0x1] =	wrdreg $0xFFFFFFFF  }
0xbc: {  	[dreg:$0x0] =	wrdreg $0x60  }
0xbd: {  	[dreg:$0x2] =	wrdreg s18  }
0xbe: {  	[dreg:$0x3] =	wrdreg s24  }
0xbf: {  	[dreg:$0x4] =	wrdreg $0xA  }
0xc0: {  	_ =	task.clear_ibuf [dreg:s22], $0x5FFFF;
	_ =	strace $0x90000049  }
0xc1: {  	s29 =	simm.s32 $0xA;
	_ =	strace $0x8000004B  }
0xc2: {  	_ =	swait.ge [sflag:s29], $0x1  }
0xc3: {  	[sflag:s29] =	ssyncadd.s32 $0xFFFFFFFF  }
0xc4: {  	_ =	strace $0x9000004B  }
0xc5: {  	_ =	sfence  }
0xc6: {  	s30 =	sld [smem:$0x0];
	_ =	sdelay $0x2  }
0xc7: {  	s31 =	sshll.u32 s1, $0xD;
	s1 =	sshrl.u32 s1, $0x2  }
0xc8: {  	s4 =	sand.u32 $0x4000, s31;
	s1 =	sadd.s32 s1, s30  }
0xc9: {  	s0 =	sor.u32 s4, s0;
	s1 =	sshll.u32 s1, $0x11  }
0xca: {  	s0 =	sor.u32 s1, s0  }
0xcb: {  	s0 =	sadd.s32 $0x8F2B, s0  }
0xcc: {  	[sflag:s0] =	ssyncadd.remote.s32 $0x1  }
0xcd: {  	_ =	sfence.sel $0xFFFF  }
0xce: {  	[dreg:$0x0] =	wrdreg $0xFFFFFFFF;
	(pc) =	sbr.abs _section_cstart, $3  }
0xcf: {  	[dreg:$0x1] =	wrdreg $0xFFFFFFFF  }
0xd0: {  	_ =	task.clear_ibuf [dreg:s22], $0x2FFFF;
	_ =	strace $0x9FFFFFFF  }
0xd1: {  	(tm) =	ssettm $0x7FFFFFFF  }
tec
execute0_lowered:
.L_overlay_start_1:
0x0: {  	(tag) =	ssettag $0x1  }
0x1: {  	s0 =	srdreg.scid  }
0x2: {  	s1 =	rddreg [dreg:$0x0];
	s2 =	stileid.u32  }
0x3: {  	s6 =	rddreg [dreg:$0x1];
	s26 =	simm.s32 $0x80;
	s9 =	simm.s32 $0x3  }
0x4: {  	s18 =	simm.s32 $0x100;
	s22 =	simm.s32 $0x1900;
	s28 =	simm.s32 $0x4100  }
0x5: {  	s29 =	simm.s32 $0x4900;
	s30 =	simm.s32 $0x5100;
	s31 =	simm.s32 $0x5900  }
0x6: {  	s10 =	simm.s32 $0x7100;
	s11 =	simm.s32 $0x7900;
	s12 =	simm.s32 $0x8100  }
0x7: {  	s13 =	simm.s32 $0x8900;
	s14 =	simm.s32 $0x9100;
	s15 =	simm.s32 $0x9900  }
0x8: {  	s16 =	simm.s32 $0xA100;
	s17 =	simm.s32 $0xA900;
	s8 =	simm.s32 $0xB100  }
0x9: {  	s0 =	sand.u32 $0x1, s0;
	s3 =	sshll.u32 s2, $0x7;
	s2 =	simm.s32 $0x0  }
0xa: {  	s19 =	simm.s32 $0xB900;
	s4 =	sshll.u32 s0, $0x6;
	[smem:$0x7FF] =	sst s2  }
0xb: {  	s0 =	ssub.s32 $0x2, s0;
	s3 =	sor.u32 s4, s3;
	_ =	strace $0x8000004A  }
0xc: {  	s23 =	sshrl.u32 s0, $0x1;
	[dreg:$0x6] =	wrdreg s26;
	s26 =	simm.s32 $0x3900  }
0xd: {  	s4 =	sshrl.u32 s3, $0x3;
	s5 =	sshll.u32 s3, $0x7;
	s3 =	sadd.s32 $0x2A00, s6  }
0xe: {  	s0 =	ssub.s32 s0, s23;
	s23 =	simm.s32 $0x2100;
	s4 =	sadd.s32 s4, s6  }
0xf: {  	s1 =	sadd.s32 s1, s5;
	s5 =	sadd.s32 $0x2C00, s6;
	s7 =	smax.u32 s0, $0x1  }
0x10: {  	v2 =	vlaneseq.u32;
	[dreg:$0x3] =	wrdreg s1;
	s24 =	sadd.s32 $0x2600, s4;
	s25 =	sadd.s32 $0x2800, s4  }
0x11: {  	vm0 =	vmmov $0xffff;
	v1 =	vshrl.u32 v2, $0x3;
	s4 =	sadd.s32 $0x2B00, s6;
	s6 =	sadd.s32 $0x2D00, s6;
	[dreg:$0x4] =	wrdreg s24  }
0x12: {  	v0 =	vand.u32 $0x7, v2;
	v2 =	vor.u32 $0x8, v2;
	v1 =	vmul.u32 $0x8, v1;
	[dreg:$0x5] =	wrdreg s25;
	s24 =	simm.s32 $0x2900;
	s25 =	simm.s32 $0x3100  }
.LBB2_1:
0x13: {  	s20 =	rddreg [dreg:$0x3]  }
0x14: {  	[tilespmem:s18], [sflag:$0x3] =	stream.linear.gather [hbm4b:s20+s2], $0x10000, $0x38;
	[tilespmem:$0x10100] =	vst v63  }
0x15: {  	_ =	swait.ge [sflag:s9], $0x10000  }
0x16: {  	[sflag:s9] =	ssyncset.done $0x0  }
0x17: {  	s0 =	rddreg [dreg:$0x4];
	[sflag:s9] =	ssyncadd.s32 $0xFFFF0000  }
0x18: {  	[tilespmem:s2], [sflag:$0x3] =	stream.linear.gather [hbm4b:s0+s2], $0x40, $0x38;
	[tilespmem:$0x10100] =	vst v63  }
0x19: {  	_ =	swait.ge [sflag:s9], $0x40  }
0x1a: {  	s1 =	rddreg [dreg:$0x5];
	[sflag:s9] =	ssyncset.done $0x0  }
0x1b: {  	s21 =	rddreg [dreg:$0x6];
	[sflag:s9] =	ssyncadd.s32 $0xFFFFFFC0  }
0x1c: {  	[tilespmem:s21], [sflag:$0x3] =	stream.linear.gather [hbm4b:s1+s2], $0x40, $0x38;
	[tilespmem:$0x10100] =	vst v63  }
0x1d: {  	_ =	swait.ge [sflag:s9], $0x40  }
0x1e: {  	[sflag:s9] =	ssyncset.done $0x0  }
0x1f: {  	[sflag:s9] =	ssyncadd.s32 $0xFFFFFFC0  }
0x20: {  	v3 =	vld [tilespmem:$0x0];
	_ =	sdelay $0x4  }
0x21: {  	v4 =	vshll.u32 v3, $0x3  }
0x22: {  	v3 =	vand.u32 $0x7, v3;
	v4 =	vand.u32 $0xFFFFFFC0, v4  }
0x23: {  	v3 =	vor.u32 v3, v4  }
0x24: {  	v4 =	vperm.xlane v3, v0;
	_ =	sdelay $0x1  }
0x25: {  	v4 =	vadd.s32 v1, v4;
	_ =	sdelay $0x4  }
0x26: {  	[hbm4b:s3+s2] =	stream.indirect_vreg.scatter [tilespmem:s18], [sflag:$0x1], $0x80, v4, vm0, $0xb8;
	[tilespmem:$0x10100] =	vst v63  }
0x27: {  	s20 =	simm.s32 $0x900;
	v3 =	vperm.xlane v3, v2  }
0x28: {  	[hbm4b:s4+s2] =	stream.indirect_vreg.scatter [tilespmem:s20], [sflag:$0x1], $0x80, v4, vm0, $0xb8;
	[tilespmem:$0x10100] =	vst v63  }
0x29: {  	s21 =	simm.s32 $0x1100;
	v3 =	vadd.s32 v1, v3  }
0x2a: {  	[hbm4b:s5+s2] =	stream.indirect_vreg.scatter [tilespmem:s21], [sflag:$0x1], $0x80, v4, vm0, $0xb8;
	[tilespmem:$0x10100] =	vst v63  }
0x2b: {  	_ = 	snop  }
0x2c: {  	[hbm4b:s6+s2] =	stream.indirect_vreg.scatter [tilespmem:s22], [sflag:$0x1], $0x80, v4, vm0, $0xb8;
	[tilespmem:$0x10100] =	vst v63  }
0x2d: {  	_ = 	snop  }
0x2e: {  	[hbm4b:s3+s2] =	stream.indirect_vreg.scatter [tilespmem:s23], [sflag:$0x1], $0x80, v3, vm0, $0xb8;
	[tilespmem:$0x10100] =	vst v63  }
0x2f: {  	_ = 	snop  }
0x30: {  	[hbm4b:s4+s2] =	stream.indirect_vreg.scatter [tilespmem:s24], [sflag:$0x1], $0x80, v3, vm0, $0xb8;
	[tilespmem:$0x10100] =	vst v63  }
0x31: {  	_ = 	snop  }
0x32: {  	[hbm4b:s5+s2] =	stream.indirect_vreg.scatter [tilespmem:s25], [sflag:$0x1], $0x80, v3, vm0, $0xb8;
	[tilespmem:$0x10100] =	vst v63  }
0x33: {  	_ = 	snop  }
0x34: {  	[hbm4b:s6+s2] =	stream.indirect_vreg.scatter [tilespmem:s26], [sflag:$0x1], $0x80, v3, vm0, $0xb8;
	[tilespmem:$0x10100] =	vst v63  }
0x35: {  	v3 =	vld [tilespmem:$0x10];
	_ =	sdelay $0x4  }
0x36: {  	v57 =	vshll.u32 v3, $0x3  }
0x37: {  	v3 =	vand.u32 $0x7, v3;
	v4 =	vand.u32 $0xFFFFFFC0, v57  }
0x38: {  	v3 =	vor.u32 v3, v4  }
0x39: {  	v4 =	vperm.xlane v3, v0;
	_ =	sdelay $0x1  }
0x3a: {  	v4 =	vadd.s32 v1, v4;
	_ =	sdelay $0x4  }
0x3b: {  	[hbm4b:s3+s2] =	stream.indirect_vreg.scatter [tilespmem:s28], [sflag:$0x1], $0x80, v4, vm0, $0xb8;
	[tilespmem:$0x10100] =	vst v63  }
0x3c: {  	v3 =	vperm.xlane v3, v2  }
0x3d: {  	[hbm4b:s4+s2] =	stream.indirect_vreg.scatter [tilespmem:s29], [sflag:$0x1], $0x80, v4, vm0, $0xb8;
	[tilespmem:$0x10100] =	vst v63  }
0x3e: {  	v3 =	vadd.s32 v1, v3  }
0x3f: {  	[hbm4b:s5+s2] =	stream.indirect_vreg.scatter [tilespmem:s30], [sflag:$0x1], $0x80, v4, vm0, $0xb8;
	[tilespmem:$0x10100] =	vst v63  }
0x40: {  	_ = 	snop  }
0x41: {  	[hbm4b:s6+s2] =	stream.indirect_vreg.scatter [tilespmem:s31], [sflag:$0x1], $0x80, v4, vm0, $0xb8;
	[tilespmem:$0x10100] =	vst v63  }
0x42: {  	s1 =	simm.s32 $0x6100  }
0x43: {  	[hbm4b:s3+s2] =	stream.indirect_vreg.scatter [tilespmem:s1], [sflag:$0x1], $0x80, v3, vm0, $0xb8;
	[tilespmem:$0x10100] =	vst v63  }
0x44: {  	s0 =	simm.s32 $0x6900  }
0x45: {  	[hbm4b:s4+s2] =	stream.indirect_vreg.scatter [tilespmem:s0], [sflag:$0x1], $0x80, v3, vm0, $0xb8;
	[tilespmem:$0x10100] =	vst v63  }
0x46: {  	_ = 	snop  }
0x47: {  	[hbm4b:s5+s2] =	stream.indirect_vreg.scatter [tilespmem:s10], [sflag:$0x1], $0x80, v3, vm0, $0xb8;
	[tilespmem:$0x10100] =	vst v63  }
0x48: {  	_ = 	snop  }
0x49: {  	[hbm4b:s6+s2] =	stream.indirect_vreg.scatter [tilespmem:s11], [sflag:$0x1], $0x80, v3, vm0, $0xb8;
	[tilespmem:$0x10100] =	vst v63  }
0x4a: {  	v3 =	vld [tilespmem:$0x20];
	_ =	sdelay $0x4  }
0x4b: {  	v58 =	vshll.u32 v3, $0x3  }
0x4c: {  	v3 =	vand.u32 $0x7, v3;
	v4 =	vand.u32 $0xFFFFFFC0, v58  }
0x4d: {  	v3 =	vor.u32 v3, v4  }
0x4e: {  	v4 =	vperm.xlane v3, v0;
	_ =	sdelay $0x1  }
0x4f: {  	v4 =	vadd.s32 v1, v4;
	_ =	sdelay $0x4  }
0x50: {  	[hbm4b:s3+s2] =	stream.indirect_vreg.scatter [tilespmem:s12], [sflag:$0x1], $0x80, v4, vm0, $0xb8;
	[tilespmem:$0x10100] =	vst v63  }
0x51: {  	v3 =	vperm.xlane v3, v2  }
0x52: {  	[hbm4b:s4+s2] =	stream.indirect_vreg.scatter [tilespmem:s13], [sflag:$0x1], $0x80, v4, vm0, $0xb8;
	[tilespmem:$0x10100] =	vst v63  }
0x53: {  	v3 =	vadd.s32 v1, v3  }
0x54: {  	[hbm4b:s5+s2] =	stream.indirect_vreg.scatter [tilespmem:s14], [sflag:$0x1], $0x80, v4, vm0, $0xb8;
	[tilespmem:$0x10100] =	vst v63  }
0x55: {  	_ = 	snop  }
0x56: {  	[hbm4b:s6+s2] =	stream.indirect_vreg.scatter [tilespmem:s15], [sflag:$0x1], $0x80, v4, vm0, $0xb8;
	[tilespmem:$0x10100] =	vst v63  }
0x57: {  	_ = 	snop  }
0x58: {  	[hbm4b:s3+s2] =	stream.indirect_vreg.scatter [tilespmem:s16], [sflag:$0x1], $0x80, v3, vm0, $0xb8;
	[tilespmem:$0x10100] =	vst v63  }
0x59: {  	_ = 	snop  }
0x5a: {  	[hbm4b:s4+s2] =	stream.indirect_vreg.scatter [tilespmem:s17], [sflag:$0x1], $0x80, v3, vm0, $0xb8;
	[tilespmem:$0x10100] =	vst v63  }
0x5b: {  	_ = 	snop  }
0x5c: {  	[hbm4b:s5+s2] =	stream.indirect_vreg.scatter [tilespmem:s8], [sflag:$0x1], $0x80, v3, vm0, $0xb8;
	[tilespmem:$0x10100] =	vst v63  }
0x5d: {  	_ = 	snop  }
0x5e: {  	[hbm4b:s6+s2] =	stream.indirect_vreg.scatter [tilespmem:s19], [sflag:$0x1], $0x80, v3, vm0, $0xb8;
	[tilespmem:$0x10100] =	vst v63  }
0x5f: {  	v3 =	vld [tilespmem:$0x30];
	_ =	sdelay $0x4  }
0x60: {  	v59 =	vshll.u32 v3, $0x3  }
0x61: {  	v3 =	vand.u32 $0x7, v3;
	v4 =	vand.u32 $0xFFFFFFC0, v59  }
0x62: {  	v3 =	vor.u32 v3, v4  }
0x63: {  	v4 =	vperm.xlane v3, v0;
	_ =	sdelay $0x1  }
0x64: {  	v4 =	vadd.s32 v1, v4;
	_ =	sdelay $0x3  }
0x65: {  	s0 =	simm.s32 $0xC100  }
0x66: {  	[hbm4b:s3+s2] =	stream.indirect_vreg.scatter [tilespmem:s0], [sflag:$0x1], $0x80, v4, vm0, $0xb8;
	[tilespmem:$0x10100] =	vst v63  }
0x67: {  	v3 =	vperm.xlane v3, v2;
	s0 =	simm.s32 $0xC900  }
0x68: {  	[hbm4b:s4+s2] =	stream.indirect_vreg.scatter [tilespmem:s0], [sflag:$0x1], $0x80, v4, vm0, $0xb8;
	[tilespmem:$0x10100] =	vst v63  }
0x69: {  	v3 =	vadd.s32 v1, v3;
	s0 =	simm.s32 $0xD100  }
0x6a: {  	[hbm4b:s5+s2] =	stream.indirect_vreg.scatter [tilespmem:s0], [sflag:$0x1], $0x80, v4, vm0, $0xb8;
	[tilespmem:$0x10100] =	vst v63  }
0x6b: {  	s0 =	simm.s32 $0xD900  }
0x6c: {  	[hbm4b:s6+s2] =	stream.indirect_vreg.scatter [tilespmem:s0], [sflag:$0x1], $0x80, v4, vm0, $0xb8;
	[tilespmem:$0x10100] =	vst v63  }
0x6d: {  	s0 =	simm.s32 $0xE100  }
0x6e: {  	[hbm4b:s3+s2] =	stream.indirect_vreg.scatter [tilespmem:s0], [sflag:$0x1], $0x80, v3, vm0, $0xb8;
	[tilespmem:$0x10100] =	vst v63  }
0x6f: {  	s0 =	simm.s32 $0xE900  }
0x70: {  	[hbm4b:s4+s2] =	stream.indirect_vreg.scatter [tilespmem:s0], [sflag:$0x1], $0x80, v3, vm0, $0xb8;
	[tilespmem:$0x10100] =	vst v63  }
0x71: {  	s0 =	simm.s32 $0xF100  }
0x72: {  	[hbm4b:s5+s2] =	stream.indirect_vreg.scatter [tilespmem:s0], [sflag:$0x1], $0x80, v3, vm0, $0xb8;
	[tilespmem:$0x10100] =	vst v63  }
0x73: {  	s0 =	simm.s32 $0xF900  }
0x74: {  	[hbm4b:s6+s2] =	stream.indirect_vreg.scatter [tilespmem:s0], [sflag:$0x1], $0x80, v3, vm0, $0xb8;
	[tilespmem:$0x10100] =	vst v63  }
0x75: {  	v3 =	vld [tilespmem:$0x80];
	_ =	sdelay $0x4  }
0x76: {  	v60 =	vshll.u32 v3, $0x3  }
0x77: {  	v3 =	vand.u32 $0x7, v3;
	v4 =	vand.u32 $0xFFFFFFC0, v60  }
0x78: {  	v3 =	vor.u32 v3, v4  }
0x79: {  	v4 =	vperm.xlane v3, v0;
	_ =	sdelay $0x1  }
0x7a: {  	v4 =	vadd.s32 v1, v4;
	_ =	sdelay $0x4  }
0x7b: {  	[hbm4b:s3+s2] =	stream.indirect_vreg.scatter [tilespmem:s18], [sflag:$0x2], $0x80, v4, vm0, $0xb8;
	[tilespmem:$0x10100] =	vst v63  }
0x7c: {  	v3 =	vperm.xlane v3, v2  }
0x7d: {  	[hbm4b:s4+s2] =	stream.indirect_vreg.scatter [tilespmem:s20], [sflag:$0x2], $0x80, v4, vm0, $0xb8;
	[tilespmem:$0x10100] =	vst v63  }
0x7e: {  	v3 =	vadd.s32 v1, v3  }
0x7f: {  	[hbm4b:s5+s2] =	stream.indirect_vreg.scatter [tilespmem:s21], [sflag:$0x2], $0x80, v4, vm0, $0xb8;
	[tilespmem:$0x10100] =	vst v63  }
0x80: {  	_ = 	snop  }
0x81: {  	[hbm4b:s6+s2] =	stream.indirect_vreg.scatter [tilespmem:s22], [sflag:$0x2], $0x80, v4, vm0, $0xb8;
	[tilespmem:$0x10100] =	vst v63  }
0x82: {  	_ = 	snop  }
0x83: {  	[hbm4b:s3+s2] =	stream.indirect_vreg.scatter [tilespmem:s23], [sflag:$0x2], $0x80, v3, vm0, $0xb8;
	[tilespmem:$0x10100] =	vst v63  }
0x84: {  	_ = 	snop  }
0x85: {  	[hbm4b:s4+s2] =	stream.indirect_vreg.scatter [tilespmem:s24], [sflag:$0x2], $0x80, v3, vm0, $0xb8;
	[tilespmem:$0x10100] =	vst v63  }
0x86: {  	_ = 	snop  }
0x87: {  	[hbm4b:s5+s2] =	stream.indirect_vreg.scatter [tilespmem:s25], [sflag:$0x2], $0x80, v3, vm0, $0xb8;
	[tilespmem:$0x10100] =	vst v63  }
0x88: {  	_ = 	snop  }
0x89: {  	[hbm4b:s6+s2] =	stream.indirect_vreg.scatter [tilespmem:s26], [sflag:$0x2], $0x80, v3, vm0, $0xb8;
	[tilespmem:$0x10100] =	vst v63  }
0x8a: {  	v3 =	vld [tilespmem:$0x90];
	_ =	sdelay $0x4  }
0x8b: {  	v61 =	vshll.u32 v3, $0x3  }
0x8c: {  	v3 =	vand.u32 $0x7, v3;
	v4 =	vand.u32 $0xFFFFFFC0, v61  }
0x8d: {  	v3 =	vor.u32 v3, v4  }
0x8e: {  	v4 =	vperm.xlane v3, v0;
	_ =	sdelay $0x1  }
0x8f: {  	v4 =	vadd.s32 v1, v4;
	_ =	sdelay $0x4  }
0x90: {  	[hbm4b:s3+s2] =	stream.indirect_vreg.scatter [tilespmem:s28], [sflag:$0x2], $0x80, v4, vm0, $0xb8;
	[tilespmem:$0x10100] =	vst v63  }
0x91: {  	v3 =	vperm.xlane v3, v2  }
0x92: {  	[hbm4b:s4+s2] =	stream.indirect_vreg.scatter [tilespmem:s29], [sflag:$0x2], $0x80, v4, vm0, $0xb8;
	[tilespmem:$0x10100] =	vst v63  }
0x93: {  	v3 =	vadd.s32 v1, v3  }
0x94: {  	[hbm4b:s5+s2] =	stream.indirect_vreg.scatter [tilespmem:s30], [sflag:$0x2], $0x80, v4, vm0, $0xb8;
	[tilespmem:$0x10100] =	vst v63  }
0x95: {  	_ = 	snop  }
0x96: {  	[hbm4b:s6+s2] =	stream.indirect_vreg.scatter [tilespmem:s31], [sflag:$0x2], $0x80, v4, vm0, $0xb8;
	[tilespmem:$0x10100] =	vst v63  }
0x97: {  	_ = 	snop  }
0x98: {  	[hbm4b:s3+s2] =	stream.indirect_vreg.scatter [tilespmem:s1], [sflag:$0x2], $0x80, v3, vm0, $0xb8;
	[tilespmem:$0x10100] =	vst v63  }
0x99: {  	s20 =	simm.s32 $0x6900  }
0x9a: {  	[hbm4b:s4+s2] =	stream.indirect_vreg.scatter [tilespmem:s20], [sflag:$0x2], $0x80, v3, vm0, $0xb8;
	[tilespmem:$0x10100] =	vst v63  }
0x9b: {  	_ = 	snop  }
0x9c: {  	[hbm4b:s5+s2] =	stream.indirect_vreg.scatter [tilespmem:s10], [sflag:$0x2], $0x80, v3, vm0, $0xb8;
	[tilespmem:$0x10100] =	vst v63  }
0x9d: {  	_ = 	snop  }
0x9e: {  	[hbm4b:s6+s2] =	stream.indirect_vreg.scatter [tilespmem:s11], [sflag:$0x2], $0x80, v3, vm0, $0xb8;
	[tilespmem:$0x10100] =	vst v63  }
0x9f: {  	v3 =	vld [tilespmem:$0xA0];
	_ =	sdelay $0x4  }
0xa0: {  	v62 =	vshll.u32 v3, $0x3  }
0xa1: {  	v3 =	vand.u32 $0x7, v3;
	v4 =	vand.u32 $0xFFFFFFC0, v62  }
0xa2: {  	v3 =	vor.u32 v3, v4  }
0xa3: {  	v4 =	vperm.xlane v3, v0;
	_ =	sdelay $0x1  }
0xa4: {  	v4 =	vadd.s32 v1, v4;
	_ =	sdelay $0x4  }
0xa5: {  	[hbm4b:s3+s2] =	stream.indirect_vreg.scatter [tilespmem:s12], [sflag:$0x2], $0x80, v4, vm0, $0xb8;
	[tilespmem:$0x10100] =	vst v63  }
0xa6: {  	v3 =	vperm.xlane v3, v2  }
0xa7: {  	[hbm4b:s4+s2] =	stream.indirect_vreg.scatter [tilespmem:s13], [sflag:$0x2], $0x80, v4, vm0, $0xb8;
	[tilespmem:$0x10100] =	vst v63  }
0xa8: {  	v3 =	vadd.s32 v1, v3  }
0xa9: {  	[hbm4b:s5+s2] =	stream.indirect_vreg.scatter [tilespmem:s14], [sflag:$0x2], $0x80, v4, vm0, $0xb8;
	[tilespmem:$0x10100] =	vst v63  }
0xaa: {  	_ = 	snop  }
0xab: {  	[hbm4b:s6+s2] =	stream.indirect_vreg.scatter [tilespmem:s15], [sflag:$0x2], $0x80, v4, vm0, $0xb8;
	[tilespmem:$0x10100] =	vst v63  }
0xac: {  	_ = 	snop  }
0xad: {  	[hbm4b:s3+s2] =	stream.indirect_vreg.scatter [tilespmem:s16], [sflag:$0x2], $0x80, v3, vm0, $0xb8;
	[tilespmem:$0x10100] =	vst v63  }
0xae: {  	_ = 	snop  }
0xaf: {  	[hbm4b:s4+s2] =	stream.indirect_vreg.scatter [tilespmem:s17], [sflag:$0x2], $0x80, v3, vm0, $0xb8;
	[tilespmem:$0x10100] =	vst v63  }
0xb0: {  	_ = 	snop  }
0xb1: {  	[hbm4b:s5+s2] =	stream.indirect_vreg.scatter [tilespmem:s8], [sflag:$0x2], $0x80, v3, vm0, $0xb8;
	[tilespmem:$0x10100] =	vst v63  }
0xb2: {  	_ = 	snop  }
0xb3: {  	[hbm4b:s6+s2] =	stream.indirect_vreg.scatter [tilespmem:s19], [sflag:$0x2], $0x80, v3, vm0, $0xb8;
	[tilespmem:$0x10100] =	vst v63  }
0xb4: {  	v3 =	vld [tilespmem:$0xB0];
	_ =	sdelay $0x4  }
0xb5: {  	v63 =	vshll.u32 v3, $0x3  }
0xb6: {  	v3 =	vand.u32 $0x7, v3;
	v4 =	vand.u32 $0xFFFFFFC0, v63  }
0xb7: {  	v3 =	vor.u32 v3, v4  }
0xb8: {  	v4 =	vperm.xlane v3, v0;
	_ =	sdelay $0x1  }
0xb9: {  	v4 =	vadd.s32 v1, v4;
	_ =	sdelay $0x3  }
0xba: {  	s21 =	simm.s32 $0xC100  }
0xbb: {  	[hbm4b:s3+s2] =	stream.indirect_vreg.scatter [tilespmem:s21], [sflag:$0x2], $0x80, v4, vm0, $0xb8;
	[tilespmem:$0x10100] =	vst v63  }
0xbc: {  	s20 =	simm.s32 $0xC900;
	v3 =	vperm.xlane v3, v2  }
0xbd: {  	[hbm4b:s4+s2] =	stream.indirect_vreg.scatter [tilespmem:s20], [sflag:$0x2], $0x80, v4, vm0, $0xb8;
	[tilespmem:$0x10100] =	vst v63  }
0xbe: {  	v3 =	vadd.s32 v1, v3;
	s21 =	simm.s32 $0xD100  }
0xbf: {  	[hbm4b:s5+s2] =	stream.indirect_vreg.scatter [tilespmem:s21], [sflag:$0x2], $0x80, v4, vm0, $0xb8;
	[tilespmem:$0x10100] =	vst v63  }
0xc0: {  	s20 =	simm.s32 $0xD900  }
0xc1: {  	[hbm4b:s6+s2] =	stream.indirect_vreg.scatter [tilespmem:s20], [sflag:$0x2], $0x80, v4, vm0, $0xb8;
	[tilespmem:$0x10100] =	vst v63  }
0xc2: {  	s21 =	simm.s32 $0xE100  }
0xc3: {  	[hbm4b:s3+s2] =	stream.indirect_vreg.scatter [tilespmem:s21], [sflag:$0x2], $0x80, v3, vm0, $0xb8;
	[tilespmem:$0x10100] =	vst v63  }
0xc4: {  	s20 =	simm.s32 $0xE900  }
0xc5: {  	[hbm4b:s4+s2] =	stream.indirect_vreg.scatter [tilespmem:s20], [sflag:$0x2], $0x80, v3, vm0, $0xb8;
	[tilespmem:$0x10100] =	vst v63  }
0xc6: {  	s21 =	simm.s32 $0xF100  }
0xc7: {  	[hbm4b:s5+s2] =	stream.indirect_vreg.scatter [tilespmem:s21], [sflag:$0x2], $0x80, v3, vm0, $0xb8;
	[tilespmem:$0x10100] =	vst v63  }
0xc8: {  	s20 =	simm.s32 $0x1  }
0xc9: {  	[hbm4b:s6+s2] =	stream.indirect_vreg.scatter [tilespmem:s0], [sflag:$0x2], $0x80, v3, vm0, $0xb8;
	[tilespmem:$0x10100] =	vst v63  }
0xca: {  	p0 =	sne.s32 s7, $0x1;
	_ =	swait.ge [sflag:s20], $0x10000  }
.Ltmp0:
0xcb: {  	[sflag:s20] =	ssyncset.done $0x0;
	(pc) =	sbr.rel @p0 .LBB2_1-.Ltmp0, $4  }
0xcc: {  	s21 =	simm.s32 $0x2;
	[sflag:s20] =	ssyncadd.s32 $0xFFFF0000  }
0xcd: {  	_ =	swait.ge [sflag:s21], $0x10000  }
0xce: {  	[sflag:s21] =	ssyncset.done $0x0  }
0xcf: {  	s7 =	sadd.s32 $0xFFFFFFFF, s7;
	[sflag:s21] =	ssyncadd.s32 $0xFFFF0000  }
0xd0: {  	_ =	sfence.sel $0x180000  }
0xd1: {  	[bflag:$0x0] =	sbarrier.arrive $0xFFFF  }
0xd2: {  	_ =	strace $0x9000004A  }
0xd3: {  	s0 =	stileid.u32;
	[bflag:$0x2] =	sbarrier.arrive $0xFFFF  }
0xd4: {  	p0 =	sne.s32 s0, $0x0;
	s0 =	rddreg [dreg:$0x2]  }
0xd5: {  	s0 =	sadd.s32 @!p0 $0x100000, s0  }
0xd6: {  	[sflag:s0] =	ssyncadd.tile.s32 @!p0 $0x1;
	_ =	shalt  }
.Lfunc_end2:
_tile_overlayer_lowered:
.L_overlay_start_2:
0xd7: {  	(tag) =	ssettag $0x2  }
0xd8: {  	s0 =	rddreg [dreg:$0x0];
	s2 =	stileid.u32  }
0xd9: {  	s1 =	rddreg [dreg:$0x1];
	p0 =	sne.s32 s2, $0x0  }
0xda: {  	s3 =	rddreg [dreg:$0x2];
	[bflag:$0x3] =	sbarrier.arrive $0xFFFF;
	s2 =	simm.s32 @!p0 $0x1C03  }
0xdb: {  	[timem:s3], [sflag:s2] =	dma.local @!p0 [hbm:s0], s1  }
0xdc: {  	s0 =	simm.s32 @!p0 $0x3  }
0xdd: {  	_ =	swait.ge @!p0 [sflag:s0], s1  }
0xde: {  	s1 =	ssub.s32 @!p0 $0x0, s1;
	[sflag:s0] =	ssyncset.done @!p0 $0x0  }
0xdf: {  	[sflag:s0] =	ssyncadd.s32 @!p0 s1  }
0xe0: {  	[bflag:$0x3] =	sbarrier.arrive $0xFFFF  }
0xe1: {  	_ =	shalt  }

// kernel: kernel.17.cloned.1.call-start
scs
__scs_entry_jumppad:
0x0: {  	(pc) =	sbr.rel $0x88, $3  }
0x1: {  	(tag) =	ssettag $0x0;
	lr =	simm.s32 $0x1  }
0x2: {  	[smem:$0x3F96] =	sst lr;
	_ =	strace $0xD0000000  }
0x3: {  	_ = 	snop  }
0x4: {  	_ = 	snop  }
0x5: {  	_ = 	snop  }
0x6: {  	_ = 	snop  }
0x7: {  	_ = 	snop  }
__scs_overlays_trampoline_lowered:
0x8: {  	[smem:$0x3FA5] =	sst s0  }
0x9: {  	[smem:$0x3FA6] =	sst s1  }
0xa: {  	[smem:$0x3FA7] =	sst s2  }
0xb: {  	[smem:$0x3FA8] =	sst s3  }
0xc: {  	[smem:$0x3FA9] =	sst s4  }
0xd: {  	[smem:$0x3FAA] =	sst s5  }
0xe: {  	[smem:$0x3FAB] =	sst s6  }
0xf: {  	[smem:$0x3FAC] =	sst s7  }
0x10: {  	[smem:$0x3FAD] =	sst s8  }
0x11: {  	[smem:$0x3FAE] =	sst s9;
	s0 =	simm.s32 @!p0 $0x0  }
0x12: {  	s1 =	sld [smem:$0x3F94];
	s0 =	simm.s32 @p0 $0x1  }
0x13: {  	[smem:$0x3FAF] =	sst s0;
	s0 =	simm.s32 @!p1 $0x0  }
0x14: {  	s2 =	sld [smem:$0x3F93];
	s0 =	simm.s32 @p1 $0x1  }
0x15: {  	[smem:$0x3FB0] =	sst s0;
	s0 =	simm.s32 @!p2 $0x0  }
0x16: {  	s3 =	sld [smem:$0x3FDB];
	s0 =	simm.s32 @p2 $0x1  }
0x17: {  	s4 =	simm.s32 $0x1BF5;
	[smem:$0x3FB2] =	sst s0  }
0x18: {  	s0 =	sld [smem:$0x3F95];
	_ =	swait.ge [sflag:s4], $0x0  }
0x19: {  	s7 =	sld [smem:$0x3F96]  }
0x1a: {  	s8 =	sadd.s32 $0xFFFFE003, lr  }
0x1b: {  	s9 =	sadd.s32 $0xFFFFFEF7, lr;
	s5 =	simm.s32 $0xFFFFFFFF;
	p2 =	slt.u32 s8, $0xFFFFF086  }
0x1c: {  	p1 =	slt.u32 s9, $0xF7A;
	s5 =	simm.s32 @!p2 $0x0  }
0x1d: {  	s5 =	simm.s32 @p1 $0x1;
	p0 =	seq.s32 s7, s2  }
0x1e: {  	s7 =	smul.u32 @!p0 $0xF7A, s2;
	p2 =	seq.s32 @!p0 s5, $0x0  }
0x1f: {  	s9 =	smul.u32 $0xF7A, s1;
	s8 =	simm.s32 @!p0 $0x1BF5;
	p2 =	por !p2, p0  }
0x20: {  	[sflag:s8] =	ssyncset.s32 @!p0 $0xFFFFF086;
	s6 =	sadd.s32 @!p0 s3, s7;
	s7 =	simm.s32 @!p0 $0x108  }
0x21: {  	s3 =	sadd.s32 s3, s9;
	s6 =	sadd.s32 @!p0 $0x88, s6;
	s7 =	simm.s32 @p2 $0x1082  }
0x22: {  	[simem:s7], [sflag:s8] =	dma.local @!p0 [hbm:s6], $0xF7A  }
0x23: {  	s9 =	sor.u32 $0xD0000000, s2;
	s6 =	simm.s32 $0x108;
	_ =	swait.ge @!p0 [sflag:s8], $0x0  }
0x24: {  	s3 =	sadd.s32 $0x88, s3;
	s6 =	simm.s32 @!p1 $0x1082;
	[sflag:s4] =	ssyncset.s32 $0xFFFFF086  }
0x25: {  	[simem:s6], [sflag:s4] =	dma.local [hbm:s3], $0xF7A  }
0x26: {  	[smem:$0x3F96] =	sst s1;
	(tag) =	ssettag s2;
	_ =	strace s9  }
0x27: {  	s1 =	sld [smem:$0x3FA6]  }
0x28: {  	s2 =	sld [smem:$0x3FA7]  }
0x29: {  	s4 =	sld [smem:$0x3FA9]  }
0x2a: {  	p0 =	seq.s32 s5, $0x0;
	s5 =	sld [smem:$0x3FAA]  }
0x2b: {  	s6 =	sld [smem:$0x3FAB]  }
0x2c: {  	s7 =	sld [smem:$0x3FAC]  }
0x2d: {  	s3 =	simm.s32 $0x108;
	s8 =	sld [smem:$0x3FAD]  }
0x2e: {  	s3 =	simm.s32 @!p0 $0x1082;
	s9 =	sld [smem:$0x3FAE]  }
0x2f: {  	lr =	sadd.s32 s0, s3;
	s0 =	sld [smem:$0x3FA5]  }
0x30: {  	s3 =	sld [smem:$0x3FA8]  }
0x31: {  	[smem:$0x3FB1] =	sst s10  }
0x32: {  	s10 =	sld [smem:$0x3FAF];
	_ =	sdelay $0x3  }
0x33: {  	p0 =	seq.s32 s10, $0x1;
	s10 =	sld [smem:$0x3FB1];
	_ =	sdelay $0x3  }
0x34: {  	[smem:$0x3FB1] =	sst s10  }
0x35: {  	s10 =	sld [smem:$0x3FB0];
	_ =	sdelay $0x3  }
0x36: {  	p1 =	seq.s32 s10, $0x1;
	s10 =	sld [smem:$0x3FB1];
	_ =	sdelay $0x3  }
0x37: {  	[smem:$0x3FB1] =	sst s10  }
0x38: {  	s10 =	sld [smem:$0x3FB2]  }
0x39: {  	_ = 	snop;
	(pc) =	sbr.ind lr, $3  }
0x3a: {  	_ = 	snop  }
0x3b: {  	_ = 	snop  }
0x3c: {  	p2 =	seq.s32 s10, $0x1;
	s10 =	sld [smem:$0x3FB1]  }
0x3d: {  	_ =	shalt  }
0x3e: {  	_ =	shalt  }
0x3f: {  	_ =	shalt  }
0x40: {  	_ =	shalt  }
0x41: {  	_ =	shalt  }
0x42: {  	_ =	shalt  }
0x43: {  	_ =	shalt  }
0x44: {  	_ =	shalt  }
0x45: {  	_ =	shalt  }
0x46: {  	_ =	shalt  }
0x47: {  	_ =	shalt  }
0x48: {  	_ =	shalt  }
0x49: {  	_ =	shalt  }
0x4a: {  	_ =	shalt  }
0x4b: {  	_ =	shalt  }
0x4c: {  	_ =	shalt  }
0x4d: {  	_ =	shalt  }
0x4e: {  	_ =	shalt  }
0x4f: {  	_ =	shalt  }
0x50: {  	_ =	shalt  }
0x51: {  	_ =	shalt  }
0x52: {  	_ =	shalt  }
0x53: {  	_ =	shalt  }
0x54: {  	_ =	shalt  }
0x55: {  	_ =	shalt  }
0x56: {  	_ =	shalt  }
0x57: {  	_ =	shalt  }
0x58: {  	_ =	shalt  }
0x59: {  	_ =	shalt  }
0x5a: {  	_ =	shalt  }
0x5b: {  	_ =	shalt  }
0x5c: {  	_ =	shalt  }
0x5d: {  	_ =	shalt  }
0x5e: {  	_ =	shalt  }
0x5f: {  	_ =	shalt  }
0x60: {  	_ =	shalt  }
0x61: {  	_ =	shalt  }
0x62: {  	_ =	shalt  }
0x63: {  	_ =	shalt  }
0x64: {  	_ =	shalt  }
0x65: {  	_ =	shalt  }
0x66: {  	_ =	shalt  }
0x67: {  	_ =	shalt  }
0x68: {  	_ =	shalt  }
0x69: {  	_ =	shalt  }
0x6a: {  	_ =	shalt  }
0x6b: {  	_ =	shalt  }
0x6c: {  	_ =	shalt  }
0x6d: {  	_ =	shalt  }
0x6e: {  	_ =	shalt  }
0x6f: {  	_ =	shalt  }
0x70: {  	_ =	shalt  }
0x71: {  	_ =	shalt  }
0x72: {  	_ =	shalt  }
0x73: {  	_ =	shalt  }
0x74: {  	_ =	shalt  }
0x75: {  	_ =	shalt  }
0x76: {  	_ =	shalt  }
0x77: {  	_ =	shalt  }
0x78: {  	_ =	shalt  }
0x79: {  	_ =	shalt  }
0x7a: {  	_ =	shalt  }
0x7b: {  	_ =	shalt  }
0x7c: {  	_ =	shalt  }
0x7d: {  	_ =	shalt  }
0x7e: {  	_ =	shalt  }
0x7f: {  	_ =	shalt  }
0x80: {  	_ =	shalt  }
0x81: {  	_ =	shalt  }
0x82: {  	_ =	shalt  }
0x83: {  	_ =	shalt  }
0x84: {  	_ =	shalt  }
0x85: {  	_ =	shalt  }
0x86: {  	_ =	shalt  }
0x87: {  	_ =	shalt  }
.Lfunc_end0:
.L_simem_size_0:
called_computation.2_lowered:
.L_overlay_start_0:
0x88: {  	s2 =	sld [smem:$0x3FD9]  }
0x89: {  	s3 =	sld [smem:$0x3FFE];
	_ =	sdelay $0x1  }
0x8a: {  	s1 =	srdreg.scid  }
0x8b: {  	s0 =	sand.u32 $0x1, s1  }
0x8c: {  	s17 =	sshll.u32 s0, $0xA;
	s2 =	sadd.s32 s3, s2  }
0x8d: {  	s2 =	sadd.s32 s2, s17  }
0x8e: {  	[smem:$0x3FBD] =	sst s2  }
0x8f: {  	_ = 	snop  }
0x90: {  	s2 =	sld [smem:$0x3FD0];
	(tm) =	ssettm $0x1  }
0x91: {  	s18 =	sld [smem:$0x3FFB];
	_ =	sdelay $0x3  }
0x92: {  	_ =	strace s18  }
0x93: {  	s3 =	sld [smem:$0x3FFC];
	_ =	sdelay $0x3  }
0x94: {  	_ =	strace s3  }
0x95: {  	s3 =	sld [smem:$0x3FFD];
	_ =	sdelay $0x3  }
0x96: {  	_ =	strace s3  }
0x97: {  	_ =	strace $0x8FFFFFFF  }
0x98: {  	s19 =	sld [smem:$0x3FDB];
	_ =	sdelay $0x1  }
0x99: {  	s4 =	simm.s32 $_scs_section_size  }
0x9a: {  	s5 =	simm.s32 $_size__tile_overlayer_lowered;
	s6 =	simm.s32 $_tile_overlayer_lowered  }
0x9b: {  	s22 =	simm.s32 $0x1BFF;
	s21 =	sshll.u32 s6, $0x1;
	s3 =	sadd.s32 s4, s19  }
0x9c: {  	s7 =	simm.s32 $0x0;
	s20 =	sshll.u32 s5, $0x1;
	s5 =	sadd.s32 s21, s3  }
0x9d: {  	[timem:s7], [sflag:s22] =	dma.local [hbm:s5], s20  }
0x9e: {  	_ =	swait.ge [sflag:s22], s20  }
0x9f: {  	s4 =	ssub.s32 $0x0, s20;
	[sflag:s22] =	ssyncset.done $0x0  }
0xa0: {  	[sflag:s22] =	ssyncadd.s32 s4;
	_ =	sdelay $0x1  }
0xa1: {  	s23 =	simm.s32 $0x1B8B  }
0xa2: {  	_ =	swait.ge [sflag:s23], $0x1  }
0xa3: {  	[sflag:s23] =	ssyncset.done $0x0  }
0xa4: {  	s25 =	simm.s32 $0x1B8E;
	s24 =	sld [smem:$0x3FFE];
	[sflag:s23] =	ssyncadd.s32 $0xFFFFFFFF  }
0xa5: {  	s26 =	simm.s32 $execute0_lowered;
	[smem:$0x3FD2] =	sst s25  }
0xa6: {  	s5 =	sshll.u32 s26, $0x1;
	_ =	strace $0x8000004C;
	[dreg:$0x1] =	wrdreg $0xFFFFFFFF  }
0xa7: {  	s28 =	simm.s32 $_size_execute0_lowered;
	s3 =	sadd.s32 s3, s5;
	[dreg:$0x0] =	wrdreg $0x0  }
0xa8: {  	s5 =	sshll.u32 s28, $0x1;
	[dreg:$0x2] =	wrdreg s3  }
0xa9: {  	[dreg:$0x3] =	wrdreg s5  }
0xaa: {  	[dreg:$0x4] =	wrdreg $0xC0  }
0xab: {  	_ =	task [dreg:s7], $0x5FFFF  }
0xac: {  	[dreg:$0x1] =	wrdreg $0xFFFFFFFF  }
0xad: {  	[dreg:$0x0] =	wrdreg $0x60  }
0xae: {  	[dreg:$0x2] =	wrdreg s24  }
0xaf: {  	[dreg:$0x3] =	wrdreg s2  }
0xb0: {  	[dreg:$0x4] =	wrdreg $0x9  }
0xb1: {  	_ =	task.clear_ibuf [dreg:s7], $0x5FFFF;
	_ =	strace $0x9000004C  }
0xb2: {  	s29 =	simm.s32 $0x9;
	_ =	strace $0x8000004E  }
0xb3: {  	_ =	swait.ge [sflag:s29], $0x1  }
0xb4: {  	[sflag:s29] =	ssyncadd.s32 $0xFFFFFFFF  }
0xb5: {  	_ =	strace $0x9000004E  }
0xb6: {  	_ =	sfence  }
0xb7: {  	s30 =	sld [smem:$0x0];
	_ =	sdelay $0x2  }
0xb8: {  	s31 =	sshll.u32 s1, $0xD;
	s1 =	sshrl.u32 s1, $0x2  }
0xb9: {  	s3 =	sand.u32 $0x4000, s31;
	s1 =	sadd.s32 s1, s30  }
0xba: {  	s0 =	sor.u32 s3, s0;
	s1 =	sshll.u32 s1, $0x11  }
0xbb: {  	s0 =	sor.u32 s1, s0  }
0xbc: {  	s0 =	sadd.s32 $0x8F2B, s0  }
0xbd: {  	[sflag:s0] =	ssyncadd.remote.s32 $0x1  }
0xbe: {  	_ =	sfence.sel $0xFFFF  }
0xbf: {  	[dreg:$0x0] =	wrdreg $0xFFFFFFFF;
	(pc) =	sbr.abs _section_cstart, $3  }
0xc0: {  	[dreg:$0x1] =	wrdreg $0xFFFFFFFF  }
0xc1: {  	_ =	task.clear_ibuf [dreg:s7], $0x2FFFF;
	_ =	strace $0x9FFFFFFF  }
0xc2: {  	(tm) =	ssettm $0x7FFFFFFF  }
0xc3: {  	_ =	shalt  }
tec
execute0_lowered:
.L_overlay_start_1:
0x0: {  	(tag) =	ssettag $0x1  }
0x1: {  	s0 =	rddreg [dreg:$0x0]  }
0x2: {  	s1 =	rddreg [dreg:$0x1];
	s3 =	srdreg.scid  }
0x3: {  	s2 =	simm.s32 $0x0;
	s5 =	stileid.u32;
	s28 =	simm.s32 $0x1900  }
0x4: {  	s29 =	simm.s32 $0x2100;
	s30 =	simm.s32 $0x2900;
	s31 =	simm.s32 $0x3100  }
0x5: {  	s12 =	simm.s32 $0x5900;
	s13 =	simm.s32 $0x6100;
	s14 =	simm.s32 $0x6900  }
0x6: {  	s15 =	simm.s32 $0x7100;
	s16 =	simm.s32 $0x7900;
	s17 =	simm.s32 $0x80  }
0x7: {  	s4 =	sand.u32 $0x1, s3;
	[smem:$0x7FF] =	sst s2;
	s18 =	sshll.u32 s5, $0x7  }
0x8: {  	s6 =	sadd.s32 $0x2600, s0;
	s7 =	sadd.s32 $0x2800, s0;
	s3 =	sadd.s32 $0x182A00, s0  }
0x9: {  	s9 =	sadd.s32 $0x2A00, s0;
	s19 =	sshll.u32 s4, $0x6;
	s4 =	ssub.s32 $0x2, s4  }
0xa: {  	_ =	strace $0x8000004D;
	s5 =	sor.u32 s19, s18;
	s22 =	sshrl.u32 s4, $0x1  }
0xb: {  	s19 =	simm.s32 $0x8100;
	s18 =	simm.s32 $0x8900;
	s8 =	sshrl.u32 s5, $0x3  }
0xc: {  	s10 =	sor.u32 $0x20, s5;
	s5 =	sshll.u32 s5, $0x7;
	s25 =	ssub.s32 s4, s22  }
0xd: {  	s4 =	sadd.s32 $0x182B00, s0;
	s22 =	simm.s32 $0x4;
	s11 =	sadd.s32 s6, s8  }
0xe: {  	s8 =	sadd.s32 s7, s8;
	s20 =	sadd.s32 s1, s5;
	[dreg:$0x3] =	wrdreg s11  }
0xf: {  	s21 =	sshrl.u32 s10, $0x3;
	s5 =	sadd.s32 s9, s5;
	[dreg:$0x4] =	wrdreg s8  }
0x10: {  	s24 =	sshll.u32 s10, $0x7;
	s10 =	simm.s32 $0x4900;
	[dreg:$0x5] =	wrdreg s20  }
0x11: {  	s6 =	sadd.s32 s6, s21;
	[dreg:$0x7] =	wrdreg s5;
	s23 =	sadd.s32 s7, s21  }
0x12: {  	s1 =	sadd.s32 s1, s24;
	s26 =	sadd.s32 s9, s24;
	s5 =	sadd.s32 $0x182C00, s0  }
0x13: {  	s7 =	smax.u32 s25, $0x1;
	s8 =	simm.s32 $0x5;
	s9 =	simm.s32 $0x1  }
0x14: {  	s20 =	simm.s32 $0x3;
	s21 =	simm.s32 $0x2;
	[dreg:$0x6] =	wrdreg s6  }
0x15: {  	v2 =	vlaneseq.u32;
	s24 =	simm.s32 $0x900;
	s25 =	simm.s32 $0x1100;
	[dreg:$0x8] =	wrdreg s23  }
0x16: {  	vm0 =	vmmov $0xffff;
	v1 =	vshrl.u32 v2, $0x3;
	s11 =	simm.s32 $0x5100;
	[dreg:$0x9] =	wrdreg s1;
	s6 =	sadd.s32 $0x182D00, s0  }
0x17: {  	v0 =	vand.u32 $0x7, v2;
	v2 =	vor.u32 $0x8, v2;
	v1 =	vmul.u32 $0x8, v1;
	[dreg:$0xa] =	wrdreg s26;
	s26 =	simm.s32 $0x100;
	s1 =	simm.s32 $0x4100  }
.LBB2_1:
0x18: {  	s23 =	rddreg [dreg:$0x3]  }
0x19: {  	[tilespmem:s2], [sflag:$0x5] =	stream.linear.gather [hbm4b:s23+s2], $0x20, $0x38;
	[tilespmem:$0x10100] =	vst v63  }
0x1a: {  	_ =	swait.ge [sflag:s8], $0x20  }
0x1b: {  	[sflag:s8] =	ssyncset.done $0x0  }
0x1c: {  	[sflag:s8] =	ssyncadd.s32 $0xFFFFFFE0  }
0x1d: {  	v3 =	vld [tilespmem:$0x0];
	_ =	sdelay $0x4  }
0x1e: {  	v4 =	vshll.u32 v3, $0x3  }
0x1f: {  	v3 =	vand.u32 $0x7, v3;
	v4 =	vand.u32 $0xFFFFFFC0, v4  }
0x20: {  	v3 =	vor.u32 v3, v4  }
0x21: {  	v4 =	vperm.xlane v3, v0;
	_ =	sdelay $0x1  }
0x22: {  	v4 =	vadd.s32 v1, v4;
	_ =	sdelay $0x4  }
0x23: {  	[tilespmem:s26], [sflag:$0x1] =	stream.indirect_vreg.gather [hbm4b:s3+s2], $0x80, v4, vm0, $0xb8;
	[tilespmem:$0x10100] =	vst v63  }
0x24: {  	v3 =	vperm.xlane v3, v2  }
0x25: {  	[tilespmem:s24], [sflag:$0x1] =	stream.indirect_vreg.gather [hbm4b:s4+s2], $0x80, v4, vm0, $0xb8;
	[tilespmem:$0x10100] =	vst v63  }
0x26: {  	v3 =	vadd.s32 v1, v3  }
0x27: {  	[tilespmem:s25], [sflag:$0x1] =	stream.indirect_vreg.gather [hbm4b:s5+s2], $0x80, v4, vm0, $0xb8;
	[tilespmem:$0x10100] =	vst v63  }
0x28: {  	_ = 	snop  }
0x29: {  	[tilespmem:s28], [sflag:$0x1] =	stream.indirect_vreg.gather [hbm4b:s6+s2], $0x80, v4, vm0, $0xb8;
	[tilespmem:$0x10100] =	vst v63  }
0x2a: {  	_ = 	snop  }
0x2b: {  	[tilespmem:s29], [sflag:$0x1] =	stream.indirect_vreg.gather [hbm4b:s3+s2], $0x80, v3, vm0, $0xb8;
	[tilespmem:$0x10100] =	vst v63  }
0x2c: {  	_ = 	snop  }
0x2d: {  	[tilespmem:s30], [sflag:$0x1] =	stream.indirect_vreg.gather [hbm4b:s4+s2], $0x80, v3, vm0, $0xb8;
	[tilespmem:$0x10100] =	vst v63  }
0x2e: {  	_ = 	snop  }
0x2f: {  	[tilespmem:s31], [sflag:$0x1] =	stream.indirect_vreg.gather [hbm4b:s5+s2], $0x80, v3, vm0, $0xb8;
	[tilespmem:$0x10100] =	vst v63  }
0x30: {  	s0 =	simm.s32 $0x3900  }
0x31: {  	[tilespmem:s0], [sflag:$0x1] =	stream.indirect_vreg.gather [hbm4b:s6+s2], $0x80, v3, vm0, $0xb8;
	[tilespmem:$0x10100] =	vst v63  }
0x32: {  	v3 =	vld [tilespmem:$0x10];
	_ =	sdelay $0x4  }
0x33: {  	v57 =	vshll.u32 v3, $0x3  }
0x34: {  	v3 =	vand.u32 $0x7, v3;
	v4 =	vand.u32 $0xFFFFFFC0, v57  }
0x35: {  	v3 =	vor.u32 v3, v4  }
0x36: {  	v4 =	vperm.xlane v3, v0;
	_ =	sdelay $0x1  }
0x37: {  	v4 =	vadd.s32 v1, v4;
	_ =	sdelay $0x4  }
0x38: {  	[tilespmem:s1], [sflag:$0x1] =	stream.indirect_vreg.gather [hbm4b:s3+s2], $0x80, v4, vm0, $0xb8;
	[tilespmem:$0x10100] =	vst v63  }
0x39: {  	v3 =	vperm.xlane v3, v2  }
0x3a: {  	[tilespmem:s10], [sflag:$0x1] =	stream.indirect_vreg.gather [hbm4b:s4+s2], $0x80, v4, vm0, $0xb8;
	[tilespmem:$0x10100] =	vst v63  }
0x3b: {  	v3 =	vadd.s32 v1, v3  }
0x3c: {  	[tilespmem:s11], [sflag:$0x1] =	stream.indirect_vreg.gather [hbm4b:s5+s2], $0x80, v4, vm0, $0xb8;
	[tilespmem:$0x10100] =	vst v63  }
0x3d: {  	_ = 	snop  }
0x3e: {  	[tilespmem:s12], [sflag:$0x1] =	stream.indirect_vreg.gather [hbm4b:s6+s2], $0x80, v4, vm0, $0xb8;
	[tilespmem:$0x10100] =	vst v63  }
0x3f: {  	_ = 	snop  }
0x40: {  	[tilespmem:s13], [sflag:$0x1] =	stream.indirect_vreg.gather [hbm4b:s3+s2], $0x80, v3, vm0, $0xb8;
	[tilespmem:$0x10100] =	vst v63  }
0x41: {  	_ = 	snop  }
0x42: {  	[tilespmem:s14], [sflag:$0x1] =	stream.indirect_vreg.gather [hbm4b:s4+s2], $0x80, v3, vm0, $0xb8;
	[tilespmem:$0x10100] =	vst v63  }
0x43: {  	_ = 	snop  }
0x44: {  	[tilespmem:s15], [sflag:$0x1] =	stream.indirect_vreg.gather [hbm4b:s5+s2], $0x80, v3, vm0, $0xb8;
	[tilespmem:$0x10100] =	vst v63  }
0x45: {  	_ = 	snop  }
0x46: {  	[tilespmem:s16], [sflag:$0x1] =	stream.indirect_vreg.gather [hbm4b:s6+s2], $0x80, v3, vm0, $0xb8;
	[tilespmem:$0x10100] =	vst v63  }
0x47: {  	s23 =	rddreg [dreg:$0x4]  }
0x48: {  	[tilespmem:s17], [sflag:$0x5] =	stream.linear.gather [hbm4b:s23+s2], $0x20, $0x38;
	[tilespmem:$0x10100] =	vst v63  }
0x49: {  	_ =	swait.ge [sflag:s8], $0x20  }
0x4a: {  	[sflag:s8] =	ssyncset.done $0x0  }
0x4b: {  	[sflag:s8] =	ssyncadd.s32 $0xFFFFFFE0  }
0x4c: {  	v3 =	vld [tilespmem:$0x80];
	_ =	sdelay $0x4  }
0x4d: {  	v58 =	vshll.u32 v3, $0x3  }
0x4e: {  	v3 =	vand.u32 $0x7, v3;
	v4 =	vand.u32 $0xFFFFFFC0, v58  }
0x4f: {  	v3 =	vor.u32 v3, v4  }
0x50: {  	v4 =	vperm.xlane v3, v0;
	_ =	sdelay $0x1  }
0x51: {  	v4 =	vadd.s32 v1, v4;
	_ =	sdelay $0x4  }
0x52: {  	[tilespmem:s19], [sflag:$0x2] =	stream.indirect_vreg.gather [hbm4b:s3+s2], $0x80, v4, vm0, $0xb8;
	[tilespmem:$0x10100] =	vst v63  }
0x53: {  	v3 =	vperm.xlane v3, v2  }
0x54: {  	[tilespmem:s18], [sflag:$0x2] =	stream.indirect_vreg.gather [hbm4b:s4+s2], $0x80, v4, vm0, $0xb8;
	[tilespmem:$0x10100] =	vst v63  }
0x55: {  	s23 =	simm.s32 $0x9100;
	v3 =	vadd.s32 v1, v3  }
0x56: {  	[tilespmem:s23], [sflag:$0x2] =	stream.indirect_vreg.gather [hbm4b:s5+s2], $0x80, v4, vm0, $0xb8;
	[tilespmem:$0x10100] =	vst v63  }
0x57: {  	s23 =	simm.s32 $0x9900  }
0x58: {  	[tilespmem:s23], [sflag:$0x2] =	stream.indirect_vreg.gather [hbm4b:s6+s2], $0x80, v4, vm0, $0xb8;
	[tilespmem:$0x10100] =	vst v63  }
0x59: {  	s23 =	simm.s32 $0xA100  }
0x5a: {  	[tilespmem:s23], [sflag:$0x2] =	stream.indirect_vreg.gather [hbm4b:s3+s2], $0x80, v3, vm0, $0xb8;
	[tilespmem:$0x10100] =	vst v63  }
0x5b: {  	s23 =	simm.s32 $0xA900  }
0x5c: {  	[tilespmem:s23], [sflag:$0x2] =	stream.indirect_vreg.gather [hbm4b:s4+s2], $0x80, v3, vm0, $0xb8;
	[tilespmem:$0x10100] =	vst v63  }
0x5d: {  	s23 =	simm.s32 $0xB100  }
0x5e: {  	[tilespmem:s23], [sflag:$0x2] =	stream.indirect_vreg.gather [hbm4b:s5+s2], $0x80, v3, vm0, $0xb8;
	[tilespmem:$0x10100] =	vst v63  }
0x5f: {  	s23 =	simm.s32 $0xB900  }
0x60: {  	[tilespmem:s23], [sflag:$0x2] =	stream.indirect_vreg.gather [hbm4b:s6+s2], $0x80, v3, vm0, $0xb8;
	[tilespmem:$0x10100] =	vst v63  }
0x61: {  	v3 =	vld [tilespmem:$0x90];
	_ =	sdelay $0x4  }
0x62: {  	v59 =	vshll.u32 v3, $0x3  }
0x63: {  	v3 =	vand.u32 $0x7, v3;
	v4 =	vand.u32 $0xFFFFFFC0, v59  }
0x64: {  	v3 =	vor.u32 v3, v4  }
0x65: {  	v4 =	vperm.xlane v3, v0;
	_ =	sdelay $0x1  }
0x66: {  	v4 =	vadd.s32 v1, v4;
	_ =	sdelay $0x3  }
0x67: {  	s23 =	simm.s32 $0xC100  }
0x68: {  	[tilespmem:s23], [sflag:$0x2] =	stream.indirect_vreg.gather [hbm4b:s3+s2], $0x80, v4, vm0, $0xb8;
	[tilespmem:$0x10100] =	vst v63  }
0x69: {  	v3 =	vperm.xlane v3, v2;
	s23 =	simm.s32 $0xC900  }
0x6a: {  	[tilespmem:s23], [sflag:$0x2] =	stream.indirect_vreg.gather [hbm4b:s4+s2], $0x80, v4, vm0, $0xb8;
	[tilespmem:$0x10100] =	vst v63  }
0x6b: {  	v3 =	vadd.s32 v1, v3;
	s23 =	simm.s32 $0xD100  }
0x6c: {  	[tilespmem:s23], [sflag:$0x2] =	stream.indirect_vreg.gather [hbm4b:s5+s2], $0x80, v4, vm0, $0xb8;
	[tilespmem:$0x10100] =	vst v63  }
0x6d: {  	s23 =	simm.s32 $0xD900  }
0x6e: {  	[tilespmem:s23], [sflag:$0x2] =	stream.indirect_vreg.gather [hbm4b:s6+s2], $0x80, v4, vm0, $0xb8;
	[tilespmem:$0x10100] =	vst v63  }
0x6f: {  	s23 =	simm.s32 $0xE100  }
0x70: {  	[tilespmem:s23], [sflag:$0x2] =	stream.indirect_vreg.gather [hbm4b:s3+s2], $0x80, v3, vm0, $0xb8;
	[tilespmem:$0x10100] =	vst v63  }
0x71: {  	s23 =	simm.s32 $0xE900  }
0x72: {  	[tilespmem:s23], [sflag:$0x2] =	stream.indirect_vreg.gather [hbm4b:s4+s2], $0x80, v3, vm0, $0xb8;
	[tilespmem:$0x10100] =	vst v63  }
0x73: {  	s23 =	simm.s32 $0xF100  }
0x74: {  	[tilespmem:s23], [sflag:$0x2] =	stream.indirect_vreg.gather [hbm4b:s5+s2], $0x80, v3, vm0, $0xb8;
	[tilespmem:$0x10100] =	vst v63  }
0x75: {  	s23 =	simm.s32 $0xF900  }
0x76: {  	[tilespmem:s23], [sflag:$0x2] =	stream.indirect_vreg.gather [hbm4b:s6+s2], $0x80, v3, vm0, $0xb8;
	[tilespmem:$0x10100] =	vst v63  }
0x77: {  	_ =	swait.ge [sflag:s9], $0x8000  }
0x78: {  	[sflag:s9] =	ssyncset.done $0x0  }
0x79: {  	s23 =	rddreg [dreg:$0x5];
	[sflag:s9] =	ssyncadd.s32 $0xFFFF8000  }
0x7a: {  	[hbm4b:s23+s2] =	stream.linear.scatter [tilespmem:s26], [sflag:$0x3], $0x8000, $0x38;
	[tilespmem:$0x10100] =	vst v63  }
0x7b: {  	_ =	swait.ge [sflag:s20], $0x8000  }
0x7c: {  	[sflag:s20] =	ssyncset.done $0x0  }
0x7d: {  	s23 =	rddreg [dreg:$0x6];
	[sflag:s20] =	ssyncadd.s32 $0xFFFF8000  }
0x7e: {  	[tilespmem:s2], [sflag:$0x5] =	stream.linear.gather [hbm4b:s23+s2], $0x20, $0x38;
	[tilespmem:$0x10100] =	vst v63  }
0x7f: {  	_ =	swait.ge [sflag:s8], $0x20  }
0x80: {  	[sflag:s8] =	ssyncset.done $0x0  }
0x81: {  	[sflag:s8] =	ssyncadd.s32 $0xFFFFFFE0  }
0x82: {  	v3 =	vld [tilespmem:$0x0];
	_ =	sdelay $0x4  }
0x83: {  	v60 =	vshll.u32 v3, $0x3  }
0x84: {  	v3 =	vand.u32 $0x7, v3;
	v4 =	vand.u32 $0xFFFFFFC0, v60  }
0x85: {  	v3 =	vor.u32 v3, v4  }
0x86: {  	v4 =	vperm.xlane v3, v0;
	_ =	sdelay $0x1  }
0x87: {  	v4 =	vadd.s32 v1, v4;
	_ =	sdelay $0x4  }
0x88: {  	[tilespmem:s26], [sflag:$0x1] =	stream.indirect_vreg.gather [hbm4b:s3+s2], $0x80, v4, vm0, $0xb8;
	[tilespmem:$0x10100] =	vst v63  }
0x89: {  	v3 =	vperm.xlane v3, v2  }
0x8a: {  	[tilespmem:s24], [sflag:$0x1] =	stream.indirect_vreg.gather [hbm4b:s4+s2], $0x80, v4, vm0, $0xb8;
	[tilespmem:$0x10100] =	vst v63  }
0x8b: {  	v3 =	vadd.s32 v1, v3  }
0x8c: {  	[tilespmem:s25], [sflag:$0x1] =	stream.indirect_vreg.gather [hbm4b:s5+s2], $0x80, v4, vm0, $0xb8;
	[tilespmem:$0x10100] =	vst v63  }
0x8d: {  	_ = 	snop  }
0x8e: {  	[tilespmem:s28], [sflag:$0x1] =	stream.indirect_vreg.gather [hbm4b:s6+s2], $0x80, v4, vm0, $0xb8;
	[tilespmem:$0x10100] =	vst v63  }
0x8f: {  	_ = 	snop  }
0x90: {  	[tilespmem:s29], [sflag:$0x1] =	stream.indirect_vreg.gather [hbm4b:s3+s2], $0x80, v3, vm0, $0xb8;
	[tilespmem:$0x10100] =	vst v63  }
0x91: {  	_ = 	snop  }
0x92: {  	[tilespmem:s30], [sflag:$0x1] =	stream.indirect_vreg.gather [hbm4b:s4+s2], $0x80, v3, vm0, $0xb8;
	[tilespmem:$0x10100] =	vst v63  }
0x93: {  	_ = 	snop  }
0x94: {  	[tilespmem:s31], [sflag:$0x1] =	stream.indirect_vreg.gather [hbm4b:s5+s2], $0x80, v3, vm0, $0xb8;
	[tilespmem:$0x10100] =	vst v63  }
0x95: {  	_ = 	snop  }
0x96: {  	[tilespmem:s0], [sflag:$0x1] =	stream.indirect_vreg.gather [hbm4b:s6+s2], $0x80, v3, vm0, $0xb8;
	[tilespmem:$0x10100] =	vst v63  }
0x97: {  	v3 =	vld [tilespmem:$0x10];
	_ =	sdelay $0x4  }
0x98: {  	v61 =	vshll.u32 v3, $0x3  }
0x99: {  	v3 =	vand.u32 $0x7, v3;
	v4 =	vand.u32 $0xFFFFFFC0, v61  }
0x9a: {  	v3 =	vor.u32 v3, v4  }
0x9b: {  	v4 =	vperm.xlane v3, v0;
	_ =	sdelay $0x1  }
0x9c: {  	v4 =	vadd.s32 v1, v4;
	_ =	sdelay $0x4  }
0x9d: {  	[tilespmem:s1], [sflag:$0x1] =	stream.indirect_vreg.gather [hbm4b:s3+s2], $0x80, v4, vm0, $0xb8;
	[tilespmem:$0x10100] =	vst v63  }
0x9e: {  	v3 =	vperm.xlane v3, v2  }
0x9f: {  	[tilespmem:s10], [sflag:$0x1] =	stream.indirect_vreg.gather [hbm4b:s4+s2], $0x80, v4, vm0, $0xb8;
	[tilespmem:$0x10100] =	vst v63  }
0xa0: {  	v3 =	vadd.s32 v1, v3  }
0xa1: {  	[tilespmem:s11], [sflag:$0x1] =	stream.indirect_vreg.gather [hbm4b:s5+s2], $0x80, v4, vm0, $0xb8;
	[tilespmem:$0x10100] =	vst v63  }
0xa2: {  	_ = 	snop  }
0xa3: {  	[tilespmem:s12], [sflag:$0x1] =	stream.indirect_vreg.gather [hbm4b:s6+s2], $0x80, v4, vm0, $0xb8;
	[tilespmem:$0x10100] =	vst v63  }
0xa4: {  	_ = 	snop  }
0xa5: {  	[tilespmem:s13], [sflag:$0x1] =	stream.indirect_vreg.gather [hbm4b:s3+s2], $0x80, v3, vm0, $0xb8;
	[tilespmem:$0x10100] =	vst v63  }
0xa6: {  	_ = 	snop  }
0xa7: {  	[tilespmem:s14], [sflag:$0x1] =	stream.indirect_vreg.gather [hbm4b:s4+s2], $0x80, v3, vm0, $0xb8;
	[tilespmem:$0x10100] =	vst v63  }
0xa8: {  	_ = 	snop  }
0xa9: {  	[tilespmem:s15], [sflag:$0x1] =	stream.indirect_vreg.gather [hbm4b:s5+s2], $0x80, v3, vm0, $0xb8;
	[tilespmem:$0x10100] =	vst v63  }
0xaa: {  	_ = 	snop  }
0xab: {  	[tilespmem:s16], [sflag:$0x1] =	stream.indirect_vreg.gather [hbm4b:s6+s2], $0x80, v3, vm0, $0xb8;
	[tilespmem:$0x10100] =	vst v63  }
0xac: {  	_ =	swait.ge [sflag:s21], $0x8000  }
0xad: {  	[sflag:s21] =	ssyncset.done $0x0  }
0xae: {  	s0 =	rddreg [dreg:$0x7];
	[sflag:s21] =	ssyncadd.s32 $0xFFFF8000  }
0xaf: {  	[hbm4b:s0+s2] =	stream.linear.scatter [tilespmem:s19], [sflag:$0x4], $0x8000, $0x38;
	[tilespmem:$0x10100] =	vst v63  }
0xb0: {  	_ =	swait.ge [sflag:s22], $0x8000  }
0xb1: {  	[sflag:s22] =	ssyncset.done $0x0  }
0xb2: {  	s0 =	rddreg [dreg:$0x8];
	[sflag:s22] =	ssyncadd.s32 $0xFFFF8000  }
0xb3: {  	[tilespmem:s17], [sflag:$0x5] =	stream.linear.gather [hbm4b:s0+s2], $0x20, $0x38;
	[tilespmem:$0x10100] =	vst v63  }
0xb4: {  	_ =	swait.ge [sflag:s8], $0x20  }
0xb5: {  	[sflag:s8] =	ssyncset.done $0x0  }
0xb6: {  	[sflag:s8] =	ssyncadd.s32 $0xFFFFFFE0  }
0xb7: {  	v3 =	vld [tilespmem:$0x80];
	_ =	sdelay $0x4  }
0xb8: {  	v62 =	vshll.u32 v3, $0x3  }
0xb9: {  	v3 =	vand.u32 $0x7, v3;
	v4 =	vand.u32 $0xFFFFFFC0, v62  }
0xba: {  	v3 =	vor.u32 v3, v4  }
0xbb: {  	v4 =	vperm.xlane v3, v0;
	_ =	sdelay $0x1  }
0xbc: {  	v4 =	vadd.s32 v1, v4;
	_ =	sdelay $0x4  }
0xbd: {  	[tilespmem:s19], [sflag:$0x2] =	stream.indirect_vreg.gather [hbm4b:s3+s2], $0x80, v4, vm0, $0xb8;
	[tilespmem:$0x10100] =	vst v63  }
0xbe: {  	v3 =	vperm.xlane v3, v2  }
0xbf: {  	[tilespmem:s18], [sflag:$0x2] =	stream.indirect_vreg.gather [hbm4b:s4+s2], $0x80, v4, vm0, $0xb8;
	[tilespmem:$0x10100] =	vst v63  }
0xc0: {  	s23 =	simm.s32 $0x9100;
	v3 =	vadd.s32 v1, v3  }
0xc1: {  	[tilespmem:s23], [sflag:$0x2] =	stream.indirect_vreg.gather [hbm4b:s5+s2], $0x80, v4, vm0, $0xb8;
	[tilespmem:$0x10100] =	vst v63  }
0xc2: {  	s23 =	simm.s32 $0x9900  }
0xc3: {  	[tilespmem:s23], [sflag:$0x2] =	stream.indirect_vreg.gather [hbm4b:s6+s2], $0x80, v4, vm0, $0xb8;
	[tilespmem:$0x10100] =	vst v63  }
0xc4: {  	s23 =	simm.s32 $0xA100  }
0xc5: {  	[tilespmem:s23], [sflag:$0x2] =	stream.indirect_vreg.gather [hbm4b:s3+s2], $0x80, v3, vm0, $0xb8;
	[tilespmem:$0x10100] =	vst v63  }
0xc6: {  	s23 =	simm.s32 $0xA900  }
0xc7: {  	[tilespmem:s23], [sflag:$0x2] =	stream.indirect_vreg.gather [hbm4b:s4+s2], $0x80, v3, vm0, $0xb8;
	[tilespmem:$0x10100] =	vst v63  }
0xc8: {  	s23 =	simm.s32 $0xB100  }
0xc9: {  	[tilespmem:s23], [sflag:$0x2] =	stream.indirect_vreg.gather [hbm4b:s5+s2], $0x80, v3, vm0, $0xb8;
	[tilespmem:$0x10100] =	vst v63  }
0xca: {  	s23 =	simm.s32 $0xB900  }
0xcb: {  	[tilespmem:s23], [sflag:$0x2] =	stream.indirect_vreg.gather [hbm4b:s6+s2], $0x80, v3, vm0, $0xb8;
	[tilespmem:$0x10100] =	vst v63  }
0xcc: {  	v3 =	vld [tilespmem:$0x90];
	_ =	sdelay $0x4  }
0xcd: {  	v63 =	vshll.u32 v3, $0x3  }
0xce: {  	v3 =	vand.u32 $0x7, v3;
	v4 =	vand.u32 $0xFFFFFFC0, v63  }
0xcf: {  	v3 =	vor.u32 v3, v4  }
0xd0: {  	v4 =	vperm.xlane v3, v0;
	_ =	sdelay $0x1  }
0xd1: {  	v4 =	vadd.s32 v1, v4;
	_ =	sdelay $0x3  }
0xd2: {  	s23 =	simm.s32 $0xC100  }
0xd3: {  	[tilespmem:s23], [sflag:$0x2] =	stream.indirect_vreg.gather [hbm4b:s3+s2], $0x80, v4, vm0, $0xb8;
	[tilespmem:$0x10100] =	vst v63  }
0xd4: {  	v3 =	vperm.xlane v3, v2;
	s23 =	simm.s32 $0xC900  }
0xd5: {  	[tilespmem:s23], [sflag:$0x2] =	stream.indirect_vreg.gather [hbm4b:s4+s2], $0x80, v4, vm0, $0xb8;
	[tilespmem:$0x10100] =	vst v63  }
0xd6: {  	v3 =	vadd.s32 v1, v3;
	s23 =	simm.s32 $0xD100  }
0xd7: {  	[tilespmem:s23], [sflag:$0x2] =	stream.indirect_vreg.gather [hbm4b:s5+s2], $0x80, v4, vm0, $0xb8;
	[tilespmem:$0x10100] =	vst v63  }
0xd8: {  	s23 =	simm.s32 $0xD900  }
0xd9: {  	[tilespmem:s23], [sflag:$0x2] =	stream.indirect_vreg.gather [hbm4b:s6+s2], $0x80, v4, vm0, $0xb8;
	[tilespmem:$0x10100] =	vst v63  }
0xda: {  	s23 =	simm.s32 $0xE100  }
0xdb: {  	[tilespmem:s23], [sflag:$0x2] =	stream.indirect_vreg.gather [hbm4b:s3+s2], $0x80, v3, vm0, $0xb8;
	[tilespmem:$0x10100] =	vst v63  }
0xdc: {  	s23 =	simm.s32 $0xE900  }
0xdd: {  	[tilespmem:s23], [sflag:$0x2] =	stream.indirect_vreg.gather [hbm4b:s4+s2], $0x80, v3, vm0, $0xb8;
	[tilespmem:$0x10100] =	vst v63  }
0xde: {  	s23 =	simm.s32 $0xF100  }
0xdf: {  	[tilespmem:s23], [sflag:$0x2] =	stream.indirect_vreg.gather [hbm4b:s5+s2], $0x80, v3, vm0, $0xb8;
	[tilespmem:$0x10100] =	vst v63  }
0xe0: {  	s23 =	simm.s32 $0xF900  }
0xe1: {  	[tilespmem:s23], [sflag:$0x2] =	stream.indirect_vreg.gather [hbm4b:s6+s2], $0x80, v3, vm0, $0xb8;
	[tilespmem:$0x10100] =	vst v63  }
0xe2: {  	_ =	swait.ge [sflag:s9], $0x8000  }
0xe3: {  	[sflag:s9] =	ssyncset.done $0x0  }
0xe4: {  	s0 =	rddreg [dreg:$0x9];
	[sflag:s9] =	ssyncadd.s32 $0xFFFF8000  }
0xe5: {  	[hbm4b:s0+s2] =	stream.linear.scatter [tilespmem:s26], [sflag:$0x3], $0x8000, $0x38;
	[tilespmem:$0x10100] =	vst v63  }
0xe6: {  	_ =	swait.ge [sflag:s21], $0x8000  }
0xe7: {  	[sflag:s21] =	ssyncset.done $0x0  }
0xe8: {  	s0 =	rddreg [dreg:$0xa];
	[sflag:s21] =	ssyncadd.s32 $0xFFFF8000  }
0xe9: {  	[hbm4b:s0+s2] =	stream.linear.scatter [tilespmem:s19], [sflag:$0x4], $0x8000, $0x38;
	[tilespmem:$0x10100] =	vst v63  }
0xea: {  	p0 =	sne.s32 s7, $0x1;
	_ =	swait.ge [sflag:s20], $0x8000  }
.Ltmp0:
0xeb: {  	[sflag:s20] =	ssyncset.done $0x0;
	(pc) =	sbr.rel @p0 .LBB2_1-.Ltmp0, $4  }
0xec: {  	[sflag:s20] =	ssyncadd.s32 $0xFFFF8000  }
0xed: {  	_ =	swait.ge [sflag:s22], $0x8000  }
0xee: {  	[sflag:s22] =	ssyncset.done $0x0  }
0xef: {  	s7 =	sadd.s32 $0xFFFFFFFF, s7;
	[sflag:s22] =	ssyncadd.s32 $0xFFFF8000  }
0xf0: {  	_ =	sfence.sel $0x180000  }
0xf1: {  	[bflag:$0x0] =	sbarrier.arrive $0xFFFF  }
0xf2: {  	_ =	strace $0x9000004D  }
0xf3: {  	s0 =	stileid.u32;
	[bflag:$0x2] =	sbarrier.arrive $0xFFFF  }
0xf4: {  	p0 =	sne.s32 s0, $0x0;
	s0 =	rddreg [dreg:$0x2]  }
0xf5: {  	s0 =	sadd.s32 @!p0 $0x100000, s0  }
0xf6: {  	[sflag:s0] =	ssyncadd.tile.s32 @!p0 $0x1;
	_ =	shalt  }
.Lfunc_end2:
_tile_overlayer_lowered:
.L_overlay_start_2:
0xf7: {  	(tag) =	ssettag $0x2  }
0xf8: {  	s0 =	rddreg [dreg:$0x0];
	s2 =	stileid.u32  }
0xf9: {  	s1 =	rddreg [dreg:$0x1];
	p0 =	sne.s32 s2, $0x0  }
0xfa: {  	s3 =	rddreg [dreg:$0x2];
	[bflag:$0x3] =	sbarrier.arrive $0xFFFF;
	s2 =	simm.s32 @!p0 $0x1C05  }
0xfb: {  	[timem:s3], [sflag:s2] =	dma.local @!p0 [hbm:s0], s1  }
0xfc: {  	s0 =	simm.s32 @!p0 $0x5  }
0xfd: {  	_ =	swait.ge @!p0 [sflag:s0], s1  }
0xfe: {  	s1 =	ssub.s32 @!p0 $0x0, s1;
	[sflag:s0] =	ssyncset.done @!p0 $0x0  }
0xff: {  	[sflag:s0] =	ssyncadd.s32 @!p0 s1  }
0x100: {  	[bflag:$0x3] =	sbarrier.arrive $0xFFFF  }
0x101: {  	_ =	shalt  }

</sc_bundles>
